<compile_context>
chip_gen: v7x
topology: tpu7x:2x2x1
jax: 0.10.2.dev20260603
libtpu: 0.0.44.dev20260713+nightly
codegen_flags: <defaults>
</compile_context>

<pallas_src>
import jax
import jax.numpy as jnp
from jax import lax
from jax.experimental import pallas as pl
from jax.experimental.pallas import tpu as pltpu
from jax.experimental.pallas import tpu_sc as plsc

NUM_INPUTS = 512
NUM_COMPUTED = 4096
NUM_OUTPUTS = 128
FAN_IN = 64
SCALE = 4.9
N_UNITS = NUM_INPUTS + 1 + NUM_COMPUTED
CARRY_PAD = 4624
CHUNK = 256
N_CHUNKS = NUM_COMPUTED // CHUNK
GROUPS = CHUNK // 16
N_GROUPS = NUM_COMPUTED // 16
OUT_BASE = NUM_INPUTS + 1 + (NUM_COMPUTED - NUM_OUTPUTS)
CELEMS = CHUNK * FAN_IN


def _body(x_hbm, w_hbm, idx_hbm, mg_hbm, out_hbm,
          carry, w_a, idx_a, w_b, idx_b, mg_v, st,
          sem_wa, sem_ia, sem_wb, sem_ib):
    wid = lax.axis_index("s") * 2 + lax.axis_index("c")

    @pl.when(wid == 0)
    def _():
        lane = jnp.arange(16, dtype=jnp.int32)
        ones = jnp.ones((16,), jnp.float32)

        def start_load(c, w_buf, idx_buf, w_sem, i_sem):
            off = c * CELEMS
            pltpu.make_async_copy(
                w_hbm.at[pl.ds(off, CELEMS)], w_buf, w_sem).start()
            pltpu.make_async_copy(
                idx_hbm.at[pl.ds(off, CELEMS)], idx_buf, i_sem).start()

        def wait_load(w_buf, idx_buf, w_sem, i_sem):
            pltpu.make_async_copy(
                w_hbm.at[pl.ds(0, CELEMS)], w_buf, w_sem).wait()
            pltpu.make_async_copy(
                idx_hbm.at[pl.ds(0, CELEMS)], idx_buf, i_sem).wait()

        start_load(0, w_a, idx_a, sem_wa, sem_ia)
        pltpu.sync_copy(mg_hbm, mg_v)
        pltpu.sync_copy(x_hbm, carry.at[pl.ds(0, NUM_INPUTS)])

        def init_ones(i, _):
            carry[pl.ds(NUM_INPUTS + 16 * i, 16)] = ones
            return _

        lax.fori_loop(0, (CARRY_PAD - NUM_INPUTS) // 16, init_ones, 0)

        def make_group_step(w_v, idx_v):
            def group_step(g, state):
                pos, gg = state
                goff = g * (16 * FAN_IN)
                posv = pos + lane

                nacc = 4
                accs = [jnp.zeros((16,), jnp.float32) for _ in range(nacc)]
                for k in range(FAN_IN):
                    iv = idx_v[pl.ds(goff + 16 * k, 16)]
                    wv = w_v[pl.ds(goff + 16 * k, 16)]
                    vals = plsc.load_gather(carry, [iv])
                    wm = jnp.where(iv < pos, wv, 0.0)
                    accs[k % nacc] = accs[k % nacc] + vals * wm
                acc_ext = (accs[0] + accs[1]) + (accs[2] + accs[3])

                val = 1.0 / (1.0 + jnp.exp(-SCALE * acc_ext))
                plsc.store_scatter(carry, [posv], val)

                gbase = (gg // 16) * 16
                mgs = mg_v[pl.ds(gbase, 16)]
                m_g = jnp.sum(jnp.where(lane == gg - gbase, mgs, 0))
                tail0 = goff + 16 * FAN_IN - 16 * m_g

                def fix_body(d):
                    vcur = plsc.load_gather(carry, [posv])

                    def tail_term(j, a):
                        iv = idx_v[pl.ds(tail0 + 16 * j, 16)]
                        wv = w_v[pl.ds(tail0 + 16 * j, 16)]
                        vals = plsc.load_gather(carry, [iv])
                        vals = jnp.where(iv < posv, vals, 1.0)
                        return a + jnp.where(iv >= pos, vals * wv, 0.0)

                    acc = lax.fori_loop(0, m_g, tail_term, acc_ext)
                    vnew = 1.0 / (1.0 + jnp.exp(-SCALE * acc))
                    plsc.store_scatter(carry, [posv], vnew)
                    return jnp.sum((vnew != vcur).astype(jnp.int32))

                lax.while_loop(lambda d: d > 0, fix_body, m_g)
                return pos + 16, gg + 1

            return group_step

        step_a = make_group_step(w_a, idx_a)
        step_b = make_group_step(w_b, idx_b)

        def pair_step(p, state):
            c = 2 * p
            wait_load(w_a, idx_a, sem_wa, sem_ia)
            start_load(c + 1, w_b, idx_b, sem_wb, sem_ib)
            state = lax.fori_loop(0, GROUPS, step_a, state)
            wait_load(w_b, idx_b, sem_wb, sem_ib)

            @pl.when(p + 1 < N_CHUNKS // 2)
            def _():
                start_load(c + 2, w_a, idx_a, sem_wa, sem_ia)

            return lax.fori_loop(0, GROUPS, step_b, state)

        lax.fori_loop(0, N_CHUNKS // 2, pair_step, (NUM_INPUTS + 1, 0))

        for i in range(NUM_OUTPUTS // 16):
            iv = jnp.full((16,), OUT_BASE + 16 * i, jnp.int32) + lane
            st[pl.ds(16 * i, 16)] = plsc.load_gather(carry, [iv])
        pltpu.sync_copy(st, out_hbm)


@jax.jit
def kernel(x, W, input_ids):
    mesh = plsc.VectorSubcoreMesh(core_axis_name="c", subcore_axis_name="s")
    run = pl.kernel(
        _body,
        out_type=jax.ShapeDtypeStruct((NUM_OUTPUTS,), jnp.float32),
        mesh=mesh,
        scratch_types=[
            pltpu.VMEM((CARRY_PAD,), jnp.float32),
            pltpu.VMEM((CELEMS,), jnp.float32),
            pltpu.VMEM((CELEMS,), jnp.int32),
            pltpu.VMEM((CELEMS,), jnp.float32),
            pltpu.VMEM((CELEMS,), jnp.int32),
            pltpu.VMEM((N_GROUPS,), jnp.int32),
            pltpu.VMEM((NUM_OUTPUTS,), jnp.float32),
            pltpu.SemaphoreType.DMA,
            pltpu.SemaphoreType.DMA,
            pltpu.SemaphoreType.DMA,
            pltpu.SemaphoreType.DMA,
        ],
        compiler_params=pltpu.CompilerParams(needs_layout_passes=False),
    )
    group_base = (
        NUM_INPUTS + 1 + (jnp.arange(NUM_COMPUTED, dtype=jnp.int32) // 16) * 16
    )
    internal = input_ids >= group_base[:, None]
    _, idx_p, w_p = lax.sort(
        (internal.astype(jnp.int32), input_ids, W),
        dimension=1, num_keys=1, is_stable=True)
    n_int = jnp.sum(internal.astype(jnp.int32), axis=1)
    mg = jnp.max(n_int.reshape(N_GROUPS, 16), axis=1)

    wT = w_p.reshape(-1, 16, FAN_IN).transpose(0, 2, 1).reshape(-1)
    idxT = idx_p.reshape(-1, 16, FAN_IN).transpose(0, 2, 1).reshape(-1)
    out = run(x.reshape(-1), wT, idxT, mg)
    return out[None, :]

# --- scband reference (transcript-rebuilt; emitter-appended) ---
"""Pipeline reference for scband-feed-forward-net-79877801771243 (READ-ONLY COPY).

The authoritative reference and input builder live on the scoring server;
editing this copy changes nothing except your own understanding.
"""

import jax, jax.numpy as jnp
import numpy as np

NUM_INPUTS = 512
NUM_HIDDEN = 3968
NUM_OUTPUTS = 128
FAN_IN = 64
SCALE = 4.9
NUM_COMPUTED = NUM_HIDDEN + NUM_OUTPUTS  # hidden + output units, topologically ordered
N_UNITS = NUM_INPUTS + 1 + NUM_COMPUTED  # inputs + bias + computed


def setup_inputs(seed: int = 0) -> dict:
    key = jax.random.key(seed)
    k1, k2, k3 = jax.random.split(key, 3)
    # forward input: x[1, NUM_INPUTS]
    x = jax.random.normal(k1, (1, NUM_INPUTS), dtype=jnp.float32)
    # learned per-unit linear weights (nn.Linear(num_in, 1, bias=False) per unit)
    W = jax.random.normal(k2, (NUM_COMPUTED, FAN_IN), dtype=jnp.float32) * (1.0 / np.sqrt(FAN_IN))
    # genome connectivity: each computed unit at position p = NUM_INPUTS+1+j reads FAN_IN
    # earlier entries of the output tensor (indices in [0, p)), guaranteeing a valid DAG.
    max_idx = (NUM_INPUTS + 1 + jnp.arange(NUM_COMPUTED)).astype(jnp.float32)
    u = jax.random.uniform(k3, (NUM_COMPUTED, FAN_IN))
    input_ids = jnp.floor(u * max_idx[:, None]).astype(jnp.int32)
    return {"x": x, "W": W, "input_ids": input_ids}


def reference(x, W, input_ids):
    # output_tensor = cat(index_select(x, input_indices), ones(extras_len))
    inputs = x[0]  # input_indices = arange(NUM_INPUTS)
    extras = jnp.ones((1 + NUM_COMPUTED,), dtype=x.dtype)  # bias + hidden + output, init 1
    output_tensor = jnp.concatenate([inputs, extras])  # [N_UNITS]
    positions = NUM_INPUTS + 1 + jnp.arange(NUM_COMPUTED, dtype=jnp.int32)

    def step(carry, inps):
        pos, idx, w = inps
        in_vec = carry[idx]  # torch.index_select(output_tensor, 1, inputs_ids)
        val = jax.nn.sigmoid(SCALE * jnp.dot(in_vec, w))  # activation(SCALE_ACTIVATION * linear(in_vec))
        carry = carry.at[pos].set(val)  # output_tensor[0][unit_index] = ...
        return carry, None

    final, _ = jax.lax.scan(step, output_tensor, (positions, input_ids, W))
    out_idx = positions[-NUM_OUTPUTS:]  # output units are the last NUM_OUTPUTS computed units
    return final[out_idx][None, :]  # torch.index_select(output_tensor, 1, output_indices)

if __name__ == "__main__":
    import jax
    _d = setup_inputs()
    print(jax.jit(kernel)(*tuple(_d.values())))

</pallas_src>

<mosaic_0001>
#map = affine_map<(d0, d1) -> (0)>
module attributes {stable_mosaic.version = 14 : i64} {
  func.func @_body(%arg0: i32, %arg1: i32, %arg2: memref<512xf32, #tpu.memory_space<hbm>>, %arg3: memref<262144xf32, #tpu.memory_space<hbm>>, %arg4: memref<262144xi32, #tpu.memory_space<hbm>>, %arg5: memref<256xi32, #tpu.memory_space<hbm>>, %arg6: memref<128xf32, #tpu.memory_space<hbm>>, %arg7: memref<4624xf32, #tpu.memory_space<vmem>>, %arg8: memref<16384xf32, #tpu.memory_space<vmem>>, %arg9: memref<16384xi32, #tpu.memory_space<vmem>>, %arg10: memref<16384xf32, #tpu.memory_space<vmem>>, %arg11: memref<16384xi32, #tpu.memory_space<vmem>>, %arg12: memref<256xi32, #tpu.memory_space<vmem>>, %arg13: memref<128xf32, #tpu.memory_space<vmem>>, %arg14: memref<!tpu.dma_semaphore, #tpu.memory_space<semaphore_mem>>, %arg15: memref<!tpu.dma_semaphore, #tpu.memory_space<semaphore_mem>>, %arg16: memref<!tpu.dma_semaphore, #tpu.memory_space<semaphore_mem>>, %arg17: memref<!tpu.dma_semaphore, #tpu.memory_space<semaphore_mem>>) attributes {dimension_semantics = [#tpu.dimension_semantics<core_parallel>, #tpu.dimension_semantics<subcore_parallel>], iteration_bounds = array<i64: 2, 16>, scalar_prefetch = 0 : i64, scratch_operands = 11 : i64, tpu.core_type = #tpu.core_type<sc_vector_subcore>, window_params = [{transform_indices = #map}, {transform_indices = #map}, {transform_indices = #map}, {transform_indices = #map}, {transform_indices = #map}]} {
    %mul3A = arith.constant 2 : i32
    %mul3A_0 = arith.muli %arg1, %mul3A : i32
    %add3A = arith.addi %mul3A_0, %arg0 : i32
    %eq3A = arith.constant 0 : i32
    %eq3A_1 = arith.cmpi eq, %add3A, %eq3A : i32
    %convert_element_type3A = arith.extui %eq3A_1 : i1 to i32
    %cond3A = arith.constant 0 : i32
    %cond3A_2 = arith.cmpi ne, %convert_element_type3A, %cond3A : i32
    scf.if %cond3A_2 {
      %iota3A = tpu.iota {dimensions = array<i32: 0>} : vector<16xi32>
      %broadcast_in_dim3A = arith.constant 1.000000e+00 : f32
      %broadcast_in_dim3A_3 = vector.broadcast %broadcast_in_dim3A : f32 to vector<16xf32>
      %dma_start3A = arith.constant 0 : i32
      %dma_start3A_4 = tpu.memref_slice %arg3[%dma_start3A] : memref<262144xf32, #tpu.memory_space<hbm>> -> memref<16384xf32, #tpu.memory_space<hbm>>
      %dma_start3A_5 = arith.constant 0 : i32
      %dma_start3A_6 = tpu.memref_slice %arg3[%dma_start3A_5] : memref<262144xf32, #tpu.memory_space<hbm>> -> memref<16384xf32, #tpu.memory_space<hbm>>
      tpu.enqueue_dma source(%dma_start3A_6 : memref<16384xf32, #tpu.memory_space<hbm>>) target(%arg8 : memref<16384xf32, #tpu.memory_space<vmem>>) target_semaphore(%arg14 : memref<!tpu.dma_semaphore, #tpu.memory_space<semaphore_mem>>)
      %dma_start3A_7 = arith.constant 0 : i32
      %dma_start3A_8 = tpu.memref_slice %arg4[%dma_start3A_7] : memref<262144xi32, #tpu.memory_space<hbm>> -> memref<16384xi32, #tpu.memory_space<hbm>>
      %dma_start3A_9 = arith.constant 0 : i32
      %dma_start3A_10 = tpu.memref_slice %arg4[%dma_start3A_9] : memref<262144xi32, #tpu.memory_space<hbm>> -> memref<16384xi32, #tpu.memory_space<hbm>>
      tpu.enqueue_dma source(%dma_start3A_10 : memref<16384xi32, #tpu.memory_space<hbm>>) target(%arg9 : memref<16384xi32, #tpu.memory_space<vmem>>) target_semaphore(%arg15 : memref<!tpu.dma_semaphore, #tpu.memory_space<semaphore_mem>>)
      "tpu.region"() ({
        %run_scoped3A = tpu.sem_alloc : memref<!tpu.dma_semaphore, #tpu.memory_space<semaphore_mem>>
        tpu.enqueue_dma source(%arg5 : memref<256xi32, #tpu.memory_space<hbm>>) target(%arg12 : memref<256xi32, #tpu.memory_space<vmem>>) target_semaphore(%run_scoped3A : memref<!tpu.dma_semaphore, #tpu.memory_space<semaphore_mem>>)
        tpu.wait_dma2 semaphore(%run_scoped3A : memref<!tpu.dma_semaphore, #tpu.memory_space<semaphore_mem>>) src(%arg5 : memref<256xi32, #tpu.memory_space<hbm>>) dst(%arg12 : memref<256xi32, #tpu.memory_space<vmem>>)
        tpu.yield
      }) : () -> ()
      "tpu.region"() ({
        %run_scoped3A = tpu.sem_alloc : memref<!tpu.dma_semaphore, #tpu.memory_space<semaphore_mem>>
        %dma_start3A_70 = arith.constant 0 : i32
        %dma_start3A_71 = tpu.memref_slice %arg7[%dma_start3A_70] : memref<4624xf32, #tpu.memory_space<vmem>> -> memref<512xf32, #tpu.memory_space<vmem>>
        %dma_start3A_72 = arith.constant 0 : i32
        %dma_start3A_73 = tpu.memref_slice %arg7[%dma_start3A_72] : memref<4624xf32, #tpu.memory_space<vmem>> -> memref<512xf32, #tpu.memory_space<vmem>>
        tpu.enqueue_dma source(%arg2 : memref<512xf32, #tpu.memory_space<hbm>>) target(%dma_start3A_73 : memref<512xf32, #tpu.memory_space<vmem>>) target_semaphore(%run_scoped3A : memref<!tpu.dma_semaphore, #tpu.memory_space<semaphore_mem>>)
        %dma_wait3A = arith.constant 0 : i32
        %dma_wait3A_74 = tpu.memref_slice %arg7[%dma_wait3A] : memref<4624xf32, #tpu.memory_space<vmem>> -> memref<512xf32, #tpu.memory_space<vmem>>
        %dma_wait3A_75 = arith.constant 0 : i32
        %dma_wait3A_76 = tpu.memref_slice %arg7[%dma_wait3A_75] : memref<4624xf32, #tpu.memory_space<vmem>> -> memref<512xf32, #tpu.memory_space<vmem>>
        tpu.wait_dma2 semaphore(%run_scoped3A : memref<!tpu.dma_semaphore, #tpu.memory_space<semaphore_mem>>) src(%arg2 : memref<512xf32, #tpu.memory_space<hbm>>) dst(%dma_wait3A_76 : memref<512xf32, #tpu.memory_space<vmem>>)
        tpu.yield
      }) : () -> ()
      %scan3A = arith.constant 0 : i32
      %scan3A_11 = arith.constant 0 : i32
      %scan3A_12 = arith.constant 257 : i32
      %scan3A_13 = arith.addi %scan3A_11, %scan3A_12 : i32
      %scan3A_14 = arith.constant 1 : i32
      scf.for %scan3A_70 = %scan3A_11 to %scan3A_13 step %scan3A_14  : i32 {
        %mul3A_71 = arith.constant 16 : i32
        %mul3A_72 = arith.muli %mul3A_71, %scan3A_70 : i32
        %add3A_73 = arith.constant 512 : i32
        %add3A_74 = arith.addi %add3A_73, %mul3A_72 : i32
        %swap3A_75 = arith.index_cast %add3A_74 : i32 to index
        %swap3A_76 = tpu.vector_load %arg7[%swap3A_75] {strides = array<i32>} : memref<4624xf32, #tpu.memory_space<vmem>>, vector<16xf32>,
        tpu.vector_store %arg7[%swap3A_75], %broadcast_in_dim3A_3 {strides = array<i32>} : memref<4624xf32, #tpu.memory_space<vmem>>, vector<16xf32>,
      }
      %scan3A_15 = arith.constant 257 : i32
      %scan3A_16 = arith.constant 513 : i32
      %scan3A_17 = arith.constant 0 : i32
      %scan3A_18 = arith.constant 0 : i32
      %scan3A_19 = arith.constant 8 : i32
      %scan3A_20 = arith.addi %scan3A_18, %scan3A_19 : i32
      %scan3A_21 = arith.constant 1 : i32
      %scan3A_22:2 = scf.for %scan3A_70 = %scan3A_18 to %scan3A_20 step %scan3A_21 iter_args(%scan3A_71 = %scan3A_16, %scan3A_72 = %scan3A_17) -> (i32, i32)  : i32 {
        %mul3A_73 = arith.constant 2 : i32
        %mul3A_74 = arith.muli %mul3A_73, %scan3A_70 : i32
        %dma_wait3A = arith.constant 0 : i32
        %dma_wait3A_75 = tpu.memref_slice %arg3[%dma_wait3A] : memref<262144xf32, #tpu.memory_space<hbm>> -> memref<16384xf32, #tpu.memory_space<hbm>>
        %dma_wait3A_76 = arith.constant 0 : i32
        %dma_wait3A_77 = tpu.memref_slice %arg3[%dma_wait3A_76] : memref<262144xf32, #tpu.memory_space<hbm>> -> memref<16384xf32, #tpu.memory_space<hbm>>
        tpu.wait_dma2 semaphore(%arg14 : memref<!tpu.dma_semaphore, #tpu.memory_space<semaphore_mem>>) src(%dma_wait3A_77 : memref<16384xf32, #tpu.memory_space<hbm>>) dst(%arg8 : memref<16384xf32, #tpu.memory_space<vmem>>)
        %dma_wait3A_78 = arith.constant 0 : i32
        %dma_wait3A_79 = tpu.memref_slice %arg4[%dma_wait3A_78] : memref<262144xi32, #tpu.memory_space<hbm>> -> memref<16384xi32, #tpu.memory_space<hbm>>
        %dma_wait3A_80 = arith.constant 0 : i32
        %dma_wait3A_81 = tpu.memref_slice %arg4[%dma_wait3A_80] : memref<262144xi32, #tpu.memory_space<hbm>> -> memref<16384xi32, #tpu.memory_space<hbm>>
        tpu.wait_dma2 semaphore(%arg15 : memref<!tpu.dma_semaphore, #tpu.memory_space<semaphore_mem>>) src(%dma_wait3A_81 : memref<16384xi32, #tpu.memory_space<hbm>>) dst(%arg9 : memref<16384xi32, #tpu.memory_space<vmem>>)
        %add3A_82 = arith.constant 1 : i32
        %add3A_83 = arith.addi %mul3A_74, %add3A_82 : i32
        %mul3A_84 = arith.constant 16384 : i32
        %mul3A_85 = arith.muli %add3A_83, %mul3A_84 : i32
        %dma_start3A_86 = tpu.memref_slice %arg3[%mul3A_85] : memref<262144xf32, #tpu.memory_space<hbm>> -> memref<16384xf32, #tpu.memory_space<hbm>>
        %dma_start3A_87 = tpu.memref_slice %arg3[%mul3A_85] : memref<262144xf32, #tpu.memory_space<hbm>> -> memref<16384xf32, #tpu.memory_space<hbm>>
        tpu.enqueue_dma source(%dma_start3A_87 : memref<16384xf32, #tpu.memory_space<hbm>>) target(%arg10 : memref<16384xf32, #tpu.memory_space<vmem>>) target_semaphore(%arg16 : memref<!tpu.dma_semaphore, #tpu.memory_space<semaphore_mem>>)
        %dma_start3A_88 = tpu.memref_slice %arg4[%mul3A_85] : memref<262144xi32, #tpu.memory_space<hbm>> -> memref<16384xi32, #tpu.memory_space<hbm>>
        %dma_start3A_89 = tpu.memref_slice %arg4[%mul3A_85] : memref<262144xi32, #tpu.memory_space<hbm>> -> memref<16384xi32, #tpu.memory_space<hbm>>
        tpu.enqueue_dma source(%dma_start3A_89 : memref<16384xi32, #tpu.memory_space<hbm>>) target(%arg11 : memref<16384xi32, #tpu.memory_space<vmem>>) target_semaphore(%arg17 : memref<!tpu.dma_semaphore, #tpu.memory_space<semaphore_mem>>)
        %scan3A_90 = arith.constant 0 : i32
        %scan3A_91 = arith.constant 16 : i32
        %scan3A_92 = arith.addi %scan3A_90, %scan3A_91 : i32
        %scan3A_93 = arith.constant 1 : i32
        %scan3A_94:2 = scf.for %scan3A_116 = %scan3A_90 to %scan3A_92 step %scan3A_93 iter_args(%scan3A_117 = %scan3A_71, %scan3A_118 = %scan3A_72) -> (i32, i32)  : i32 {
          %mul3A_119 = arith.constant 1024 : i32
          %mul3A_120 = arith.muli %scan3A_116, %mul3A_119 : i32
          %add3A_121 = vector.broadcast %scan3A_117 : i32 to vector<16xi32>
          %add3A_122 = arith.addi %add3A_121, %iota3A : vector<16xi32>
          %broadcast_in_dim3A_123 = arith.constant 0.000000e+00 : f32
          %broadcast_in_dim3A_124 = vector.broadcast %broadcast_in_dim3A_123 : f32 to vector<16xf32>
          %broadcast_in_dim3A_125 = arith.constant 0.000000e+00 : f32
          %broadcast_in_dim3A_126 = vector.broadcast %broadcast_in_dim3A_125 : f32 to vector<16xf32>
          %broadcast_in_dim3A_127 = arith.constant 0.000000e+00 : f32
          %broadcast_in_dim3A_128 = vector.broadcast %broadcast_in_dim3A_127 : f32 to vector<16xf32>
          %broadcast_in_dim3A_129 = arith.constant 0.000000e+00 : f32
          %broadcast_in_dim3A_130 = vector.broadcast %broadcast_in_dim3A_129 : f32 to vector<16xf32>
          %add3A_131 = arith.constant 0 : i32
          %add3A_132 = arith.addi %mul3A_120, %add3A_131 : i32
          %get3A = arith.index_cast %add3A_132 : i32 to index
          %get3A_133 = tpu.vector_load %arg9[%get3A] {strides = array<i32>} : memref<16384xi32, #tpu.memory_space<vmem>>, vector<16xi32>,
          %add3A_134 = arith.constant 0 : i32
          %add3A_135 = arith.addi %mul3A_120, %add3A_134 : i32
          %get3A_136 = arith.index_cast %add3A_135 : i32 to index
          %get3A_137 = tpu.vector_load %arg8[%get3A_136] {strides = array<i32>} : memref<16384xf32, #tpu.memory_space<vmem>>, vector<16xf32>,
          %gather3A_138 = tpu.vector_load_idx %arg7[%get3A_133] : memref<4624xf32, #tpu.memory_space<vmem>>[vector<16xi32>], vector<16xf32>,
          %lt3A_139 = vector.broadcast %scan3A_117 : i32 to vector<16xi32>
          %lt3A_140 = arith.cmpi slt, %get3A_133, %lt3A_139 : vector<16xi32>
          %jit3A = arith.constant 0.000000e+00 : f32
          %broadcast_in_dim3A_141 = vector.broadcast %jit3A : f32 to vector<16xf32>
          %select_n3A = arith.select %lt3A_140, %get3A_137, %broadcast_in_dim3A_141 : vector<16xi1>, vector<16xf32>
          %mul3A_142 = arith.mulf %gather3A_138, %select_n3A : vector<16xf32>
          %add3A_143 = arith.addf %broadcast_in_dim3A_124, %mul3A_142 : vector<16xf32>
          %add3A_144 = arith.constant 16 : i32
          %add3A_145 = arith.addi %mul3A_120, %add3A_144 : i32
          %get3A_146 = arith.index_cast %add3A_145 : i32 to index
          %get3A_147 = tpu.vector_load %arg9[%get3A_146] {strides = array<i32>} : memref<16384xi32, #tpu.memory_space<vmem>>, vector<16xi32>,
          %add3A_148 = arith.constant 16 : i32
          %add3A_149 = arith.addi %mul3A_120, %add3A_148 : i32
          %get3A_150 = arith.index_cast %add3A_149 : i32 to index
          %get3A_151 = tpu.vector_load %arg8[%get3A_150] {strides = array<i32>} : memref<16384xf32, #tpu.memory_space<vmem>>, vector<16xf32>,
          %gather3A_152 = tpu.vector_load_idx %arg7[%get3A_147] : memref<4624xf32, #tpu.memory_space<vmem>>[vector<16xi32>], vector<16xf32>,
          %lt3A_153 = vector.broadcast %scan3A_117 : i32 to vector<16xi32>
          %lt3A_154 = arith.cmpi slt, %get3A_147, %lt3A_153 : vector<16xi32>
          %jit3A_155 = arith.constant 0.000000e+00 : f32
          %broadcast_in_dim3A_156 = vector.broadcast %jit3A_155 : f32 to vector<16xf32>
          %select_n3A_157 = arith.select %lt3A_154, %get3A_151, %broadcast_in_dim3A_156 : vector<16xi1>, vector<16xf32>
          %mul3A_158 = arith.mulf %gather3A_152, %select_n3A_157 : vector<16xf32>
          %add3A_159 = arith.addf %broadcast_in_dim3A_126, %mul3A_158 : vector<16xf32>
          %add3A_160 = arith.constant 32 : i32
          %add3A_161 = arith.addi %mul3A_120, %add3A_160 : i32
          %get3A_162 = arith.index_cast %add3A_161 : i32 to index
          %get3A_163 = tpu.vector_load %arg9[%get3A_162] {strides = array<i32>} : memref<16384xi32, #tpu.memory_space<vmem>>, vector<16xi32>,
          %add3A_164 = arith.constant 32 : i32
          %add3A_165 = arith.addi %mul3A_120, %add3A_164 : i32
          %get3A_166 = arith.index_cast %add3A_165 : i32 to index
          %get3A_167 = tpu.vector_load %arg8[%get3A_166] {strides = array<i32>} : memref<16384xf32, #tpu.memory_space<vmem>>, vector<16xf32>,
          %gather3A_168 = tpu.vector_load_idx %arg7[%get3A_163] : memref<4624xf32, #tpu.memory_space<vmem>>[vector<16xi32>], vector<16xf32>,
          %lt3A_169 = vector.broadcast %scan3A_117 : i32 to vector<16xi32>
          %lt3A_170 = arith.cmpi slt, %get3A_163, %lt3A_169 : vector<16xi32>
          %jit3A_171 = arith.constant 0.000000e+00 : f32
          %broadcast_in_dim3A_172 = vector.broadcast %jit3A_171 : f32 to vector<16xf32>
          %select_n3A_173 = arith.select %lt3A_170, %get3A_167, %broadcast_in_dim3A_172 : vector<16xi1>, vector<16xf32>
          %mul3A_174 = arith.mulf %gather3A_168, %select_n3A_173 : vector<16xf32>
          %add3A_175 = arith.addf %broadcast_in_dim3A_128, %mul3A_174 : vector<16xf32>
          %add3A_176 = arith.constant 48 : i32
          %add3A_177 = arith.addi %mul3A_120, %add3A_176 : i32
          %get3A_178 = arith.index_cast %add3A_177 : i32 to index
          %get3A_179 = tpu.vector_load %arg9[%get3A_178] {strides = array<i32>} : memref<16384xi32, #tpu.memory_space<vmem>>, vector<16xi32>,
          %add3A_180 = arith.constant 48 : i32
          %add3A_181 = arith.addi %mul3A_120, %add3A_180 : i32
          %get3A_182 = arith.index_cast %add3A_181 : i32 to index
          %get3A_183 = tpu.vector_load %arg8[%get3A_182] {strides = array<i32>} : memref<16384xf32, #tpu.memory_space<vmem>>, vector<16xf32>,
          %gather3A_184 = tpu.vector_load_idx %arg7[%get3A_179] : memref<4624xf32, #tpu.memory_space<vmem>>[vector<16xi32>], vector<16xf32>,
          %lt3A_185 = vector.broadcast %scan3A_117 : i32 to vector<16xi32>
          %lt3A_186 = arith.cmpi slt, %get3A_179, %lt3A_185 : vector<16xi32>
          %jit3A_187 = arith.constant 0.000000e+00 : f32
          %broadcast_in_dim3A_188 = vector.broadcast %jit3A_187 : f32 to vector<16xf32>
          %select_n3A_189 = arith.select %lt3A_186, %get3A_183, %broadcast_in_dim3A_188 : vector<16xi1>, vector<16xf32>
          %mul3A_190 = arith.mulf %gather3A_184, %select_n3A_189 : vector<16xf32>
          %add3A_191 = arith.addf %broadcast_in_dim3A_130, %mul3A_190 : vector<16xf32>
          %add3A_192 = arith.constant 64 : i32
          %add3A_193 = arith.addi %mul3A_120, %add3A_192 : i32
          %get3A_194 = arith.index_cast %add3A_193 : i32 to index
          %get3A_195 = tpu.vector_load %arg9[%get3A_194] {strides = array<i32>} : memref<16384xi32, #tpu.memory_space<vmem>>, vector<16xi32>,
          %add3A_196 = arith.constant 64 : i32
          %add3A_197 = arith.addi %mul3A_120, %add3A_196 : i32
          %get3A_198 = arith.index_cast %add3A_197 : i32 to index
          %get3A_199 = tpu.vector_load %arg8[%get3A_198] {strides = array<i32>} : memref<16384xf32, #tpu.memory_space<vmem>>, vector<16xf32>,
          %gather3A_200 = tpu.vector_load_idx %arg7[%get3A_195] : memref<4624xf32, #tpu.memory_space<vmem>>[vector<16xi32>], vector<16xf32>,
          %lt3A_201 = vector.broadcast %scan3A_117 : i32 to vector<16xi32>
          %lt3A_202 = arith.cmpi slt, %get3A_195, %lt3A_201 : vector<16xi32>
          %jit3A_203 = arith.constant 0.000000e+00 : f32
          %broadcast_in_dim3A_204 = vector.broadcast %jit3A_203 : f32 to vector<16xf32>
          %select_n3A_205 = arith.select %lt3A_202, %get3A_199, %broadcast_in_dim3A_204 : vector<16xi1>, vector<16xf32>
          %mul3A_206 = arith.mulf %gather3A_200, %select_n3A_205 : vector<16xf32>
          %add3A_207 = arith.addf %add3A_143, %mul3A_206 : vector<16xf32>
          %add3A_208 = arith.constant 80 : i32
          %add3A_209 = arith.addi %mul3A_120, %add3A_208 : i32
          %get3A_210 = arith.index_cast %add3A_209 : i32 to index
          %get3A_211 = tpu.vector_load %arg9[%get3A_210] {strides = array<i32>} : memref<16384xi32, #tpu.memory_space<vmem>>, vector<16xi32>,
          %add3A_212 = arith.constant 80 : i32
          %add3A_213 = arith.addi %mul3A_120, %add3A_212 : i32
          %get3A_214 = arith.index_cast %add3A_213 : i32 to index
          %get3A_215 = tpu.vector_load %arg8[%get3A_214] {strides = array<i32>} : memref<16384xf32, #tpu.memory_space<vmem>>, vector<16xf32>,
          %gather3A_216 = tpu.vector_load_idx %arg7[%get3A_211] : memref<4624xf32, #tpu.memory_space<vmem>>[vector<16xi32>], vector<16xf32>,
          %lt3A_217 = vector.broadcast %scan3A_117 : i32 to vector<16xi32>
          %lt3A_218 = arith.cmpi slt, %get3A_211, %lt3A_217 : vector<16xi32>
          %jit3A_219 = arith.constant 0.000000e+00 : f32
          %broadcast_in_dim3A_220 = vector.broadcast %jit3A_219 : f32 to vector<16xf32>
          %select_n3A_221 = arith.select %lt3A_218, %get3A_215, %broadcast_in_dim3A_220 : vector<16xi1>, vector<16xf32>
          %mul3A_222 = arith.mulf %gather3A_216, %select_n3A_221 : vector<16xf32>
          %add3A_223 = arith.addf %add3A_159, %mul3A_222 : vector<16xf32>
          %add3A_224 = arith.constant 96 : i32
          %add3A_225 = arith.addi %mul3A_120, %add3A_224 : i32
          %get3A_226 = arith.index_cast %add3A_225 : i32 to index
          %get3A_227 = tpu.vector_load %arg9[%get3A_226] {strides = array<i32>} : memref<16384xi32, #tpu.memory_space<vmem>>, vector<16xi32>,
          %add3A_228 = arith.constant 96 : i32
          %add3A_229 = arith.addi %mul3A_120, %add3A_228 : i32
          %get3A_230 = arith.index_cast %add3A_229 : i32 to index
          %get3A_231 = tpu.vector_load %arg8[%get3A_230] {strides = array<i32>} : memref<16384xf32, #tpu.memory_space<vmem>>, vector<16xf32>,
          %gather3A_232 = tpu.vector_load_idx %arg7[%get3A_227] : memref<4624xf32, #tpu.memory_space<vmem>>[vector<16xi32>], vector<16xf32>,
          %lt3A_233 = vector.broadcast %scan3A_117 : i32 to vector<16xi32>
          %lt3A_234 = arith.cmpi slt, %get3A_227, %lt3A_233 : vector<16xi32>
          %jit3A_235 = arith.constant 0.000000e+00 : f32
          %broadcast_in_dim3A_236 = vector.broadcast %jit3A_235 : f32 to vector<16xf32>
          %select_n3A_237 = arith.select %lt3A_234, %get3A_231, %broadcast_in_dim3A_236 : vector<16xi1>, vector<16xf32>
          %mul3A_238 = arith.mulf %gather3A_232, %select_n3A_237 : vector<16xf32>
          %add3A_239 = arith.addf %add3A_175, %mul3A_238 : vector<16xf32>
          %add3A_240 = arith.constant 112 : i32
          %add3A_241 = arith.addi %mul3A_120, %add3A_240 : i32
          %get3A_242 = arith.index_cast %add3A_241 : i32 to index
          %get3A_243 = tpu.vector_load %arg9[%get3A_242] {strides = array<i32>} : memref<16384xi32, #tpu.memory_space<vmem>>, vector<16xi32>,
          %add3A_244 = arith.constant 112 : i32
          %add3A_245 = arith.addi %mul3A_120, %add3A_244 : i32
          %get3A_246 = arith.index_cast %add3A_245 : i32 to index
          %get3A_247 = tpu.vector_load %arg8[%get3A_246] {strides = array<i32>} : memref<16384xf32, #tpu.memory_space<vmem>>, vector<16xf32>,
          %gather3A_248 = tpu.vector_load_idx %arg7[%get3A_243] : memref<4624xf32, #tpu.memory_space<vmem>>[vector<16xi32>], vector<16xf32>,
          %lt3A_249 = vector.broadcast %scan3A_117 : i32 to vector<16xi32>
          %lt3A_250 = arith.cmpi slt, %get3A_243, %lt3A_249 : vector<16xi32>
          %jit3A_251 = arith.constant 0.000000e+00 : f32
          %broadcast_in_dim3A_252 = vector.broadcast %jit3A_251 : f32 to vector<16xf32>
          %select_n3A_253 = arith.select %lt3A_250, %get3A_247, %broadcast_in_dim3A_252 : vector<16xi1>, vector<16xf32>
          %mul3A_254 = arith.mulf %gather3A_248, %select_n3A_253 : vector<16xf32>
          %add3A_255 = arith.addf %add3A_191, %mul3A_254 : vector<16xf32>
          %add3A_256 = arith.constant 128 : i32
          %add3A_257 = arith.addi %mul3A_120, %add3A_256 : i32
          %get3A_258 = arith.index_cast %add3A_257 : i32 to index
          %get3A_259 = tpu.vector_load %arg9[%get3A_258] {strides = array<i32>} : memref<16384xi32, #tpu.memory_space<vmem>>, vector<16xi32>,
          %add3A_260 = arith.constant 128 : i32
          %add3A_261 = arith.addi %mul3A_120, %add3A_260 : i32
          %get3A_262 = arith.index_cast %add3A_261 : i32 to index
          %get3A_263 = tpu.vector_load %arg8[%get3A_262] {strides = array<i32>} : memref<16384xf32, #tpu.memory_space<vmem>>, vector<16xf32>,
          %gather3A_264 = tpu.vector_load_idx %arg7[%get3A_259] : memref<4624xf32, #tpu.memory_space<vmem>>[vector<16xi32>], vector<16xf32>,
          %lt3A_265 = vector.broadcast %scan3A_117 : i32 to vector<16xi32>
          %lt3A_266 = arith.cmpi slt, %get3A_259, %lt3A_265 : vector<16xi32>
          %jit3A_267 = arith.constant 0.000000e+00 : f32
          %broadcast_in_dim3A_268 = vector.broadcast %jit3A_267 : f32 to vector<16xf32>
          %select_n3A_269 = arith.select %lt3A_266, %get3A_263, %broadcast_in_dim3A_268 : vector<16xi1>, vector<16xf32>
          %mul3A_270 = arith.mulf %gather3A_264, %select_n3A_269 : vector<16xf32>
          %add3A_271 = arith.addf %add3A_207, %mul3A_270 : vector<16xf32>
          %add3A_272 = arith.constant 144 : i32
          %add3A_273 = arith.addi %mul3A_120, %add3A_272 : i32
          %get3A_274 = arith.index_cast %add3A_273 : i32 to index
          %get3A_275 = tpu.vector_load %arg9[%get3A_274] {strides = array<i32>} : memref<16384xi32, #tpu.memory_space<vmem>>, vector<16xi32>,
          %add3A_276 = arith.constant 144 : i32
          %add3A_277 = arith.addi %mul3A_120, %add3A_276 : i32
          %get3A_278 = arith.index_cast %add3A_277 : i32 to index
          %get3A_279 = tpu.vector_load %arg8[%get3A_278] {strides = array<i32>} : memref<16384xf32, #tpu.memory_space<vmem>>, vector<16xf32>,
          %gather3A_280 = tpu.vector_load_idx %arg7[%get3A_275] : memref<4624xf32, #tpu.memory_space<vmem>>[vector<16xi32>], vector<16xf32>,
          %lt3A_281 = vector.broadcast %scan3A_117 : i32 to vector<16xi32>
          %lt3A_282 = arith.cmpi slt, %get3A_275, %lt3A_281 : vector<16xi32>
          %jit3A_283 = arith.constant 0.000000e+00 : f32
          %broadcast_in_dim3A_284 = vector.broadcast %jit3A_283 : f32 to vector<16xf32>
          %select_n3A_285 = arith.select %lt3A_282, %get3A_279, %broadcast_in_dim3A_284 : vector<16xi1>, vector<16xf32>
          %mul3A_286 = arith.mulf %gather3A_280, %select_n3A_285 : vector<16xf32>
          %add3A_287 = arith.addf %add3A_223, %mul3A_286 : vector<16xf32>
          %add3A_288 = arith.constant 160 : i32
          %add3A_289 = arith.addi %mul3A_120, %add3A_288 : i32
          %get3A_290 = arith.index_cast %add3A_289 : i32 to index
          %get3A_291 = tpu.vector_load %arg9[%get3A_290] {strides = array<i32>} : memref<16384xi32, #tpu.memory_space<vmem>>, vector<16xi32>,
          %add3A_292 = arith.constant 160 : i32
          %add3A_293 = arith.addi %mul3A_120, %add3A_292 : i32
          %get3A_294 = arith.index_cast %add3A_293 : i32 to index
          %get3A_295 = tpu.vector_load %arg8[%get3A_294] {strides = array<i32>} : memref<16384xf32, #tpu.memory_space<vmem>>, vector<16xf32>,
          %gather3A_296 = tpu.vector_load_idx %arg7[%get3A_291] : memref<4624xf32, #tpu.memory_space<vmem>>[vector<16xi32>], vector<16xf32>,
          %lt3A_297 = vector.broadcast %scan3A_117 : i32 to vector<16xi32>
          %lt3A_298 = arith.cmpi slt, %get3A_291, %lt3A_297 : vector<16xi32>
          %jit3A_299 = arith.constant 0.000000e+00 : f32
          %broadcast_in_dim3A_300 = vector.broadcast %jit3A_299 : f32 to vector<16xf32>
          %select_n3A_301 = arith.select %lt3A_298, %get3A_295, %broadcast_in_dim3A_300 : vector<16xi1>, vector<16xf32>
          %mul3A_302 = arith.mulf %gather3A_296, %select_n3A_301 : vector<16xf32>
          %add3A_303 = arith.addf %add3A_239, %mul3A_302 : vector<16xf32>
          %add3A_304 = arith.constant 176 : i32
          %add3A_305 = arith.addi %mul3A_120, %add3A_304 : i32
          %get3A_306 = arith.index_cast %add3A_305 : i32 to index
          %get3A_307 = tpu.vector_load %arg9[%get3A_306] {strides = array<i32>} : memref<16384xi32, #tpu.memory_space<vmem>>, vector<16xi32>,
          %add3A_308 = arith.constant 176 : i32
          %add3A_309 = arith.addi %mul3A_120, %add3A_308 : i32
          %get3A_310 = arith.index_cast %add3A_309 : i32 to index
          %get3A_311 = tpu.vector_load %arg8[%get3A_310] {strides = array<i32>} : memref<16384xf32, #tpu.memory_space<vmem>>, vector<16xf32>,
          %gather3A_312 = tpu.vector_load_idx %arg7[%get3A_307] : memref<4624xf32, #tpu.memory_space<vmem>>[vector<16xi32>], vector<16xf32>,
          %lt3A_313 = vector.broadcast %scan3A_117 : i32 to vector<16xi32>
          %lt3A_314 = arith.cmpi slt, %get3A_307, %lt3A_313 : vector<16xi32>
          %jit3A_315 = arith.constant 0.000000e+00 : f32
          %broadcast_in_dim3A_316 = vector.broadcast %jit3A_315 : f32 to vector<16xf32>
          %select_n3A_317 = arith.select %lt3A_314, %get3A_311, %broadcast_in_dim3A_316 : vector<16xi1>, vector<16xf32>
          %mul3A_318 = arith.mulf %gather3A_312, %select_n3A_317 : vector<16xf32>
          %add3A_319 = arith.addf %add3A_255, %mul3A_318 : vector<16xf32>
          %add3A_320 = arith.constant 192 : i32
          %add3A_321 = arith.addi %mul3A_120, %add3A_320 : i32
          %get3A_322 = arith.index_cast %add3A_321 : i32 to index
          %get3A_323 = tpu.vector_load %arg9[%get3A_322] {strides = array<i32>} : memref<16384xi32, #tpu.memory_space<vmem>>, vector<16xi32>,
          %add3A_324 = arith.constant 192 : i32
          %add3A_325 = arith.addi %mul3A_120, %add3A_324 : i32
          %get3A_326 = arith.index_cast %add3A_325 : i32 to index
          %get3A_327 = tpu.vector_load %arg8[%get3A_326] {strides = array<i32>} : memref<16384xf32, #tpu.memory_space<vmem>>, vector<16xf32>,
          %gather3A_328 = tpu.vector_load_idx %arg7[%get3A_323] : memref<4624xf32, #tpu.memory_space<vmem>>[vector<16xi32>], vector<16xf32>,
          %lt3A_329 = vector.broadcast %scan3A_117 : i32 to vector<16xi32>
          %lt3A_330 = arith.cmpi slt, %get3A_323, %lt3A_329 : vector<16xi32>
          %jit3A_331 = arith.constant 0.000000e+00 : f32
          %broadcast_in_dim3A_332 = vector.broadcast %jit3A_331 : f32 to vector<16xf32>
          %select_n3A_333 = arith.select %lt3A_330, %get3A_327, %broadcast_in_dim3A_332 : vector<16xi1>, vector<16xf32>
          %mul3A_334 = arith.mulf %gather3A_328, %select_n3A_333 : vector<16xf32>
          %add3A_335 = arith.addf %add3A_271, %mul3A_334 : vector<16xf32>
          %add3A_336 = arith.constant 208 : i32
          %add3A_337 = arith.addi %mul3A_120, %add3A_336 : i32
          %get3A_338 = arith.index_cast %add3A_337 : i32 to index
          %get3A_339 = tpu.vector_load %arg9[%get3A_338] {strides = array<i32>} : memref<16384xi32, #tpu.memory_space<vmem>>, vector<16xi32>,
          %add3A_340 = arith.constant 208 : i32
          %add3A_341 = arith.addi %mul3A_120, %add3A_340 : i32
          %get3A_342 = arith.index_cast %add3A_341 : i32 to index
          %get3A_343 = tpu.vector_load %arg8[%get3A_342] {strides = array<i32>} : memref<16384xf32, #tpu.memory_space<vmem>>, vector<16xf32>,
          %gather3A_344 = tpu.vector_load_idx %arg7[%get3A_339] : memref<4624xf32, #tpu.memory_space<vmem>>[vector<16xi32>], vector<16xf32>,
          %lt3A_345 = vector.broadcast %scan3A_117 : i32 to vector<16xi32>
          %lt3A_346 = arith.cmpi slt, %get3A_339, %lt3A_345 : vector<16xi32>
          %jit3A_347 = arith.constant 0.000000e+00 : f32
          %broadcast_in_dim3A_348 = vector.broadcast %jit3A_347 : f32 to vector<16xf32>
          %select_n3A_349 = arith.select %lt3A_346, %get3A_343, %broadcast_in_dim3A_348 : vector<16xi1>, vector<16xf32>
          %mul3A_350 = arith.mulf %gather3A_344, %select_n3A_349 : vector<16xf32>
          %add3A_351 = arith.addf %add3A_287, %mul3A_350 : vector<16xf32>
          %add3A_352 = arith.constant 224 : i32
          %add3A_353 = arith.addi %mul3A_120, %add3A_352 : i32
          %get3A_354 = arith.index_cast %add3A_353 : i32 to index
          %get3A_355 = tpu.vector_load %arg9[%get3A_354] {strides = array<i32>} : memref<16384xi32, #tpu.memory_space<vmem>>, vector<16xi32>,
          %add3A_356 = arith.constant 224 : i32
          %add3A_357 = arith.addi %mul3A_120, %add3A_356 : i32
          %get3A_358 = arith.index_cast %add3A_357 : i32 to index
          %get3A_359 = tpu.vector_load %arg8[%get3A_358] {strides = array<i32>} : memref<16384xf32, #tpu.memory_space<vmem>>, vector<16xf32>,
          %gather3A_360 = tpu.vector_load_idx %arg7[%get3A_355] : memref<4624xf32, #tpu.memory_space<vmem>>[vector<16xi32>], vector<16xf32>,
          %lt3A_361 = vector.broadcast %scan3A_117 : i32 to vector<16xi32>
          %lt3A_362 = arith.cmpi slt, %get3A_355, %lt3A_361 : vector<16xi32>
          %jit3A_363 = arith.constant 0.000000e+00 : f32
          %broadcast_in_dim3A_364 = vector.broadcast %jit3A_363 : f32 to vector<16xf32>
          %select_n3A_365 = arith.select %lt3A_362, %get3A_359, %broadcast_in_dim3A_364 : vector<16xi1>, vector<16xf32>
          %mul3A_366 = arith.mulf %gather3A_360, %select_n3A_365 : vector<16xf32>
          %add3A_367 = arith.addf %add3A_303, %mul3A_366 : vector<16xf32>
          %add3A_368 = arith.constant 240 : i32
          %add3A_369 = arith.addi %mul3A_120, %add3A_368 : i32
          %get3A_370 = arith.index_cast %add3A_369 : i32 to index
          %get3A_371 = tpu.vector_load %arg9[%get3A_370] {strides = array<i32>} : memref<16384xi32, #tpu.memory_space<vmem>>, vector<16xi32>,
          %add3A_372 = arith.constant 240 : i32
          %add3A_373 = arith.addi %mul3A_120, %add3A_372 : i32
          %get3A_374 = arith.index_cast %add3A_373 : i32 to index
          %get3A_375 = tpu.vector_load %arg8[%get3A_374] {strides = array<i32>} : memref<16384xf32, #tpu.memory_space<vmem>>, vector<16xf32>,
          %gather3A_376 = tpu.vector_load_idx %arg7[%get3A_371] : memref<4624xf32, #tpu.memory_space<vmem>>[vector<16xi32>], vector<16xf32>,
          %lt3A_377 = vector.broadcast %scan3A_117 : i32 to vector<16xi32>
          %lt3A_378 = arith.cmpi slt, %get3A_371, %lt3A_377 : vector<16xi32>
          %jit3A_379 = arith.constant 0.000000e+00 : f32
          %broadcast_in_dim3A_380 = vector.broadcast %jit3A_379 : f32 to vector<16xf32>
          %select_n3A_381 = arith.select %lt3A_378, %get3A_375, %broadcast_in_dim3A_380 : vector<16xi1>, vector<16xf32>
          %mul3A_382 = arith.mulf %gather3A_376, %select_n3A_381 : vector<16xf32>
          %add3A_383 = arith.addf %add3A_319, %mul3A_382 : vector<16xf32>
          %add3A_384 = arith.constant 256 : i32
          %add3A_385 = arith.addi %mul3A_120, %add3A_384 : i32
          %get3A_386 = arith.index_cast %add3A_385 : i32 to index
          %get3A_387 = tpu.vector_load %arg9[%get3A_386] {strides = array<i32>} : memref<16384xi32, #tpu.memory_space<vmem>>, vector<16xi32>,
          %add3A_388 = arith.constant 256 : i32
          %add3A_389 = arith.addi %mul3A_120, %add3A_388 : i32
          %get3A_390 = arith.index_cast %add3A_389 : i32 to index
          %get3A_391 = tpu.vector_load %arg8[%get3A_390] {strides = array<i32>} : memref<16384xf32, #tpu.memory_space<vmem>>, vector<16xf32>,
          %gather3A_392 = tpu.vector_load_idx %arg7[%get3A_387] : memref<4624xf32, #tpu.memory_space<vmem>>[vector<16xi32>], vector<16xf32>,
          %lt3A_393 = vector.broadcast %scan3A_117 : i32 to vector<16xi32>
          %lt3A_394 = arith.cmpi slt, %get3A_387, %lt3A_393 : vector<16xi32>
          %jit3A_395 = arith.constant 0.000000e+00 : f32
          %broadcast_in_dim3A_396 = vector.broadcast %jit3A_395 : f32 to vector<16xf32>
          %select_n3A_397 = arith.select %lt3A_394, %get3A_391, %broadcast_in_dim3A_396 : vector<16xi1>, vector<16xf32>
          %mul3A_398 = arith.mulf %gather3A_392, %select_n3A_397 : vector<16xf32>
          %add3A_399 = arith.addf %add3A_335, %mul3A_398 : vector<16xf32>
          %add3A_400 = arith.constant 272 : i32
          %add3A_401 = arith.addi %mul3A_120, %add3A_400 : i32
          %get3A_402 = arith.index_cast %add3A_401 : i32 to index
          %get3A_403 = tpu.vector_load %arg9[%get3A_402] {strides = array<i32>} : memref<16384xi32, #tpu.memory_space<vmem>>, vector<16xi32>,
          %add3A_404 = arith.constant 272 : i32
          %add3A_405 = arith.addi %mul3A_120, %add3A_404 : i32
          %get3A_406 = arith.index_cast %add3A_405 : i32 to index
          %get3A_407 = tpu.vector_load %arg8[%get3A_406] {strides = array<i32>} : memref<16384xf32, #tpu.memory_space<vmem>>, vector<16xf32>,
          %gather3A_408 = tpu.vector_load_idx %arg7[%get3A_403] : memref<4624xf32, #tpu.memory_space<vmem>>[vector<16xi32>], vector<16xf32>,
          %lt3A_409 = vector.broadcast %scan3A_117 : i32 to vector<16xi32>
          %lt3A_410 = arith.cmpi slt, %get3A_403, %lt3A_409 : vector<16xi32>
          %jit3A_411 = arith.constant 0.000000e+00 : f32
          %broadcast_in_dim3A_412 = vector.broadcast %jit3A_411 : f32 to vector<16xf32>
          %select_n3A_413 = arith.select %lt3A_410, %get3A_407, %broadcast_in_dim3A_412 : vector<16xi1>, vector<16xf32>
          %mul3A_414 = arith.mulf %gather3A_408, %select_n3A_413 : vector<16xf32>
          %add3A_415 = arith.addf %add3A_351, %mul3A_414 : vector<16xf32>
          %add3A_416 = arith.constant 288 : i32
          %add3A_417 = arith.addi %mul3A_120, %add3A_416 : i32
          %get3A_418 = arith.index_cast %add3A_417 : i32 to index
          %get3A_419 = tpu.vector_load %arg9[%get3A_418] {strides = array<i32>} : memref<16384xi32, #tpu.memory_space<vmem>>, vector<16xi32>,
          %add3A_420 = arith.constant 288 : i32
          %add3A_421 = arith.addi %mul3A_120, %add3A_420 : i32
          %get3A_422 = arith.index_cast %add3A_421 : i32 to index
          %get3A_423 = tpu.vector_load %arg8[%get3A_422] {strides = array<i32>} : memref<16384xf32, #tpu.memory_space<vmem>>, vector<16xf32>,
          %gather3A_424 = tpu.vector_load_idx %arg7[%get3A_419] : memref<4624xf32, #tpu.memory_space<vmem>>[vector<16xi32>], vector<16xf32>,
          %lt3A_425 = vector.broadcast %scan3A_117 : i32 to vector<16xi32>
          %lt3A_426 = arith.cmpi slt, %get3A_419, %lt3A_425 : vector<16xi32>
          %jit3A_427 = arith.constant 0.000000e+00 : f32
          %broadcast_in_dim3A_428 = vector.broadcast %jit3A_427 : f32 to vector<16xf32>
          %select_n3A_429 = arith.select %lt3A_426, %get3A_423, %broadcast_in_dim3A_428 : vector<16xi1>, vector<16xf32>
          %mul3A_430 = arith.mulf %gather3A_424, %select_n3A_429 : vector<16xf32>
          %add3A_431 = arith.addf %add3A_367, %mul3A_430 : vector<16xf32>
          %add3A_432 = arith.constant 304 : i32
          %add3A_433 = arith.addi %mul3A_120, %add3A_432 : i32
          %get3A_434 = arith.index_cast %add3A_433 : i32 to index
          %get3A_435 = tpu.vector_load %arg9[%get3A_434] {strides = array<i32>} : memref<16384xi32, #tpu.memory_space<vmem>>, vector<16xi32>,
          %add3A_436 = arith.constant 304 : i32
          %add3A_437 = arith.addi %mul3A_120, %add3A_436 : i32
          %get3A_438 = arith.index_cast %add3A_437 : i32 to index
          %get3A_439 = tpu.vector_load %arg8[%get3A_438] {strides = array<i32>} : memref<16384xf32, #tpu.memory_space<vmem>>, vector<16xf32>,
          %gather3A_440 = tpu.vector_load_idx %arg7[%get3A_435] : memref<4624xf32, #tpu.memory_space<vmem>>[vector<16xi32>], vector<16xf32>,
          %lt3A_441 = vector.broadcast %scan3A_117 : i32 to vector<16xi32>
          %lt3A_442 = arith.cmpi slt, %get3A_435, %lt3A_441 : vector<16xi32>
          %jit3A_443 = arith.constant 0.000000e+00 : f32
          %broadcast_in_dim3A_444 = vector.broadcast %jit3A_443 : f32 to vector<16xf32>
          %select_n3A_445 = arith.select %lt3A_442, %get3A_439, %broadcast_in_dim3A_444 : vector<16xi1>, vector<16xf32>
          %mul3A_446 = arith.mulf %gather3A_440, %select_n3A_445 : vector<16xf32>
          %add3A_447 = arith.addf %add3A_383, %mul3A_446 : vector<16xf32>
          %add3A_448 = arith.constant 320 : i32
          %add3A_449 = arith.addi %mul3A_120, %add3A_448 : i32
          %get3A_450 = arith.index_cast %add3A_449 : i32 to index
          %get3A_451 = tpu.vector_load %arg9[%get3A_450] {strides = array<i32>} : memref<16384xi32, #tpu.memory_space<vmem>>, vector<16xi32>,
          %add3A_452 = arith.constant 320 : i32
          %add3A_453 = arith.addi %mul3A_120, %add3A_452 : i32
          %get3A_454 = arith.index_cast %add3A_453 : i32 to index
          %get3A_455 = tpu.vector_load %arg8[%get3A_454] {strides = array<i32>} : memref<16384xf32, #tpu.memory_space<vmem>>, vector<16xf32>,
          %gather3A_456 = tpu.vector_load_idx %arg7[%get3A_451] : memref<4624xf32, #tpu.memory_space<vmem>>[vector<16xi32>], vector<16xf32>,
          %lt3A_457 = vector.broadcast %scan3A_117 : i32 to vector<16xi32>
          %lt3A_458 = arith.cmpi slt, %get3A_451, %lt3A_457 : vector<16xi32>
          %jit3A_459 = arith.constant 0.000000e+00 : f32
          %broadcast_in_dim3A_460 = vector.broadcast %jit3A_459 : f32 to vector<16xf32>
          %select_n3A_461 = arith.select %lt3A_458, %get3A_455, %broadcast_in_dim3A_460 : vector<16xi1>, vector<16xf32>
          %mul3A_462 = arith.mulf %gather3A_456, %select_n3A_461 : vector<16xf32>
          %add3A_463 = arith.addf %add3A_399, %mul3A_462 : vector<16xf32>
          %add3A_464 = arith.constant 336 : i32
          %add3A_465 = arith.addi %mul3A_120, %add3A_464 : i32
          %get3A_466 = arith.index_cast %add3A_465 : i32 to index
          %get3A_467 = tpu.vector_load %arg9[%get3A_466] {strides = array<i32>} : memref<16384xi32, #tpu.memory_space<vmem>>, vector<16xi32>,
          %add3A_468 = arith.constant 336 : i32
          %add3A_469 = arith.addi %mul3A_120, %add3A_468 : i32
          %get3A_470 = arith.index_cast %add3A_469 : i32 to index
          %get3A_471 = tpu.vector_load %arg8[%get3A_470] {strides = array<i32>} : memref<16384xf32, #tpu.memory_space<vmem>>, vector<16xf32>,
          %gather3A_472 = tpu.vector_load_idx %arg7[%get3A_467] : memref<4624xf32, #tpu.memory_space<vmem>>[vector<16xi32>], vector<16xf32>,
          %lt3A_473 = vector.broadcast %scan3A_117 : i32 to vector<16xi32>
          %lt3A_474 = arith.cmpi slt, %get3A_467, %lt3A_473 : vector<16xi32>
          %jit3A_475 = arith.constant 0.000000e+00 : f32
          %broadcast_in_dim3A_476 = vector.broadcast %jit3A_475 : f32 to vector<16xf32>
          %select_n3A_477 = arith.select %lt3A_474, %get3A_471, %broadcast_in_dim3A_476 : vector<16xi1>, vector<16xf32>
          %mul3A_478 = arith.mulf %gather3A_472, %select_n3A_477 : vector<16xf32>
          %add3A_479 = arith.addf %add3A_415, %mul3A_478 : vector<16xf32>
          %add3A_480 = arith.constant 352 : i32
          %add3A_481 = arith.addi %mul3A_120, %add3A_480 : i32
          %get3A_482 = arith.index_cast %add3A_481 : i32 to index
          %get3A_483 = tpu.vector_load %arg9[%get3A_482] {strides = array<i32>} : memref<16384xi32, #tpu.memory_space<vmem>>, vector<16xi32>,
          %add3A_484 = arith.constant 352 : i32
          %add3A_485 = arith.addi %mul3A_120, %add3A_484 : i32
          %get3A_486 = arith.index_cast %add3A_485 : i32 to index
          %get3A_487 = tpu.vector_load %arg8[%get3A_486] {strides = array<i32>} : memref<16384xf32, #tpu.memory_space<vmem>>, vector<16xf32>,
          %gather3A_488 = tpu.vector_load_idx %arg7[%get3A_483] : memref<4624xf32, #tpu.memory_space<vmem>>[vector<16xi32>], vector<16xf32>,
          %lt3A_489 = vector.broadcast %scan3A_117 : i32 to vector<16xi32>
          %lt3A_490 = arith.cmpi slt, %get3A_483, %lt3A_489 : vector<16xi32>
          %jit3A_491 = arith.constant 0.000000e+00 : f32
          %broadcast_in_dim3A_492 = vector.broadcast %jit3A_491 : f32 to vector<16xf32>
          %select_n3A_493 = arith.select %lt3A_490, %get3A_487, %broadcast_in_dim3A_492 : vector<16xi1>, vector<16xf32>
          %mul3A_494 = arith.mulf %gather3A_488, %select_n3A_493 : vector<16xf32>
          %add3A_495 = arith.addf %add3A_431, %mul3A_494 : vector<16xf32>
          %add3A_496 = arith.constant 368 : i32
          %add3A_497 = arith.addi %mul3A_120, %add3A_496 : i32
          %get3A_498 = arith.index_cast %add3A_497 : i32 to index
          %get3A_499 = tpu.vector_load %arg9[%get3A_498] {strides = array<i32>} : memref<16384xi32, #tpu.memory_space<vmem>>, vector<16xi32>,
          %add3A_500 = arith.constant 368 : i32
          %add3A_501 = arith.addi %mul3A_120, %add3A_500 : i32
          %get3A_502 = arith.index_cast %add3A_501 : i32 to index
          %get3A_503 = tpu.vector_load %arg8[%get3A_502] {strides = array<i32>} : memref<16384xf32, #tpu.memory_space<vmem>>, vector<16xf32>,
          %gather3A_504 = tpu.vector_load_idx %arg7[%get3A_499] : memref<4624xf32, #tpu.memory_space<vmem>>[vector<16xi32>], vector<16xf32>,
          %lt3A_505 = vector.broadcast %scan3A_117 : i32 to vector<16xi32>
          %lt3A_506 = arith.cmpi slt, %get3A_499, %lt3A_505 : vector<16xi32>
          %jit3A_507 = arith.constant 0.000000e+00 : f32
          %broadcast_in_dim3A_508 = vector.broadcast %jit3A_507 : f32 to vector<16xf32>
          %select_n3A_509 = arith.select %lt3A_506, %get3A_503, %broadcast_in_dim3A_508 : vector<16xi1>, vector<16xf32>
          %mul3A_510 = arith.mulf %gather3A_504, %select_n3A_509 : vector<16xf32>
          %add3A_511 = arith.addf %add3A_447, %mul3A_510 : vector<16xf32>
          %add3A_512 = arith.constant 384 : i32
          %add3A_513 = arith.addi %mul3A_120, %add3A_512 : i32
          %get3A_514 = arith.index_cast %add3A_513 : i32 to index
          %get3A_515 = tpu.vector_load %arg9[%get3A_514] {strides = array<i32>} : memref<16384xi32, #tpu.memory_space<vmem>>, vector<16xi32>,
          %add3A_516 = arith.constant 384 : i32
          %add3A_517 = arith.addi %mul3A_120, %add3A_516 : i32
          %get3A_518 = arith.index_cast %add3A_517 : i32 to index
          %get3A_519 = tpu.vector_load %arg8[%get3A_518] {strides = array<i32>} : memref<16384xf32, #tpu.memory_space<vmem>>, vector<16xf32>,
          %gather3A_520 = tpu.vector_load_idx %arg7[%get3A_515] : memref<4624xf32, #tpu.memory_space<vmem>>[vector<16xi32>], vector<16xf32>,
          %lt3A_521 = vector.broadcast %scan3A_117 : i32 to vector<16xi32>
          %lt3A_522 = arith.cmpi slt, %get3A_515, %lt3A_521 : vector<16xi32>
          %jit3A_523 = arith.constant 0.000000e+00 : f32
          %broadcast_in_dim3A_524 = vector.broadcast %jit3A_523 : f32 to vector<16xf32>
          %select_n3A_525 = arith.select %lt3A_522, %get3A_519, %broadcast_in_dim3A_524 : vector<16xi1>, vector<16xf32>
          %mul3A_526 = arith.mulf %gather3A_520, %select_n3A_525 : vector<16xf32>
          %add3A_527 = arith.addf %add3A_463, %mul3A_526 : vector<16xf32>
          %add3A_528 = arith.constant 400 : i32
          %add3A_529 = arith.addi %mul3A_120, %add3A_528 : i32
          %get3A_530 = arith.index_cast %add3A_529 : i32 to index
          %get3A_531 = tpu.vector_load %arg9[%get3A_530] {strides = array<i32>} : memref<16384xi32, #tpu.memory_space<vmem>>, vector<16xi32>,
          %add3A_532 = arith.constant 400 : i32
          %add3A_533 = arith.addi %mul3A_120, %add3A_532 : i32
          %get3A_534 = arith.index_cast %add3A_533 : i32 to index
          %get3A_535 = tpu.vector_load %arg8[%get3A_534] {strides = array<i32>} : memref<16384xf32, #tpu.memory_space<vmem>>, vector<16xf32>,
          %gather3A_536 = tpu.vector_load_idx %arg7[%get3A_531] : memref<4624xf32, #tpu.memory_space<vmem>>[vector<16xi32>], vector<16xf32>,
          %lt3A_537 = vector.broadcast %scan3A_117 : i32 to vector<16xi32>
          %lt3A_538 = arith.cmpi slt, %get3A_531, %lt3A_537 : vector<16xi32>
          %jit3A_539 = arith.constant 0.000000e+00 : f32
          %broadcast_in_dim3A_540 = vector.broadcast %jit3A_539 : f32 to vector<16xf32>
          %select_n3A_541 = arith.select %lt3A_538, %get3A_535, %broadcast_in_dim3A_540 : vector<16xi1>, vector<16xf32>
          %mul3A_542 = arith.mulf %gather3A_536, %select_n3A_541 : vector<16xf32>
          %add3A_543 = arith.addf %add3A_479, %mul3A_542 : vector<16xf32>
          %add3A_544 = arith.constant 416 : i32
          %add3A_545 = arith.addi %mul3A_120, %add3A_544 : i32
          %get3A_546 = arith.index_cast %add3A_545 : i32 to index
          %get3A_547 = tpu.vector_load %arg9[%get3A_546] {strides = array<i32>} : memref<16384xi32, #tpu.memory_space<vmem>>, vector<16xi32>,
          %add3A_548 = arith.constant 416 : i32
          %add3A_549 = arith.addi %mul3A_120, %add3A_548 : i32
          %get3A_550 = arith.index_cast %add3A_549 : i32 to index
          %get3A_551 = tpu.vector_load %arg8[%get3A_550] {strides = array<i32>} : memref<16384xf32, #tpu.memory_space<vmem>>, vector<16xf32>,
          %gather3A_552 = tpu.vector_load_idx %arg7[%get3A_547] : memref<4624xf32, #tpu.memory_space<vmem>>[vector<16xi32>], vector<16xf32>,
          %lt3A_553 = vector.broadcast %scan3A_117 : i32 to vector<16xi32>
          %lt3A_554 = arith.cmpi slt, %get3A_547, %lt3A_553 : vector<16xi32>
          %jit3A_555 = arith.constant 0.000000e+00 : f32
          %broadcast_in_dim3A_556 = vector.broadcast %jit3A_555 : f32 to vector<16xf32>
          %select_n3A_557 = arith.select %lt3A_554, %get3A_551, %broadcast_in_dim3A_556 : vector<16xi1>, vector<16xf32>
          %mul3A_558 = arith.mulf %gather3A_552, %select_n3A_557 : vector<16xf32>
          %add3A_559 = arith.addf %add3A_495, %mul3A_558 : vector<16xf32>
          %add3A_560 = arith.constant 432 : i32
          %add3A_561 = arith.addi %mul3A_120, %add3A_560 : i32
          %get3A_562 = arith.index_cast %add3A_561 : i32 to index
          %get3A_563 = tpu.vector_load %arg9[%get3A_562] {strides = array<i32>} : memref<16384xi32, #tpu.memory_space<vmem>>, vector<16xi32>,
          %add3A_564 = arith.constant 432 : i32
          %add3A_565 = arith.addi %mul3A_120, %add3A_564 : i32
          %get3A_566 = arith.index_cast %add3A_565 : i32 to index
          %get3A_567 = tpu.vector_load %arg8[%get3A_566] {strides = array<i32>} : memref<16384xf32, #tpu.memory_space<vmem>>, vector<16xf32>,
          %gather3A_568 = tpu.vector_load_idx %arg7[%get3A_563] : memref<4624xf32, #tpu.memory_space<vmem>>[vector<16xi32>], vector<16xf32>,
          %lt3A_569 = vector.broadcast %scan3A_117 : i32 to vector<16xi32>
          %lt3A_570 = arith.cmpi slt, %get3A_563, %lt3A_569 : vector<16xi32>
          %jit3A_571 = arith.constant 0.000000e+00 : f32
          %broadcast_in_dim3A_572 = vector.broadcast %jit3A_571 : f32 to vector<16xf32>
          %select_n3A_573 = arith.select %lt3A_570, %get3A_567, %broadcast_in_dim3A_572 : vector<16xi1>, vector<16xf32>
          %mul3A_574 = arith.mulf %gather3A_568, %select_n3A_573 : vector<16xf32>
          %add3A_575 = arith.addf %add3A_511, %mul3A_574 : vector<16xf32>
          %add3A_576 = arith.constant 448 : i32
          %add3A_577 = arith.addi %mul3A_120, %add3A_576 : i32
          %get3A_578 = arith.index_cast %add3A_577 : i32 to index
          %get3A_579 = tpu.vector_load %arg9[%get3A_578] {strides = array<i32>} : memref<16384xi32, #tpu.memory_space<vmem>>, vector<16xi32>,
          %add3A_580 = arith.constant 448 : i32
          %add3A_581 = arith.addi %mul3A_120, %add3A_580 : i32
          %get3A_582 = arith.index_cast %add3A_581 : i32 to index
          %get3A_583 = tpu.vector_load %arg8[%get3A_582] {strides = array<i32>} : memref<16384xf32, #tpu.memory_space<vmem>>, vector<16xf32>,
          %gather3A_584 = tpu.vector_load_idx %arg7[%get3A_579] : memref<4624xf32, #tpu.memory_space<vmem>>[vector<16xi32>], vector<16xf32>,
          %lt3A_585 = vector.broadcast %scan3A_117 : i32 to vector<16xi32>
          %lt3A_586 = arith.cmpi slt, %get3A_579, %lt3A_585 : vector<16xi32>
          %jit3A_587 = arith.constant 0.000000e+00 : f32
          %broadcast_in_dim3A_588 = vector.broadcast %jit3A_587 : f32 to vector<16xf32>
          %select_n3A_589 = arith.select %lt3A_586, %get3A_583, %broadcast_in_dim3A_588 : vector<16xi1>, vector<16xf32>
          %mul3A_590 = arith.mulf %gather3A_584, %select_n3A_589 : vector<16xf32>
          %add3A_591 = arith.addf %add3A_527, %mul3A_590 : vector<16xf32>
          %add3A_592 = arith.constant 464 : i32
          %add3A_593 = arith.addi %mul3A_120, %add3A_592 : i32
          %get3A_594 = arith.index_cast %add3A_593 : i32 to index
          %get3A_595 = tpu.vector_load %arg9[%get3A_594] {strides = array<i32>} : memref<16384xi32, #tpu.memory_space<vmem>>, vector<16xi32>,
          %add3A_596 = arith.constant 464 : i32
          %add3A_597 = arith.addi %mul3A_120, %add3A_596 : i32
          %get3A_598 = arith.index_cast %add3A_597 : i32 to index
          %get3A_599 = tpu.vector_load %arg8[%get3A_598] {strides = array<i32>} : memref<16384xf32, #tpu.memory_space<vmem>>, vector<16xf32>,
          %gather3A_600 = tpu.vector_load_idx %arg7[%get3A_595] : memref<4624xf32, #tpu.memory_space<vmem>>[vector<16xi32>], vector<16xf32>,
          %lt3A_601 = vector.broadcast %scan3A_117 : i32 to vector<16xi32>
          %lt3A_602 = arith.cmpi slt, %get3A_595, %lt3A_601 : vector<16xi32>
          %jit3A_603 = arith.constant 0.000000e+00 : f32
          %broadcast_in_dim3A_604 = vector.broadcast %jit3A_603 : f32 to vector<16xf32>
          %select_n3A_605 = arith.select %lt3A_602, %get3A_599, %broadcast_in_dim3A_604 : vector<16xi1>, vector<16xf32>
          %mul3A_606 = arith.mulf %gather3A_600, %select_n3A_605 : vector<16xf32>
          %add3A_607 = arith.addf %add3A_543, %mul3A_606 : vector<16xf32>
          %add3A_608 = arith.constant 480 : i32
          %add3A_609 = arith.addi %mul3A_120, %add3A_608 : i32
          %get3A_610 = arith.index_cast %add3A_609 : i32 to index
          %get3A_611 = tpu.vector_load %arg9[%get3A_610] {strides = array<i32>} : memref<16384xi32, #tpu.memory_space<vmem>>, vector<16xi32>,
          %add3A_612 = arith.constant 480 : i32
          %add3A_613 = arith.addi %mul3A_120, %add3A_612 : i32
          %get3A_614 = arith.index_cast %add3A_613 : i32 to index
          %get3A_615 = tpu.vector_load %arg8[%get3A_614] {strides = array<i32>} : memref<16384xf32, #tpu.memory_space<vmem>>, vector<16xf32>,
          %gather3A_616 = tpu.vector_load_idx %arg7[%get3A_611] : memref<4624xf32, #tpu.memory_space<vmem>>[vector<16xi32>], vector<16xf32>,
          %lt3A_617 = vector.broadcast %scan3A_117 : i32 to vector<16xi32>
          %lt3A_618 = arith.cmpi slt, %get3A_611, %lt3A_617 : vector<16xi32>
          %jit3A_619 = arith.constant 0.000000e+00 : f32
          %broadcast_in_dim3A_620 = vector.broadcast %jit3A_619 : f32 to vector<16xf32>
          %select_n3A_621 = arith.select %lt3A_618, %get3A_615, %broadcast_in_dim3A_620 : vector<16xi1>, vector<16xf32>
          %mul3A_622 = arith.mulf %gather3A_616, %select_n3A_621 : vector<16xf32>
          %add3A_623 = arith.addf %add3A_559, %mul3A_622 : vector<16xf32>
          %add3A_624 = arith.constant 496 : i32
          %add3A_625 = arith.addi %mul3A_120, %add3A_624 : i32
          %get3A_626 = arith.index_cast %add3A_625 : i32 to index
          %get3A_627 = tpu.vector_load %arg9[%get3A_626] {strides = array<i32>} : memref<16384xi32, #tpu.memory_space<vmem>>, vector<16xi32>,
          %add3A_628 = arith.constant 496 : i32
          %add3A_629 = arith.addi %mul3A_120, %add3A_628 : i32
          %get3A_630 = arith.index_cast %add3A_629 : i32 to index
          %get3A_631 = tpu.vector_load %arg8[%get3A_630] {strides = array<i32>} : memref<16384xf32, #tpu.memory_space<vmem>>, vector<16xf32>,
          %gather3A_632 = tpu.vector_load_idx %arg7[%get3A_627] : memref<4624xf32, #tpu.memory_space<vmem>>[vector<16xi32>], vector<16xf32>,
          %lt3A_633 = vector.broadcast %scan3A_117 : i32 to vector<16xi32>
          %lt3A_634 = arith.cmpi slt, %get3A_627, %lt3A_633 : vector<16xi32>
          %jit3A_635 = arith.constant 0.000000e+00 : f32
          %broadcast_in_dim3A_636 = vector.broadcast %jit3A_635 : f32 to vector<16xf32>
          %select_n3A_637 = arith.select %lt3A_634, %get3A_631, %broadcast_in_dim3A_636 : vector<16xi1>, vector<16xf32>
          %mul3A_638 = arith.mulf %gather3A_632, %select_n3A_637 : vector<16xf32>
          %add3A_639 = arith.addf %add3A_575, %mul3A_638 : vector<16xf32>
          %add3A_640 = arith.constant 512 : i32
          %add3A_641 = arith.addi %mul3A_120, %add3A_640 : i32
          %get3A_642 = arith.index_cast %add3A_641 : i32 to index
          %get3A_643 = tpu.vector_load %arg9[%get3A_642] {strides = array<i32>} : memref<16384xi32, #tpu.memory_space<vmem>>, vector<16xi32>,
          %add3A_644 = arith.constant 512 : i32
          %add3A_645 = arith.addi %mul3A_120, %add3A_644 : i32
          %get3A_646 = arith.index_cast %add3A_645 : i32 to index
          %get3A_647 = tpu.vector_load %arg8[%get3A_646] {strides = array<i32>} : memref<16384xf32, #tpu.memory_space<vmem>>, vector<16xf32>,
          %gather3A_648 = tpu.vector_load_idx %arg7[%get3A_643] : memref<4624xf32, #tpu.memory_space<vmem>>[vector<16xi32>], vector<16xf32>,
          %lt3A_649 = vector.broadcast %scan3A_117 : i32 to vector<16xi32>
          %lt3A_650 = arith.cmpi slt, %get3A_643, %lt3A_649 : vector<16xi32>
          %jit3A_651 = arith.constant 0.000000e+00 : f32
          %broadcast_in_dim3A_652 = vector.broadcast %jit3A_651 : f32 to vector<16xf32>
          %select_n3A_653 = arith.select %lt3A_650, %get3A_647, %broadcast_in_dim3A_652 : vector<16xi1>, vector<16xf32>
          %mul3A_654 = arith.mulf %gather3A_648, %select_n3A_653 : vector<16xf32>
          %add3A_655 = arith.addf %add3A_591, %mul3A_654 : vector<16xf32>
          %add3A_656 = arith.constant 528 : i32
          %add3A_657 = arith.addi %mul3A_120, %add3A_656 : i32
          %get3A_658 = arith.index_cast %add3A_657 : i32 to index
          %get3A_659 = tpu.vector_load %arg9[%get3A_658] {strides = array<i32>} : memref<16384xi32, #tpu.memory_space<vmem>>, vector<16xi32>,
          %add3A_660 = arith.constant 528 : i32
          %add3A_661 = arith.addi %mul3A_120, %add3A_660 : i32
          %get3A_662 = arith.index_cast %add3A_661 : i32 to index
          %get3A_663 = tpu.vector_load %arg8[%get3A_662] {strides = array<i32>} : memref<16384xf32, #tpu.memory_space<vmem>>, vector<16xf32>,
          %gather3A_664 = tpu.vector_load_idx %arg7[%get3A_659] : memref<4624xf32, #tpu.memory_space<vmem>>[vector<16xi32>], vector<16xf32>,
          %lt3A_665 = vector.broadcast %scan3A_117 : i32 to vector<16xi32>
          %lt3A_666 = arith.cmpi slt, %get3A_659, %lt3A_665 : vector<16xi32>
          %jit3A_667 = arith.constant 0.000000e+00 : f32
          %broadcast_in_dim3A_668 = vector.broadcast %jit3A_667 : f32 to vector<16xf32>
          %select_n3A_669 = arith.select %lt3A_666, %get3A_663, %broadcast_in_dim3A_668 : vector<16xi1>, vector<16xf32>
          %mul3A_670 = arith.mulf %gather3A_664, %select_n3A_669 : vector<16xf32>
          %add3A_671 = arith.addf %add3A_607, %mul3A_670 : vector<16xf32>
          %add3A_672 = arith.constant 544 : i32
          %add3A_673 = arith.addi %mul3A_120, %add3A_672 : i32
          %get3A_674 = arith.index_cast %add3A_673 : i32 to index
          %get3A_675 = tpu.vector_load %arg9[%get3A_674] {strides = array<i32>} : memref<16384xi32, #tpu.memory_space<vmem>>, vector<16xi32>,
          %add3A_676 = arith.constant 544 : i32
          %add3A_677 = arith.addi %mul3A_120, %add3A_676 : i32
          %get3A_678 = arith.index_cast %add3A_677 : i32 to index
          %get3A_679 = tpu.vector_load %arg8[%get3A_678] {strides = array<i32>} : memref<16384xf32, #tpu.memory_space<vmem>>, vector<16xf32>,
          %gather3A_680 = tpu.vector_load_idx %arg7[%get3A_675] : memref<4624xf32, #tpu.memory_space<vmem>>[vector<16xi32>], vector<16xf32>,
          %lt3A_681 = vector.broadcast %scan3A_117 : i32 to vector<16xi32>
          %lt3A_682 = arith.cmpi slt, %get3A_675, %lt3A_681 : vector<16xi32>
          %jit3A_683 = arith.constant 0.000000e+00 : f32
          %broadcast_in_dim3A_684 = vector.broadcast %jit3A_683 : f32 to vector<16xf32>
          %select_n3A_685 = arith.select %lt3A_682, %get3A_679, %broadcast_in_dim3A_684 : vector<16xi1>, vector<16xf32>
          %mul3A_686 = arith.mulf %gather3A_680, %select_n3A_685 : vector<16xf32>
          %add3A_687 = arith.addf %add3A_623, %mul3A_686 : vector<16xf32>
          %add3A_688 = arith.constant 560 : i32
          %add3A_689 = arith.addi %mul3A_120, %add3A_688 : i32
          %get3A_690 = arith.index_cast %add3A_689 : i32 to index
          %get3A_691 = tpu.vector_load %arg9[%get3A_690] {strides = array<i32>} : memref<16384xi32, #tpu.memory_space<vmem>>, vector<16xi32>,
          %add3A_692 = arith.constant 560 : i32
          %add3A_693 = arith.addi %mul3A_120, %add3A_692 : i32
          %get3A_694 = arith.index_cast %add3A_693 : i32 to index
          %get3A_695 = tpu.vector_load %arg8[%get3A_694] {strides = array<i32>} : memref<16384xf32, #tpu.memory_space<vmem>>, vector<16xf32>,
          %gather3A_696 = tpu.vector_load_idx %arg7[%get3A_691] : memref<4624xf32, #tpu.memory_space<vmem>>[vector<16xi32>], vector<16xf32>,
          %lt3A_697 = vector.broadcast %scan3A_117 : i32 to vector<16xi32>
          %lt3A_698 = arith.cmpi slt, %get3A_691, %lt3A_697 : vector<16xi32>
          %jit3A_699 = arith.constant 0.000000e+00 : f32
          %broadcast_in_dim3A_700 = vector.broadcast %jit3A_699 : f32 to vector<16xf32>
          %select_n3A_701 = arith.select %lt3A_698, %get3A_695, %broadcast_in_dim3A_700 : vector<16xi1>, vector<16xf32>
          %mul3A_702 = arith.mulf %gather3A_696, %select_n3A_701 : vector<16xf32>
          %add3A_703 = arith.addf %add3A_639, %mul3A_702 : vector<16xf32>
          %add3A_704 = arith.constant 576 : i32
          %add3A_705 = arith.addi %mul3A_120, %add3A_704 : i32
          %get3A_706 = arith.index_cast %add3A_705 : i32 to index
          %get3A_707 = tpu.vector_load %arg9[%get3A_706] {strides = array<i32>} : memref<16384xi32, #tpu.memory_space<vmem>>, vector<16xi32>,
          %add3A_708 = arith.constant 576 : i32
          %add3A_709 = arith.addi %mul3A_120, %add3A_708 : i32
          %get3A_710 = arith.index_cast %add3A_709 : i32 to index
          %get3A_711 = tpu.vector_load %arg8[%get3A_710] {strides = array<i32>} : memref<16384xf32, #tpu.memory_space<vmem>>, vector<16xf32>,
          %gather3A_712 = tpu.vector_load_idx %arg7[%get3A_707] : memref<4624xf32, #tpu.memory_space<vmem>>[vector<16xi32>], vector<16xf32>,
          %lt3A_713 = vector.broadcast %scan3A_117 : i32 to vector<16xi32>
          %lt3A_714 = arith.cmpi slt, %get3A_707, %lt3A_713 : vector<16xi32>
          %jit3A_715 = arith.constant 0.000000e+00 : f32
          %broadcast_in_dim3A_716 = vector.broadcast %jit3A_715 : f32 to vector<16xf32>
          %select_n3A_717 = arith.select %lt3A_714, %get3A_711, %broadcast_in_dim3A_716 : vector<16xi1>, vector<16xf32>
          %mul3A_718 = arith.mulf %gather3A_712, %select_n3A_717 : vector<16xf32>
          %add3A_719 = arith.addf %add3A_655, %mul3A_718 : vector<16xf32>
          %add3A_720 = arith.constant 592 : i32
          %add3A_721 = arith.addi %mul3A_120, %add3A_720 : i32
          %get3A_722 = arith.index_cast %add3A_721 : i32 to index
          %get3A_723 = tpu.vector_load %arg9[%get3A_722] {strides = array<i32>} : memref<16384xi32, #tpu.memory_space<vmem>>, vector<16xi32>,
          %add3A_724 = arith.constant 592 : i32
          %add3A_725 = arith.addi %mul3A_120, %add3A_724 : i32
          %get3A_726 = arith.index_cast %add3A_725 : i32 to index
          %get3A_727 = tpu.vector_load %arg8[%get3A_726] {strides = array<i32>} : memref<16384xf32, #tpu.memory_space<vmem>>, vector<16xf32>,
          %gather3A_728 = tpu.vector_load_idx %arg7[%get3A_723] : memref<4624xf32, #tpu.memory_space<vmem>>[vector<16xi32>], vector<16xf32>,
          %lt3A_729 = vector.broadcast %scan3A_117 : i32 to vector<16xi32>
          %lt3A_730 = arith.cmpi slt, %get3A_723, %lt3A_729 : vector<16xi32>
          %jit3A_731 = arith.constant 0.000000e+00 : f32
          %broadcast_in_dim3A_732 = vector.broadcast %jit3A_731 : f32 to vector<16xf32>
          %select_n3A_733 = arith.select %lt3A_730, %get3A_727, %broadcast_in_dim3A_732 : vector<16xi1>, vector<16xf32>
          %mul3A_734 = arith.mulf %gather3A_728, %select_n3A_733 : vector<16xf32>
          %add3A_735 = arith.addf %add3A_671, %mul3A_734 : vector<16xf32>
          %add3A_736 = arith.constant 608 : i32
          %add3A_737 = arith.addi %mul3A_120, %add3A_736 : i32
          %get3A_738 = arith.index_cast %add3A_737 : i32 to index
          %get3A_739 = tpu.vector_load %arg9[%get3A_738] {strides = array<i32>} : memref<16384xi32, #tpu.memory_space<vmem>>, vector<16xi32>,
          %add3A_740 = arith.constant 608 : i32
          %add3A_741 = arith.addi %mul3A_120, %add3A_740 : i32
          %get3A_742 = arith.index_cast %add3A_741 : i32 to index
          %get3A_743 = tpu.vector_load %arg8[%get3A_742] {strides = array<i32>} : memref<16384xf32, #tpu.memory_space<vmem>>, vector<16xf32>,
          %gather3A_744 = tpu.vector_load_idx %arg7[%get3A_739] : memref<4624xf32, #tpu.memory_space<vmem>>[vector<16xi32>], vector<16xf32>,
          %lt3A_745 = vector.broadcast %scan3A_117 : i32 to vector<16xi32>
          %lt3A_746 = arith.cmpi slt, %get3A_739, %lt3A_745 : vector<16xi32>
          %jit3A_747 = arith.constant 0.000000e+00 : f32
          %broadcast_in_dim3A_748 = vector.broadcast %jit3A_747 : f32 to vector<16xf32>
          %select_n3A_749 = arith.select %lt3A_746, %get3A_743, %broadcast_in_dim3A_748 : vector<16xi1>, vector<16xf32>
          %mul3A_750 = arith.mulf %gather3A_744, %select_n3A_749 : vector<16xf32>
          %add3A_751 = arith.addf %add3A_687, %mul3A_750 : vector<16xf32>
          %add3A_752 = arith.constant 624 : i32
          %add3A_753 = arith.addi %mul3A_120, %add3A_752 : i32
          %get3A_754 = arith.index_cast %add3A_753 : i32 to index
          %get3A_755 = tpu.vector_load %arg9[%get3A_754] {strides = array<i32>} : memref<16384xi32, #tpu.memory_space<vmem>>, vector<16xi32>,
          %add3A_756 = arith.constant 624 : i32
          %add3A_757 = arith.addi %mul3A_120, %add3A_756 : i32
          %get3A_758 = arith.index_cast %add3A_757 : i32 to index
          %get3A_759 = tpu.vector_load %arg8[%get3A_758] {strides = array<i32>} : memref<16384xf32, #tpu.memory_space<vmem>>, vector<16xf32>,
          %gather3A_760 = tpu.vector_load_idx %arg7[%get3A_755] : memref<4624xf32, #tpu.memory_space<vmem>>[vector<16xi32>], vector<16xf32>,
          %lt3A_761 = vector.broadcast %scan3A_117 : i32 to vector<16xi32>
          %lt3A_762 = arith.cmpi slt, %get3A_755, %lt3A_761 : vector<16xi32>
          %jit3A_763 = arith.constant 0.000000e+00 : f32
          %broadcast_in_dim3A_764 = vector.broadcast %jit3A_763 : f32 to vector<16xf32>
          %select_n3A_765 = arith.select %lt3A_762, %get3A_759, %broadcast_in_dim3A_764 : vector<16xi1>, vector<16xf32>
          %mul3A_766 = arith.mulf %gather3A_760, %select_n3A_765 : vector<16xf32>
          %add3A_767 = arith.addf %add3A_703, %mul3A_766 : vector<16xf32>
          %add3A_768 = arith.constant 640 : i32
          %add3A_769 = arith.addi %mul3A_120, %add3A_768 : i32
          %get3A_770 = arith.index_cast %add3A_769 : i32 to index
          %get3A_771 = tpu.vector_load %arg9[%get3A_770] {strides = array<i32>} : memref<16384xi32, #tpu.memory_space<vmem>>, vector<16xi32>,
          %add3A_772 = arith.constant 640 : i32
          %add3A_773 = arith.addi %mul3A_120, %add3A_772 : i32
          %get3A_774 = arith.index_cast %add3A_773 : i32 to index
          %get3A_775 = tpu.vector_load %arg8[%get3A_774] {strides = array<i32>} : memref<16384xf32, #tpu.memory_space<vmem>>, vector<16xf32>,
          %gather3A_776 = tpu.vector_load_idx %arg7[%get3A_771] : memref<4624xf32, #tpu.memory_space<vmem>>[vector<16xi32>], vector<16xf32>,
          %lt3A_777 = vector.broadcast %scan3A_117 : i32 to vector<16xi32>
          %lt3A_778 = arith.cmpi slt, %get3A_771, %lt3A_777 : vector<16xi32>
          %jit3A_779 = arith.constant 0.000000e+00 : f32
          %broadcast_in_dim3A_780 = vector.broadcast %jit3A_779 : f32 to vector<16xf32>
          %select_n3A_781 = arith.select %lt3A_778, %get3A_775, %broadcast_in_dim3A_780 : vector<16xi1>, vector<16xf32>
          %mul3A_782 = arith.mulf %gather3A_776, %select_n3A_781 : vector<16xf32>
          %add3A_783 = arith.addf %add3A_719, %mul3A_782 : vector<16xf32>
          %add3A_784 = arith.constant 656 : i32
          %add3A_785 = arith.addi %mul3A_120, %add3A_784 : i32
          %get3A_786 = arith.index_cast %add3A_785 : i32 to index
          %get3A_787 = tpu.vector_load %arg9[%get3A_786] {strides = array<i32>} : memref<16384xi32, #tpu.memory_space<vmem>>, vector<16xi32>,
          %add3A_788 = arith.constant 656 : i32
          %add3A_789 = arith.addi %mul3A_120, %add3A_788 : i32
          %get3A_790 = arith.index_cast %add3A_789 : i32 to index
          %get3A_791 = tpu.vector_load %arg8[%get3A_790] {strides = array<i32>} : memref<16384xf32, #tpu.memory_space<vmem>>, vector<16xf32>,
          %gather3A_792 = tpu.vector_load_idx %arg7[%get3A_787] : memref<4624xf32, #tpu.memory_space<vmem>>[vector<16xi32>], vector<16xf32>,
          %lt3A_793 = vector.broadcast %scan3A_117 : i32 to vector<16xi32>
          %lt3A_794 = arith.cmpi slt, %get3A_787, %lt3A_793 : vector<16xi32>
          %jit3A_795 = arith.constant 0.000000e+00 : f32
          %broadcast_in_dim3A_796 = vector.broadcast %jit3A_795 : f32 to vector<16xf32>
          %select_n3A_797 = arith.select %lt3A_794, %get3A_791, %broadcast_in_dim3A_796 : vector<16xi1>, vector<16xf32>
          %mul3A_798 = arith.mulf %gather3A_792, %select_n3A_797 : vector<16xf32>
          %add3A_799 = arith.addf %add3A_735, %mul3A_798 : vector<16xf32>
          %add3A_800 = arith.constant 672 : i32
          %add3A_801 = arith.addi %mul3A_120, %add3A_800 : i32
          %get3A_802 = arith.index_cast %add3A_801 : i32 to index
          %get3A_803 = tpu.vector_load %arg9[%get3A_802] {strides = array<i32>} : memref<16384xi32, #tpu.memory_space<vmem>>, vector<16xi32>,
          %add3A_804 = arith.constant 672 : i32
          %add3A_805 = arith.addi %mul3A_120, %add3A_804 : i32
          %get3A_806 = arith.index_cast %add3A_805 : i32 to index
          %get3A_807 = tpu.vector_load %arg8[%get3A_806] {strides = array<i32>} : memref<16384xf32, #tpu.memory_space<vmem>>, vector<16xf32>,
          %gather3A_808 = tpu.vector_load_idx %arg7[%get3A_803] : memref<4624xf32, #tpu.memory_space<vmem>>[vector<16xi32>], vector<16xf32>,
          %lt3A_809 = vector.broadcast %scan3A_117 : i32 to vector<16xi32>
          %lt3A_810 = arith.cmpi slt, %get3A_803, %lt3A_809 : vector<16xi32>
          %jit3A_811 = arith.constant 0.000000e+00 : f32
          %broadcast_in_dim3A_812 = vector.broadcast %jit3A_811 : f32 to vector<16xf32>
          %select_n3A_813 = arith.select %lt3A_810, %get3A_807, %broadcast_in_dim3A_812 : vector<16xi1>, vector<16xf32>
          %mul3A_814 = arith.mulf %gather3A_808, %select_n3A_813 : vector<16xf32>
          %add3A_815 = arith.addf %add3A_751, %mul3A_814 : vector<16xf32>
          %add3A_816 = arith.constant 688 : i32
          %add3A_817 = arith.addi %mul3A_120, %add3A_816 : i32
          %get3A_818 = arith.index_cast %add3A_817 : i32 to index
          %get3A_819 = tpu.vector_load %arg9[%get3A_818] {strides = array<i32>} : memref<16384xi32, #tpu.memory_space<vmem>>, vector<16xi32>,
          %add3A_820 = arith.constant 688 : i32
          %add3A_821 = arith.addi %mul3A_120, %add3A_820 : i32
          %get3A_822 = arith.index_cast %add3A_821 : i32 to index
          %get3A_823 = tpu.vector_load %arg8[%get3A_822] {strides = array<i32>} : memref<16384xf32, #tpu.memory_space<vmem>>, vector<16xf32>,
          %gather3A_824 = tpu.vector_load_idx %arg7[%get3A_819] : memref<4624xf32, #tpu.memory_space<vmem>>[vector<16xi32>], vector<16xf32>,
          %lt3A_825 = vector.broadcast %scan3A_117 : i32 to vector<16xi32>
          %lt3A_826 = arith.cmpi slt, %get3A_819, %lt3A_825 : vector<16xi32>
          %jit3A_827 = arith.constant 0.000000e+00 : f32
          %broadcast_in_dim3A_828 = vector.broadcast %jit3A_827 : f32 to vector<16xf32>
          %select_n3A_829 = arith.select %lt3A_826, %get3A_823, %broadcast_in_dim3A_828 : vector<16xi1>, vector<16xf32>
          %mul3A_830 = arith.mulf %gather3A_824, %select_n3A_829 : vector<16xf32>
          %add3A_831 = arith.addf %add3A_767, %mul3A_830 : vector<16xf32>
          %add3A_832 = arith.constant 704 : i32
          %add3A_833 = arith.addi %mul3A_120, %add3A_832 : i32
          %get3A_834 = arith.index_cast %add3A_833 : i32 to index
          %get3A_835 = tpu.vector_load %arg9[%get3A_834] {strides = array<i32>} : memref<16384xi32, #tpu.memory_space<vmem>>, vector<16xi32>,
          %add3A_836 = arith.constant 704 : i32
          %add3A_837 = arith.addi %mul3A_120, %add3A_836 : i32
          %get3A_838 = arith.index_cast %add3A_837 : i32 to index
          %get3A_839 = tpu.vector_load %arg8[%get3A_838] {strides = array<i32>} : memref<16384xf32, #tpu.memory_space<vmem>>, vector<16xf32>,
          %gather3A_840 = tpu.vector_load_idx %arg7[%get3A_835] : memref<4624xf32, #tpu.memory_space<vmem>>[vector<16xi32>], vector<16xf32>,
          %lt3A_841 = vector.broadcast %scan3A_117 : i32 to vector<16xi32>
          %lt3A_842 = arith.cmpi slt, %get3A_835, %lt3A_841 : vector<16xi32>
          %jit3A_843 = arith.constant 0.000000e+00 : f32
          %broadcast_in_dim3A_844 = vector.broadcast %jit3A_843 : f32 to vector<16xf32>
          %select_n3A_845 = arith.select %lt3A_842, %get3A_839, %broadcast_in_dim3A_844 : vector<16xi1>, vector<16xf32>
          %mul3A_846 = arith.mulf %gather3A_840, %select_n3A_845 : vector<16xf32>
          %add3A_847 = arith.addf %add3A_783, %mul3A_846 : vector<16xf32>
          %add3A_848 = arith.constant 720 : i32
          %add3A_849 = arith.addi %mul3A_120, %add3A_848 : i32
          %get3A_850 = arith.index_cast %add3A_849 : i32 to index
          %get3A_851 = tpu.vector_load %arg9[%get3A_850] {strides = array<i32>} : memref<16384xi32, #tpu.memory_space<vmem>>, vector<16xi32>,
          %add3A_852 = arith.constant 720 : i32
          %add3A_853 = arith.addi %mul3A_120, %add3A_852 : i32
          %get3A_854 = arith.index_cast %add3A_853 : i32 to index
          %get3A_855 = tpu.vector_load %arg8[%get3A_854] {strides = array<i32>} : memref<16384xf32, #tpu.memory_space<vmem>>, vector<16xf32>,
          %gather3A_856 = tpu.vector_load_idx %arg7[%get3A_851] : memref<4624xf32, #tpu.memory_space<vmem>>[vector<16xi32>], vector<16xf32>,
          %lt3A_857 = vector.broadcast %scan3A_117 : i32 to vector<16xi32>
          %lt3A_858 = arith.cmpi slt, %get3A_851, %lt3A_857 : vector<16xi32>
          %jit3A_859 = arith.constant 0.000000e+00 : f32
          %broadcast_in_dim3A_860 = vector.broadcast %jit3A_859 : f32 to vector<16xf32>
          %select_n3A_861 = arith.select %lt3A_858, %get3A_855, %broadcast_in_dim3A_860 : vector<16xi1>, vector<16xf32>
          %mul3A_862 = arith.mulf %gather3A_856, %select_n3A_861 : vector<16xf32>
          %add3A_863 = arith.addf %add3A_799, %mul3A_862 : vector<16xf32>
          %add3A_864 = arith.constant 736 : i32
          %add3A_865 = arith.addi %mul3A_120, %add3A_864 : i32
          %get3A_866 = arith.index_cast %add3A_865 : i32 to index
          %get3A_867 = tpu.vector_load %arg9[%get3A_866] {strides = array<i32>} : memref<16384xi32, #tpu.memory_space<vmem>>, vector<16xi32>,
          %add3A_868 = arith.constant 736 : i32
          %add3A_869 = arith.addi %mul3A_120, %add3A_868 : i32
          %get3A_870 = arith.index_cast %add3A_869 : i32 to index
          %get3A_871 = tpu.vector_load %arg8[%get3A_870] {strides = array<i32>} : memref<16384xf32, #tpu.memory_space<vmem>>, vector<16xf32>,
          %gather3A_872 = tpu.vector_load_idx %arg7[%get3A_867] : memref<4624xf32, #tpu.memory_space<vmem>>[vector<16xi32>], vector<16xf32>,
          %lt3A_873 = vector.broadcast %scan3A_117 : i32 to vector<16xi32>
          %lt3A_874 = arith.cmpi slt, %get3A_867, %lt3A_873 : vector<16xi32>
          %jit3A_875 = arith.constant 0.000000e+00 : f32
          %broadcast_in_dim3A_876 = vector.broadcast %jit3A_875 : f32 to vector<16xf32>
          %select_n3A_877 = arith.select %lt3A_874, %get3A_871, %broadcast_in_dim3A_876 : vector<16xi1>, vector<16xf32>
          %mul3A_878 = arith.mulf %gather3A_872, %select_n3A_877 : vector<16xf32>
          %add3A_879 = arith.addf %add3A_815, %mul3A_878 : vector<16xf32>
          %add3A_880 = arith.constant 752 : i32
          %add3A_881 = arith.addi %mul3A_120, %add3A_880 : i32
          %get3A_882 = arith.index_cast %add3A_881 : i32 to index
          %get3A_883 = tpu.vector_load %arg9[%get3A_882] {strides = array<i32>} : memref<16384xi32, #tpu.memory_space<vmem>>, vector<16xi32>,
          %add3A_884 = arith.constant 752 : i32
          %add3A_885 = arith.addi %mul3A_120, %add3A_884 : i32
          %get3A_886 = arith.index_cast %add3A_885 : i32 to index
          %get3A_887 = tpu.vector_load %arg8[%get3A_886] {strides = array<i32>} : memref<16384xf32, #tpu.memory_space<vmem>>, vector<16xf32>,
          %gather3A_888 = tpu.vector_load_idx %arg7[%get3A_883] : memref<4624xf32, #tpu.memory_space<vmem>>[vector<16xi32>], vector<16xf32>,
          %lt3A_889 = vector.broadcast %scan3A_117 : i32 to vector<16xi32>
          %lt3A_890 = arith.cmpi slt, %get3A_883, %lt3A_889 : vector<16xi32>
          %jit3A_891 = arith.constant 0.000000e+00 : f32
          %broadcast_in_dim3A_892 = vector.broadcast %jit3A_891 : f32 to vector<16xf32>
          %select_n3A_893 = arith.select %lt3A_890, %get3A_887, %broadcast_in_dim3A_892 : vector<16xi1>, vector<16xf32>
          %mul3A_894 = arith.mulf %gather3A_888, %select_n3A_893 : vector<16xf32>
          %add3A_895 = arith.addf %add3A_831, %mul3A_894 : vector<16xf32>
          %add3A_896 = arith.constant 768 : i32
          %add3A_897 = arith.addi %mul3A_120, %add3A_896 : i32
          %get3A_898 = arith.index_cast %add3A_897 : i32 to index
          %get3A_899 = tpu.vector_load %arg9[%get3A_898] {strides = array<i32>} : memref<16384xi32, #tpu.memory_space<vmem>>, vector<16xi32>,
          %add3A_900 = arith.constant 768 : i32
          %add3A_901 = arith.addi %mul3A_120, %add3A_900 : i32
          %get3A_902 = arith.index_cast %add3A_901 : i32 to index
          %get3A_903 = tpu.vector_load %arg8[%get3A_902] {strides = array<i32>} : memref<16384xf32, #tpu.memory_space<vmem>>, vector<16xf32>,
          %gather3A_904 = tpu.vector_load_idx %arg7[%get3A_899] : memref<4624xf32, #tpu.memory_space<vmem>>[vector<16xi32>], vector<16xf32>,
          %lt3A_905 = vector.broadcast %scan3A_117 : i32 to vector<16xi32>
          %lt3A_906 = arith.cmpi slt, %get3A_899, %lt3A_905 : vector<16xi32>
          %jit3A_907 = arith.constant 0.000000e+00 : f32
          %broadcast_in_dim3A_908 = vector.broadcast %jit3A_907 : f32 to vector<16xf32>
          %select_n3A_909 = arith.select %lt3A_906, %get3A_903, %broadcast_in_dim3A_908 : vector<16xi1>, vector<16xf32>
          %mul3A_910 = arith.mulf %gather3A_904, %select_n3A_909 : vector<16xf32>
          %add3A_911 = arith.addf %add3A_847, %mul3A_910 : vector<16xf32>
          %add3A_912 = arith.constant 784 : i32
          %add3A_913 = arith.addi %mul3A_120, %add3A_912 : i32
          %get3A_914 = arith.index_cast %add3A_913 : i32 to index
          %get3A_915 = tpu.vector_load %arg9[%get3A_914] {strides = array<i32>} : memref<16384xi32, #tpu.memory_space<vmem>>, vector<16xi32>,
          %add3A_916 = arith.constant 784 : i32
          %add3A_917 = arith.addi %mul3A_120, %add3A_916 : i32
          %get3A_918 = arith.index_cast %add3A_917 : i32 to index
          %get3A_919 = tpu.vector_load %arg8[%get3A_918] {strides = array<i32>} : memref<16384xf32, #tpu.memory_space<vmem>>, vector<16xf32>,
          %gather3A_920 = tpu.vector_load_idx %arg7[%get3A_915] : memref<4624xf32, #tpu.memory_space<vmem>>[vector<16xi32>], vector<16xf32>,
          %lt3A_921 = vector.broadcast %scan3A_117 : i32 to vector<16xi32>
          %lt3A_922 = arith.cmpi slt, %get3A_915, %lt3A_921 : vector<16xi32>
          %jit3A_923 = arith.constant 0.000000e+00 : f32
          %broadcast_in_dim3A_924 = vector.broadcast %jit3A_923 : f32 to vector<16xf32>
          %select_n3A_925 = arith.select %lt3A_922, %get3A_919, %broadcast_in_dim3A_924 : vector<16xi1>, vector<16xf32>
          %mul3A_926 = arith.mulf %gather3A_920, %select_n3A_925 : vector<16xf32>
          %add3A_927 = arith.addf %add3A_863, %mul3A_926 : vector<16xf32>
          %add3A_928 = arith.constant 800 : i32
          %add3A_929 = arith.addi %mul3A_120, %add3A_928 : i32
          %get3A_930 = arith.index_cast %add3A_929 : i32 to index
          %get3A_931 = tpu.vector_load %arg9[%get3A_930] {strides = array<i32>} : memref<16384xi32, #tpu.memory_space<vmem>>, vector<16xi32>,
          %add3A_932 = arith.constant 800 : i32
          %add3A_933 = arith.addi %mul3A_120, %add3A_932 : i32
          %get3A_934 = arith.index_cast %add3A_933 : i32 to index
          %get3A_935 = tpu.vector_load %arg8[%get3A_934] {strides = array<i32>} : memref<16384xf32, #tpu.memory_space<vmem>>, vector<16xf32>,
          %gather3A_936 = tpu.vector_load_idx %arg7[%get3A_931] : memref<4624xf32, #tpu.memory_space<vmem>>[vector<16xi32>], vector<16xf32>,
          %lt3A_937 = vector.broadcast %scan3A_117 : i32 to vector<16xi32>
          %lt3A_938 = arith.cmpi slt, %get3A_931, %lt3A_937 : vector<16xi32>
          %jit3A_939 = arith.constant 0.000000e+00 : f32
          %broadcast_in_dim3A_940 = vector.broadcast %jit3A_939 : f32 to vector<16xf32>
          %select_n3A_941 = arith.select %lt3A_938, %get3A_935, %broadcast_in_dim3A_940 : vector<16xi1>, vector<16xf32>
          %mul3A_942 = arith.mulf %gather3A_936, %select_n3A_941 : vector<16xf32>
          %add3A_943 = arith.addf %add3A_879, %mul3A_942 : vector<16xf32>
          %add3A_944 = arith.constant 816 : i32
          %add3A_945 = arith.addi %mul3A_120, %add3A_944 : i32
          %get3A_946 = arith.index_cast %add3A_945 : i32 to index
          %get3A_947 = tpu.vector_load %arg9[%get3A_946] {strides = array<i32>} : memref<16384xi32, #tpu.memory_space<vmem>>, vector<16xi32>,
          %add3A_948 = arith.constant 816 : i32
          %add3A_949 = arith.addi %mul3A_120, %add3A_948 : i32
          %get3A_950 = arith.index_cast %add3A_949 : i32 to index
          %get3A_951 = tpu.vector_load %arg8[%get3A_950] {strides = array<i32>} : memref<16384xf32, #tpu.memory_space<vmem>>, vector<16xf32>,
          %gather3A_952 = tpu.vector_load_idx %arg7[%get3A_947] : memref<4624xf32, #tpu.memory_space<vmem>>[vector<16xi32>], vector<16xf32>,
          %lt3A_953 = vector.broadcast %scan3A_117 : i32 to vector<16xi32>
          %lt3A_954 = arith.cmpi slt, %get3A_947, %lt3A_953 : vector<16xi32>
          %jit3A_955 = arith.constant 0.000000e+00 : f32
          %broadcast_in_dim3A_956 = vector.broadcast %jit3A_955 : f32 to vector<16xf32>
          %select_n3A_957 = arith.select %lt3A_954, %get3A_951, %broadcast_in_dim3A_956 : vector<16xi1>, vector<16xf32>
          %mul3A_958 = arith.mulf %gather3A_952, %select_n3A_957 : vector<16xf32>
          %add3A_959 = arith.addf %add3A_895, %mul3A_958 : vector<16xf32>
          %add3A_960 = arith.constant 832 : i32
          %add3A_961 = arith.addi %mul3A_120, %add3A_960 : i32
          %get3A_962 = arith.index_cast %add3A_961 : i32 to index
          %get3A_963 = tpu.vector_load %arg9[%get3A_962] {strides = array<i32>} : memref<16384xi32, #tpu.memory_space<vmem>>, vector<16xi32>,
          %add3A_964 = arith.constant 832 : i32
          %add3A_965 = arith.addi %mul3A_120, %add3A_964 : i32
          %get3A_966 = arith.index_cast %add3A_965 : i32 to index
          %get3A_967 = tpu.vector_load %arg8[%get3A_966] {strides = array<i32>} : memref<16384xf32, #tpu.memory_space<vmem>>, vector<16xf32>,
          %gather3A_968 = tpu.vector_load_idx %arg7[%get3A_963] : memref<4624xf32, #tpu.memory_space<vmem>>[vector<16xi32>], vector<16xf32>,
          %lt3A_969 = vector.broadcast %scan3A_117 : i32 to vector<16xi32>
          %lt3A_970 = arith.cmpi slt, %get3A_963, %lt3A_969 : vector<16xi32>
          %jit3A_971 = arith.constant 0.000000e+00 : f32
          %broadcast_in_dim3A_972 = vector.broadcast %jit3A_971 : f32 to vector<16xf32>
          %select_n3A_973 = arith.select %lt3A_970, %get3A_967, %broadcast_in_dim3A_972 : vector<16xi1>, vector<16xf32>
          %mul3A_974 = arith.mulf %gather3A_968, %select_n3A_973 : vector<16xf32>
          %add3A_975 = arith.addf %add3A_911, %mul3A_974 : vector<16xf32>
          %add3A_976 = arith.constant 848 : i32
          %add3A_977 = arith.addi %mul3A_120, %add3A_976 : i32
          %get3A_978 = arith.index_cast %add3A_977 : i32 to index
          %get3A_979 = tpu.vector_load %arg9[%get3A_978] {strides = array<i32>} : memref<16384xi32, #tpu.memory_space<vmem>>, vector<16xi32>,
          %add3A_980 = arith.constant 848 : i32
          %add3A_981 = arith.addi %mul3A_120, %add3A_980 : i32
          %get3A_982 = arith.index_cast %add3A_981 : i32 to index
          %get3A_983 = tpu.vector_load %arg8[%get3A_982] {strides = array<i32>} : memref<16384xf32, #tpu.memory_space<vmem>>, vector<16xf32>,
          %gather3A_984 = tpu.vector_load_idx %arg7[%get3A_979] : memref<4624xf32, #tpu.memory_space<vmem>>[vector<16xi32>], vector<16xf32>,
          %lt3A_985 = vector.broadcast %scan3A_117 : i32 to vector<16xi32>
          %lt3A_986 = arith.cmpi slt, %get3A_979, %lt3A_985 : vector<16xi32>
          %jit3A_987 = arith.constant 0.000000e+00 : f32
          %broadcast_in_dim3A_988 = vector.broadcast %jit3A_987 : f32 to vector<16xf32>
          %select_n3A_989 = arith.select %lt3A_986, %get3A_983, %broadcast_in_dim3A_988 : vector<16xi1>, vector<16xf32>
          %mul3A_990 = arith.mulf %gather3A_984, %select_n3A_989 : vector<16xf32>
          %add3A_991 = arith.addf %add3A_927, %mul3A_990 : vector<16xf32>
          %add3A_992 = arith.constant 864 : i32
          %add3A_993 = arith.addi %mul3A_120, %add3A_992 : i32
          %get3A_994 = arith.index_cast %add3A_993 : i32 to index
          %get3A_995 = tpu.vector_load %arg9[%get3A_994] {strides = array<i32>} : memref<16384xi32, #tpu.memory_space<vmem>>, vector<16xi32>,
          %add3A_996 = arith.constant 864 : i32
          %add3A_997 = arith.addi %mul3A_120, %add3A_996 : i32
          %get3A_998 = arith.index_cast %add3A_997 : i32 to index
          %get3A_999 = tpu.vector_load %arg8[%get3A_998] {strides = array<i32>} : memref<16384xf32, #tpu.memory_space<vmem>>, vector<16xf32>,
          %gather3A_1000 = tpu.vector_load_idx %arg7[%get3A_995] : memref<4624xf32, #tpu.memory_space<vmem>>[vector<16xi32>], vector<16xf32>,
          %lt3A_1001 = vector.broadcast %scan3A_117 : i32 to vector<16xi32>
          %lt3A_1002 = arith.cmpi slt, %get3A_995, %lt3A_1001 : vector<16xi32>
          %jit3A_1003 = arith.constant 0.000000e+00 : f32
          %broadcast_in_dim3A_1004 = vector.broadcast %jit3A_1003 : f32 to vector<16xf32>
          %select_n3A_1005 = arith.select %lt3A_1002, %get3A_999, %broadcast_in_dim3A_1004 : vector<16xi1>, vector<16xf32>
          %mul3A_1006 = arith.mulf %gather3A_1000, %select_n3A_1005 : vector<16xf32>
          %add3A_1007 = arith.addf %add3A_943, %mul3A_1006 : vector<16xf32>
          %add3A_1008 = arith.constant 880 : i32
          %add3A_1009 = arith.addi %mul3A_120, %add3A_1008 : i32
          %get3A_1010 = arith.index_cast %add3A_1009 : i32 to index
          %get3A_1011 = tpu.vector_load %arg9[%get3A_1010] {strides = array<i32>} : memref<16384xi32, #tpu.memory_space<vmem>>, vector<16xi32>,
          %add3A_1012 = arith.constant 880 : i32
          %add3A_1013 = arith.addi %mul3A_120, %add3A_1012 : i32
          %get3A_1014 = arith.index_cast %add3A_1013 : i32 to index
          %get3A_1015 = tpu.vector_load %arg8[%get3A_1014] {strides = array<i32>} : memref<16384xf32, #tpu.memory_space<vmem>>, vector<16xf32>,
          %gather3A_1016 = tpu.vector_load_idx %arg7[%get3A_1011] : memref<4624xf32, #tpu.memory_space<vmem>>[vector<16xi32>], vector<16xf32>,
          %lt3A_1017 = vector.broadcast %scan3A_117 : i32 to vector<16xi32>
          %lt3A_1018 = arith.cmpi slt, %get3A_1011, %lt3A_1017 : vector<16xi32>
          %jit3A_1019 = arith.constant 0.000000e+00 : f32
          %broadcast_in_dim3A_1020 = vector.broadcast %jit3A_1019 : f32 to vector<16xf32>
          %select_n3A_1021 = arith.select %lt3A_1018, %get3A_1015, %broadcast_in_dim3A_1020 : vector<16xi1>, vector<16xf32>
          %mul3A_1022 = arith.mulf %gather3A_1016, %select_n3A_1021 : vector<16xf32>
          %add3A_1023 = arith.addf %add3A_959, %mul3A_1022 : vector<16xf32>
          %add3A_1024 = arith.constant 896 : i32
          %add3A_1025 = arith.addi %mul3A_120, %add3A_1024 : i32
          %get3A_1026 = arith.index_cast %add3A_1025 : i32 to index
          %get3A_1027 = tpu.vector_load %arg9[%get3A_1026] {strides = array<i32>} : memref<16384xi32, #tpu.memory_space<vmem>>, vector<16xi32>,
          %add3A_1028 = arith.constant 896 : i32
          %add3A_1029 = arith.addi %mul3A_120, %add3A_1028 : i32
          %get3A_1030 = arith.index_cast %add3A_1029 : i32 to index
          %get3A_1031 = tpu.vector_load %arg8[%get3A_1030] {strides = array<i32>} : memref<16384xf32, #tpu.memory_space<vmem>>, vector<16xf32>,
          %gather3A_1032 = tpu.vector_load_idx %arg7[%get3A_1027] : memref<4624xf32, #tpu.memory_space<vmem>>[vector<16xi32>], vector<16xf32>,
          %lt3A_1033 = vector.broadcast %scan3A_117 : i32 to vector<16xi32>
          %lt3A_1034 = arith.cmpi slt, %get3A_1027, %lt3A_1033 : vector<16xi32>
          %jit3A_1035 = arith.constant 0.000000e+00 : f32
          %broadcast_in_dim3A_1036 = vector.broadcast %jit3A_1035 : f32 to vector<16xf32>
          %select_n3A_1037 = arith.select %lt3A_1034, %get3A_1031, %broadcast_in_dim3A_1036 : vector<16xi1>, vector<16xf32>
          %mul3A_1038 = arith.mulf %gather3A_1032, %select_n3A_1037 : vector<16xf32>
          %add3A_1039 = arith.addf %add3A_975, %mul3A_1038 : vector<16xf32>
          %add3A_1040 = arith.constant 912 : i32
          %add3A_1041 = arith.addi %mul3A_120, %add3A_1040 : i32
          %get3A_1042 = arith.index_cast %add3A_1041 : i32 to index
          %get3A_1043 = tpu.vector_load %arg9[%get3A_1042] {strides = array<i32>} : memref<16384xi32, #tpu.memory_space<vmem>>, vector<16xi32>,
          %add3A_1044 = arith.constant 912 : i32
          %add3A_1045 = arith.addi %mul3A_120, %add3A_1044 : i32
          %get3A_1046 = arith.index_cast %add3A_1045 : i32 to index
          %get3A_1047 = tpu.vector_load %arg8[%get3A_1046] {strides = array<i32>} : memref<16384xf32, #tpu.memory_space<vmem>>, vector<16xf32>,
          %gather3A_1048 = tpu.vector_load_idx %arg7[%get3A_1043] : memref<4624xf32, #tpu.memory_space<vmem>>[vector<16xi32>], vector<16xf32>,
          %lt3A_1049 = vector.broadcast %scan3A_117 : i32 to vector<16xi32>
          %lt3A_1050 = arith.cmpi slt, %get3A_1043, %lt3A_1049 : vector<16xi32>
          %jit3A_1051 = arith.constant 0.000000e+00 : f32
          %broadcast_in_dim3A_1052 = vector.broadcast %jit3A_1051 : f32 to vector<16xf32>
          %select_n3A_1053 = arith.select %lt3A_1050, %get3A_1047, %broadcast_in_dim3A_1052 : vector<16xi1>, vector<16xf32>
          %mul3A_1054 = arith.mulf %gather3A_1048, %select_n3A_1053 : vector<16xf32>
          %add3A_1055 = arith.addf %add3A_991, %mul3A_1054 : vector<16xf32>
          %add3A_1056 = arith.constant 928 : i32
          %add3A_1057 = arith.addi %mul3A_120, %add3A_1056 : i32
          %get3A_1058 = arith.index_cast %add3A_1057 : i32 to index
          %get3A_1059 = tpu.vector_load %arg9[%get3A_1058] {strides = array<i32>} : memref<16384xi32, #tpu.memory_space<vmem>>, vector<16xi32>,
          %add3A_1060 = arith.constant 928 : i32
          %add3A_1061 = arith.addi %mul3A_120, %add3A_1060 : i32
          %get3A_1062 = arith.index_cast %add3A_1061 : i32 to index
          %get3A_1063 = tpu.vector_load %arg8[%get3A_1062] {strides = array<i32>} : memref<16384xf32, #tpu.memory_space<vmem>>, vector<16xf32>,
          %gather3A_1064 = tpu.vector_load_idx %arg7[%get3A_1059] : memref<4624xf32, #tpu.memory_space<vmem>>[vector<16xi32>], vector<16xf32>,
          %lt3A_1065 = vector.broadcast %scan3A_117 : i32 to vector<16xi32>
          %lt3A_1066 = arith.cmpi slt, %get3A_1059, %lt3A_1065 : vector<16xi32>
          %jit3A_1067 = arith.constant 0.000000e+00 : f32
          %broadcast_in_dim3A_1068 = vector.broadcast %jit3A_1067 : f32 to vector<16xf32>
          %select_n3A_1069 = arith.select %lt3A_1066, %get3A_1063, %broadcast_in_dim3A_1068 : vector<16xi1>, vector<16xf32>
          %mul3A_1070 = arith.mulf %gather3A_1064, %select_n3A_1069 : vector<16xf32>
          %add3A_1071 = arith.addf %add3A_1007, %mul3A_1070 : vector<16xf32>
          %add3A_1072 = arith.constant 944 : i32
          %add3A_1073 = arith.addi %mul3A_120, %add3A_1072 : i32
          %get3A_1074 = arith.index_cast %add3A_1073 : i32 to index
          %get3A_1075 = tpu.vector_load %arg9[%get3A_1074] {strides = array<i32>} : memref<16384xi32, #tpu.memory_space<vmem>>, vector<16xi32>,
          %add3A_1076 = arith.constant 944 : i32
          %add3A_1077 = arith.addi %mul3A_120, %add3A_1076 : i32
          %get3A_1078 = arith.index_cast %add3A_1077 : i32 to index
          %get3A_1079 = tpu.vector_load %arg8[%get3A_1078] {strides = array<i32>} : memref<16384xf32, #tpu.memory_space<vmem>>, vector<16xf32>,
          %gather3A_1080 = tpu.vector_load_idx %arg7[%get3A_1075] : memref<4624xf32, #tpu.memory_space<vmem>>[vector<16xi32>], vector<16xf32>,
          %lt3A_1081 = vector.broadcast %scan3A_117 : i32 to vector<16xi32>
          %lt3A_1082 = arith.cmpi slt, %get3A_1075, %lt3A_1081 : vector<16xi32>
          %jit3A_1083 = arith.constant 0.000000e+00 : f32
          %broadcast_in_dim3A_1084 = vector.broadcast %jit3A_1083 : f32 to vector<16xf32>
          %select_n3A_1085 = arith.select %lt3A_1082, %get3A_1079, %broadcast_in_dim3A_1084 : vector<16xi1>, vector<16xf32>
          %mul3A_1086 = arith.mulf %gather3A_1080, %select_n3A_1085 : vector<16xf32>
          %add3A_1087 = arith.addf %add3A_1023, %mul3A_1086 : vector<16xf32>
          %add3A_1088 = arith.constant 960 : i32
          %add3A_1089 = arith.addi %mul3A_120, %add3A_1088 : i32
          %get3A_1090 = arith.index_cast %add3A_1089 : i32 to index
          %get3A_1091 = tpu.vector_load %arg9[%get3A_1090] {strides = array<i32>} : memref<16384xi32, #tpu.memory_space<vmem>>, vector<16xi32>,
          %add3A_1092 = arith.constant 960 : i32
          %add3A_1093 = arith.addi %mul3A_120, %add3A_1092 : i32
          %get3A_1094 = arith.index_cast %add3A_1093 : i32 to index
          %get3A_1095 = tpu.vector_load %arg8[%get3A_1094] {strides = array<i32>} : memref<16384xf32, #tpu.memory_space<vmem>>, vector<16xf32>,
          %gather3A_1096 = tpu.vector_load_idx %arg7[%get3A_1091] : memref<4624xf32, #tpu.memory_space<vmem>>[vector<16xi32>], vector<16xf32>,
          %lt3A_1097 = vector.broadcast %scan3A_117 : i32 to vector<16xi32>
          %lt3A_1098 = arith.cmpi slt, %get3A_1091, %lt3A_1097 : vector<16xi32>
          %jit3A_1099 = arith.constant 0.000000e+00 : f32
          %broadcast_in_dim3A_1100 = vector.broadcast %jit3A_1099 : f32 to vector<16xf32>
          %select_n3A_1101 = arith.select %lt3A_1098, %get3A_1095, %broadcast_in_dim3A_1100 : vector<16xi1>, vector<16xf32>
          %mul3A_1102 = arith.mulf %gather3A_1096, %select_n3A_1101 : vector<16xf32>
          %add3A_1103 = arith.addf %add3A_1039, %mul3A_1102 : vector<16xf32>
          %add3A_1104 = arith.constant 976 : i32
          %add3A_1105 = arith.addi %mul3A_120, %add3A_1104 : i32
          %get3A_1106 = arith.index_cast %add3A_1105 : i32 to index
          %get3A_1107 = tpu.vector_load %arg9[%get3A_1106] {strides = array<i32>} : memref<16384xi32, #tpu.memory_space<vmem>>, vector<16xi32>,
          %add3A_1108 = arith.constant 976 : i32
          %add3A_1109 = arith.addi %mul3A_120, %add3A_1108 : i32
          %get3A_1110 = arith.index_cast %add3A_1109 : i32 to index
          %get3A_1111 = tpu.vector_load %arg8[%get3A_1110] {strides = array<i32>} : memref<16384xf32, #tpu.memory_space<vmem>>, vector<16xf32>,
          %gather3A_1112 = tpu.vector_load_idx %arg7[%get3A_1107] : memref<4624xf32, #tpu.memory_space<vmem>>[vector<16xi32>], vector<16xf32>,
          %lt3A_1113 = vector.broadcast %scan3A_117 : i32 to vector<16xi32>
          %lt3A_1114 = arith.cmpi slt, %get3A_1107, %lt3A_1113 : vector<16xi32>
          %jit3A_1115 = arith.constant 0.000000e+00 : f32
          %broadcast_in_dim3A_1116 = vector.broadcast %jit3A_1115 : f32 to vector<16xf32>
          %select_n3A_1117 = arith.select %lt3A_1114, %get3A_1111, %broadcast_in_dim3A_1116 : vector<16xi1>, vector<16xf32>
          %mul3A_1118 = arith.mulf %gather3A_1112, %select_n3A_1117 : vector<16xf32>
          %add3A_1119 = arith.addf %add3A_1055, %mul3A_1118 : vector<16xf32>
          %add3A_1120 = arith.constant 992 : i32
          %add3A_1121 = arith.addi %mul3A_120, %add3A_1120 : i32
          %get3A_1122 = arith.index_cast %add3A_1121 : i32 to index
          %get3A_1123 = tpu.vector_load %arg9[%get3A_1122] {strides = array<i32>} : memref<16384xi32, #tpu.memory_space<vmem>>, vector<16xi32>,
          %add3A_1124 = arith.constant 992 : i32
          %add3A_1125 = arith.addi %mul3A_120, %add3A_1124 : i32
          %get3A_1126 = arith.index_cast %add3A_1125 : i32 to index
          %get3A_1127 = tpu.vector_load %arg8[%get3A_1126] {strides = array<i32>} : memref<16384xf32, #tpu.memory_space<vmem>>, vector<16xf32>,
          %gather3A_1128 = tpu.vector_load_idx %arg7[%get3A_1123] : memref<4624xf32, #tpu.memory_space<vmem>>[vector<16xi32>], vector<16xf32>,
          %lt3A_1129 = vector.broadcast %scan3A_117 : i32 to vector<16xi32>
          %lt3A_1130 = arith.cmpi slt, %get3A_1123, %lt3A_1129 : vector<16xi32>
          %jit3A_1131 = arith.constant 0.000000e+00 : f32
          %broadcast_in_dim3A_1132 = vector.broadcast %jit3A_1131 : f32 to vector<16xf32>
          %select_n3A_1133 = arith.select %lt3A_1130, %get3A_1127, %broadcast_in_dim3A_1132 : vector<16xi1>, vector<16xf32>
          %mul3A_1134 = arith.mulf %gather3A_1128, %select_n3A_1133 : vector<16xf32>
          %add3A_1135 = arith.addf %add3A_1071, %mul3A_1134 : vector<16xf32>
          %add3A_1136 = arith.constant 1008 : i32
          %add3A_1137 = arith.addi %mul3A_120, %add3A_1136 : i32
          %get3A_1138 = arith.index_cast %add3A_1137 : i32 to index
          %get3A_1139 = tpu.vector_load %arg9[%get3A_1138] {strides = array<i32>} : memref<16384xi32, #tpu.memory_space<vmem>>, vector<16xi32>,
          %add3A_1140 = arith.constant 1008 : i32
          %add3A_1141 = arith.addi %mul3A_120, %add3A_1140 : i32
          %get3A_1142 = arith.index_cast %add3A_1141 : i32 to index
          %get3A_1143 = tpu.vector_load %arg8[%get3A_1142] {strides = array<i32>} : memref<16384xf32, #tpu.memory_space<vmem>>, vector<16xf32>,
          %gather3A_1144 = tpu.vector_load_idx %arg7[%get3A_1139] : memref<4624xf32, #tpu.memory_space<vmem>>[vector<16xi32>], vector<16xf32>,
          %lt3A_1145 = vector.broadcast %scan3A_117 : i32 to vector<16xi32>
          %lt3A_1146 = arith.cmpi slt, %get3A_1139, %lt3A_1145 : vector<16xi32>
          %jit3A_1147 = arith.constant 0.000000e+00 : f32
          %broadcast_in_dim3A_1148 = vector.broadcast %jit3A_1147 : f32 to vector<16xf32>
          %select_n3A_1149 = arith.select %lt3A_1146, %get3A_1143, %broadcast_in_dim3A_1148 : vector<16xi1>, vector<16xf32>
          %mul3A_1150 = arith.mulf %gather3A_1144, %select_n3A_1149 : vector<16xf32>
          %add3A_1151 = arith.addf %add3A_1087, %mul3A_1150 : vector<16xf32>
          %add3A_1152 = arith.addf %add3A_1103, %add3A_1119 : vector<16xf32>
          %add3A_1153 = arith.addf %add3A_1135, %add3A_1151 : vector<16xf32>
          %add3A_1154 = arith.addf %add3A_1152, %add3A_1153 : vector<16xf32>
          %mul3A_1155 = arith.constant -4.900000e+00 : f32
          %mul3A_1156 = vector.broadcast %mul3A_1155 : f32 to vector<16xf32>
          %mul3A_1157 = arith.mulf %mul3A_1156, %add3A_1154 : vector<16xf32>
          %exp3A = math.exp %mul3A_1157 : vector<16xf32>
          %add3A_1158 = arith.constant 1.000000e+00 : f32
          %add3A_1159 = vector.broadcast %add3A_1158 : f32 to vector<16xf32>
          %add3A_1160 = arith.addf %add3A_1159, %exp3A : vector<16xf32>
          %div3A = arith.constant 1.000000e+00 : f32
          %div3A_1161 = vector.broadcast %div3A : f32 to vector<16xf32>
          %div3A_1162 = arith.divf %div3A_1161, %add3A_1160 : vector<16xf32>
          tpu.vector_store_idx %arg7[%add3A_122], %div3A_1162 : memref<4624xf32, #tpu.memory_space<vmem>>[vector<16xi32>], vector<16xf32>,
          %jit3A_1163 = arith.constant 16 : i32
          %div3A_1164 = arith.divsi %scan3A_118, %jit3A_1163 : i32
          %sign3A = arith.constant 0 : i32
          %sign3A_1165 = arith.cmpi sgt, %scan3A_118, %sign3A : i32
          %sign3A_1166 = arith.extui %sign3A_1165 : i1 to i32
          %sign3A_1167 = arith.constant 0 : i32
          %sign3A_1168 = arith.cmpi slt, %scan3A_118, %sign3A_1167 : i32
          %sign3A_1169 = arith.extui %sign3A_1168 : i1 to i32
          %sign3A_1170 = arith.subi %sign3A_1166, %sign3A_1169 : i32
          %sign3A_1171 = arith.constant 0 : i32
          %sign3A_1172 = arith.cmpi sgt, %jit3A_1163, %sign3A_1171 : i32
          %sign3A_1173 = arith.extui %sign3A_1172 : i1 to i32
          %sign3A_1174 = arith.constant 0 : i32
          %sign3A_1175 = arith.cmpi slt, %jit3A_1163, %sign3A_1174 : i32
          %sign3A_1176 = arith.extui %sign3A_1175 : i1 to i32
          %sign3A_1177 = arith.subi %sign3A_1173, %sign3A_1176 : i32
          %ne3A = arith.cmpi ne, %sign3A_1170, %sign3A_1177 : i32
          %rem3A = arith.remsi %scan3A_118, %jit3A_1163 : i32
          %ne3A_1178 = arith.constant 0 : i32
          %ne3A_1179 = arith.cmpi ne, %rem3A, %ne3A_1178 : i32
          %and3A = arith.andi %ne3A, %ne3A_1179 : i1
          %sub3A = arith.constant 1 : i32
          %sub3A_1180 = arith.subi %div3A_1164, %sub3A : i32
          %select_n3A_1181 = arith.select %and3A, %sub3A_1180, %div3A_1164 : i32
          %mul3A_1182 = arith.constant 16 : i32
          %mul3A_1183 = arith.muli %select_n3A_1181, %mul3A_1182 : i32
          %get3A_1184 = arith.index_cast %mul3A_1183 : i32 to index
          %get3A_1185 = tpu.vector_load %arg12[%get3A_1184] {strides = array<i32>} : memref<256xi32, #tpu.memory_space<vmem>>, vector<16xi32>,
          %sub3A_1186 = arith.subi %scan3A_118, %mul3A_1183 : i32
          %eq3A_1187 = vector.broadcast %sub3A_1186 : i32 to vector<16xi32>
          %eq3A_1188 = arith.cmpi eq, %iota3A, %eq3A_1187 : vector<16xi32>
          %jit3A_1189 = arith.constant 0 : i32
          %broadcast_in_dim3A_1190 = vector.broadcast %jit3A_1189 : i32 to vector<16xi32>
          %select_n3A_1191 = arith.select %eq3A_1188, %get3A_1185, %broadcast_in_dim3A_1190 : vector<16xi1>, vector<16xi32>
          %reduce_sum3A = arith.constant true
          %reduce_sum3A_1192 = vector.broadcast %reduce_sum3A : i1 to vector<16xi1>
          %reduce_sum3A_1193 = tpu.scan <sum>, %select_n3A_1191 masked %reduce_sum3A_1192 : vector<16xi32>, vector<16xi1> -> vector<16xi32>
          %reduce_sum3A_1194 = vector.extract %reduce_sum3A_1193[15] : i32 from vector<16xi32>
          %add3A_1195 = arith.constant 1024 : i32
          %add3A_1196 = arith.addi %mul3A_120, %add3A_1195 : i32
          %mul3A_1197 = arith.constant 16 : i32
          %mul3A_1198 = arith.muli %mul3A_1197, %reduce_sum3A_1194 : i32
          %sub3A_1199 = arith.subi %add3A_1196, %mul3A_1198 : i32
          %while3A = scf.while (%while3A_1204 = %reduce_sum3A_1194) : (i32) -> i32 {
            %gt3A = arith.constant 0 : i32
            %gt3A_1205 = arith.cmpi sgt, %while3A_1204, %gt3A : i32
            scf.condition(%gt3A_1205) %while3A_1204 : i32
          } do {
          ^bb0(%while3A_1204: i32):
            %gather3A_1205 = tpu.vector_load_idx %arg7[%add3A_122] : memref<4624xf32, #tpu.memory_space<vmem>>[vector<16xi32>], vector<16xf32>,
            %while3A_1206 = arith.constant 0 : i32
            %while3A_1207 = arith.subi %reduce_sum3A_1194, %while3A_1206 : i32
            %while3A_1208 = arith.addi %while3A_1206, %while3A_1207 : i32
            %while3A_1209 = arith.constant 1 : i32
            %while3A_1210 = arith.divsi %while3A_1207, %while3A_1209 : i32
            %while3A_1211 = arith.muli %while3A_1210, %while3A_1209 : i32
            %while3A_1212 = arith.addi %while3A_1206, %while3A_1211 : i32
            %while3A_1213 = arith.constant 1 : i32
            %while3A_1214 = scf.for %while3A_1233 = %while3A_1206 to %while3A_1212 step %while3A_1213 iter_args(%while3A_1234 = %add3A_1154) -> (vector<16xf32>)  : i32 {
              %mul3A_1235 = arith.constant 16 : i32
              %mul3A_1236 = arith.muli %mul3A_1235, %while3A_1233 : i32
              %add3A_1237 = arith.addi %sub3A_1199, %mul3A_1236 : i32
              %get3A_1238 = arith.index_cast %add3A_1237 : i32 to index
              %get3A_1239 = tpu.vector_load %arg9[%get3A_1238] {strides = array<i32>} : memref<16384xi32, #tpu.memory_space<vmem>>, vector<16xi32>,
              %mul3A_1240 = arith.constant 16 : i32
              %mul3A_1241 = arith.muli %mul3A_1240, %while3A_1233 : i32
              %add3A_1242 = arith.addi %sub3A_1199, %mul3A_1241 : i32
              %get3A_1243 = arith.index_cast %add3A_1242 : i32 to index
              %get3A_1244 = tpu.vector_load %arg8[%get3A_1243] {strides = array<i32>} : memref<16384xf32, #tpu.memory_space<vmem>>, vector<16xf32>,
              %gather3A_1245 = tpu.vector_load_idx %arg7[%get3A_1239] : memref<4624xf32, #tpu.memory_space<vmem>>[vector<16xi32>], vector<16xf32>,
              %lt3A_1246 = arith.cmpi slt, %get3A_1239, %add3A_122 : vector<16xi32>
              %jit3A_1247 = arith.constant 1.000000e+00 : f32
              %broadcast_in_dim3A_1248 = vector.broadcast %jit3A_1247 : f32 to vector<16xf32>
              %select_n3A_1249 = arith.select %lt3A_1246, %gather3A_1245, %broadcast_in_dim3A_1248 : vector<16xi1>, vector<16xf32>
              %ge3A = vector.broadcast %scan3A_117 : i32 to vector<16xi32>
              %ge3A_1250 = arith.cmpi sge, %get3A_1239, %ge3A : vector<16xi32>
              %mul3A_1251 = arith.mulf %select_n3A_1249, %get3A_1244 : vector<16xf32>
              %jit3A_1252 = arith.constant 0.000000e+00 : f32
              %broadcast_in_dim3A_1253 = vector.broadcast %jit3A_1252 : f32 to vector<16xf32>
              %select_n3A_1254 = arith.select %ge3A_1250, %mul3A_1251, %broadcast_in_dim3A_1253 : vector<16xi1>, vector<16xf32>
              %add3A_1255 = arith.addf %while3A_1234, %select_n3A_1254 : vector<16xf32>
              scf.yield %add3A_1255 : vector<16xf32>
            }
            %while3A_1215 = arith.constant 1 : i32
            %while3A_1216 = scf.for %while3A_1233 = %while3A_1212 to %while3A_1208 step %while3A_1215 iter_args(%while3A_1234 = %while3A_1214) -> (vector<16xf32>)  : i32 {
              %mul3A_1235 = arith.constant 16 : i32
              %mul3A_1236 = arith.muli %mul3A_1235, %while3A_1233 : i32
              %add3A_1237 = arith.addi %sub3A_1199, %mul3A_1236 : i32
              %get3A_1238 = arith.index_cast %add3A_1237 : i32 to index
              %get3A_1239 = tpu.vector_load %arg9[%get3A_1238] {strides = array<i32>} : memref<16384xi32, #tpu.memory_space<vmem>>, vector<16xi32>,
              %mul3A_1240 = arith.constant 16 : i32
              %mul3A_1241 = arith.muli %mul3A_1240, %while3A_1233 : i32
              %add3A_1242 = arith.addi %sub3A_1199, %mul3A_1241 : i32
              %get3A_1243 = arith.index_cast %add3A_1242 : i32 to index
              %get3A_1244 = tpu.vector_load %arg8[%get3A_1243] {strides = array<i32>} : memref<16384xf32, #tpu.memory_space<vmem>>, vector<16xf32>,
              %gather3A_1245 = tpu.vector_load_idx %arg7[%get3A_1239] : memref<4624xf32, #tpu.memory_space<vmem>>[vector<16xi32>], vector<16xf32>,
              %lt3A_1246 = arith.cmpi slt, %get3A_1239, %add3A_122 : vector<16xi32>
              %jit3A_1247 = arith.constant 1.000000e+00 : f32
              %broadcast_in_dim3A_1248 = vector.broadcast %jit3A_1247 : f32 to vector<16xf32>
              %select_n3A_1249 = arith.select %lt3A_1246, %gather3A_1245, %broadcast_in_dim3A_1248 : vector<16xi1>, vector<16xf32>
              %ge3A = vector.broadcast %scan3A_117 : i32 to vector<16xi32>
              %ge3A_1250 = arith.cmpi sge, %get3A_1239, %ge3A : vector<16xi32>
              %mul3A_1251 = arith.mulf %select_n3A_1249, %get3A_1244 : vector<16xf32>
              %jit3A_1252 = arith.constant 0.000000e+00 : f32
              %broadcast_in_dim3A_1253 = vector.broadcast %jit3A_1252 : f32 to vector<16xf32>
              %select_n3A_1254 = arith.select %ge3A_1250, %mul3A_1251, %broadcast_in_dim3A_1253 : vector<16xi1>, vector<16xf32>
              %add3A_1255 = arith.addf %while3A_1234, %select_n3A_1254 : vector<16xf32>
              scf.yield %add3A_1255 : vector<16xf32>
            }
            %mul3A_1217 = arith.constant -4.900000e+00 : f32
            %mul3A_1218 = vector.broadcast %mul3A_1217 : f32 to vector<16xf32>
            %mul3A_1219 = arith.mulf %mul3A_1218, %while3A_1216 : vector<16xf32>
            %exp3A_1220 = math.exp %mul3A_1219 : vector<16xf32>
            %add3A_1221 = arith.constant 1.000000e+00 : f32
            %add3A_1222 = vector.broadcast %add3A_1221 : f32 to vector<16xf32>
            %add3A_1223 = arith.addf %add3A_1222, %exp3A_1220 : vector<16xf32>
            %div3A_1224 = arith.constant 1.000000e+00 : f32
            %div3A_1225 = vector.broadcast %div3A_1224 : f32 to vector<16xf32>
            %div3A_1226 = arith.divf %div3A_1225, %add3A_1223 : vector<16xf32>
            tpu.vector_store_idx %arg7[%add3A_122], %div3A_1226 : memref<4624xf32, #tpu.memory_space<vmem>>[vector<16xi32>], vector<16xf32>,
            %ne3A_1227 = arith.cmpf one, %div3A_1226, %gather3A_1205 : vector<16xf32>
            %convert_element_type3A_1228 = arith.extui %ne3A_1227 : vector<16xi1> to vector<16xi32>
            %reduce_sum3A_1229 = arith.constant true
            %reduce_sum3A_1230 = vector.broadcast %reduce_sum3A_1229 : i1 to vector<16xi1>
            %reduce_sum3A_1231 = tpu.scan <sum>, %convert_element_type3A_1228 masked %reduce_sum3A_1230 : vector<16xi32>, vector<16xi1> -> vector<16xi32>
            %reduce_sum3A_1232 = vector.extract %reduce_sum3A_1231[15] : i32 from vector<16xi32>
            scf.yield %reduce_sum3A_1232 : i32
          }
          %add3A_1200 = arith.constant 16 : i32
          %add3A_1201 = arith.addi %scan3A_117, %add3A_1200 : i32
          %add3A_1202 = arith.constant 1 : i32
          %add3A_1203 = arith.addi %scan3A_118, %add3A_1202 : i32
          scf.yield %add3A_1201, %add3A_1203 : i32, i32
        }
        %scan3A_95 = arith.constant 16 : i32
        %dma_wait3A_96 = arith.constant 0 : i32
        %dma_wait3A_97 = tpu.memref_slice %arg3[%dma_wait3A_96] : memref<262144xf32, #tpu.memory_space<hbm>> -> memref<16384xf32, #tpu.memory_space<hbm>>
        %dma_wait3A_98 = arith.constant 0 : i32
        %dma_wait3A_99 = tpu.memref_slice %arg3[%dma_wait3A_98] : memref<262144xf32, #tpu.memory_space<hbm>> -> memref<16384xf32, #tpu.memory_space<hbm>>
        tpu.wait_dma2 semaphore(%arg16 : memref<!tpu.dma_semaphore, #tpu.memory_space<semaphore_mem>>) src(%dma_wait3A_99 : memref<16384xf32, #tpu.memory_space<hbm>>) dst(%arg10 : memref<16384xf32, #tpu.memory_space<vmem>>)
        %dma_wait3A_100 = arith.constant 0 : i32
        %dma_wait3A_101 = tpu.memref_slice %arg4[%dma_wait3A_100] : memref<262144xi32, #tpu.memory_space<hbm>> -> memref<16384xi32, #tpu.memory_space<hbm>>
        %dma_wait3A_102 = arith.constant 0 : i32
        %dma_wait3A_103 = tpu.memref_slice %arg4[%dma_wait3A_102] : memref<262144xi32, #tpu.memory_space<hbm>> -> memref<16384xi32, #tpu.memory_space<hbm>>
        tpu.wait_dma2 semaphore(%arg17 : memref<!tpu.dma_semaphore, #tpu.memory_space<semaphore_mem>>) src(%dma_wait3A_103 : memref<16384xi32, #tpu.memory_space<hbm>>) dst(%arg11 : memref<16384xi32, #tpu.memory_space<vmem>>)
        %add3A_104 = arith.constant 1 : i32
        %add3A_105 = arith.addi %scan3A_70, %add3A_104 : i32
        %lt3A = arith.constant 8 : i32
        %lt3A_106 = arith.cmpi slt, %add3A_105, %lt3A : i32
        %convert_element_type3A_107 = arith.extui %lt3A_106 : i1 to i32
        %cond3A_108 = arith.constant 0 : i32
        %cond3A_109 = arith.cmpi ne, %convert_element_type3A_107, %cond3A_108 : i32
        scf.if %cond3A_109 {
          %add3A_116 = arith.constant 2 : i32
          %add3A_117 = arith.addi %mul3A_74, %add3A_116 : i32
          %mul3A_118 = arith.constant 16384 : i32
          %mul3A_119 = arith.muli %add3A_117, %mul3A_118 : i32
          %dma_start3A_120 = tpu.memref_slice %arg3[%mul3A_119] : memref<262144xf32, #tpu.memory_space<hbm>> -> memref<16384xf32, #tpu.memory_space<hbm>>
          %dma_start3A_121 = tpu.memref_slice %arg3[%mul3A_119] : memref<262144xf32, #tpu.memory_space<hbm>> -> memref<16384xf32, #tpu.memory_space<hbm>>
          tpu.enqueue_dma source(%dma_start3A_121 : memref<16384xf32, #tpu.memory_space<hbm>>) target(%arg8 : memref<16384xf32, #tpu.memory_space<vmem>>) target_semaphore(%arg14 : memref<!tpu.dma_semaphore, #tpu.memory_space<semaphore_mem>>)
          %dma_start3A_122 = tpu.memref_slice %arg4[%mul3A_119] : memref<262144xi32, #tpu.memory_space<hbm>> -> memref<16384xi32, #tpu.memory_space<hbm>>
          %dma_start3A_123 = tpu.memref_slice %arg4[%mul3A_119] : memref<262144xi32, #tpu.memory_space<hbm>> -> memref<16384xi32, #tpu.memory_space<hbm>>
          tpu.enqueue_dma source(%dma_start3A_123 : memref<16384xi32, #tpu.memory_space<hbm>>) target(%arg9 : memref<16384xi32, #tpu.memory_space<vmem>>) target_semaphore(%arg15 : memref<!tpu.dma_semaphore, #tpu.memory_space<semaphore_mem>>)
        } else {
        }
        %scan3A_110 = arith.constant 0 : i32
        %scan3A_111 = arith.constant 16 : i32
        %scan3A_112 = arith.addi %scan3A_110, %scan3A_111 : i32
        %scan3A_113 = arith.constant 1 : i32
        %scan3A_114:2 = scf.for %scan3A_116 = %scan3A_110 to %scan3A_112 step %scan3A_113 iter_args(%scan3A_117 = %scan3A_94#0, %scan3A_118 = %scan3A_94#1) -> (i32, i32)  : i32 {
          %mul3A_119 = arith.constant 1024 : i32
          %mul3A_120 = arith.muli %scan3A_116, %mul3A_119 : i32
          %add3A_121 = vector.broadcast %scan3A_117 : i32 to vector<16xi32>
          %add3A_122 = arith.addi %add3A_121, %iota3A : vector<16xi32>
          %broadcast_in_dim3A_123 = arith.constant 0.000000e+00 : f32
          %broadcast_in_dim3A_124 = vector.broadcast %broadcast_in_dim3A_123 : f32 to vector<16xf32>
          %broadcast_in_dim3A_125 = arith.constant 0.000000e+00 : f32
          %broadcast_in_dim3A_126 = vector.broadcast %broadcast_in_dim3A_125 : f32 to vector<16xf32>
          %broadcast_in_dim3A_127 = arith.constant 0.000000e+00 : f32
          %broadcast_in_dim3A_128 = vector.broadcast %broadcast_in_dim3A_127 : f32 to vector<16xf32>
          %broadcast_in_dim3A_129 = arith.constant 0.000000e+00 : f32
          %broadcast_in_dim3A_130 = vector.broadcast %broadcast_in_dim3A_129 : f32 to vector<16xf32>
          %add3A_131 = arith.constant 0 : i32
          %add3A_132 = arith.addi %mul3A_120, %add3A_131 : i32
          %get3A = arith.index_cast %add3A_132 : i32 to index
          %get3A_133 = tpu.vector_load %arg11[%get3A] {strides = array<i32>} : memref<16384xi32, #tpu.memory_space<vmem>>, vector<16xi32>,
          %add3A_134 = arith.constant 0 : i32
          %add3A_135 = arith.addi %mul3A_120, %add3A_134 : i32
          %get3A_136 = arith.index_cast %add3A_135 : i32 to index
          %get3A_137 = tpu.vector_load %arg10[%get3A_136] {strides = array<i32>} : memref<16384xf32, #tpu.memory_space<vmem>>, vector<16xf32>,
          %gather3A_138 = tpu.vector_load_idx %arg7[%get3A_133] : memref<4624xf32, #tpu.memory_space<vmem>>[vector<16xi32>], vector<16xf32>,
          %lt3A_139 = vector.broadcast %scan3A_117 : i32 to vector<16xi32>
          %lt3A_140 = arith.cmpi slt, %get3A_133, %lt3A_139 : vector<16xi32>
          %jit3A = arith.constant 0.000000e+00 : f32
          %broadcast_in_dim3A_141 = vector.broadcast %jit3A : f32 to vector<16xf32>
          %select_n3A = arith.select %lt3A_140, %get3A_137, %broadcast_in_dim3A_141 : vector<16xi1>, vector<16xf32>
          %mul3A_142 = arith.mulf %gather3A_138, %select_n3A : vector<16xf32>
          %add3A_143 = arith.addf %broadcast_in_dim3A_124, %mul3A_142 : vector<16xf32>
          %add3A_144 = arith.constant 16 : i32
          %add3A_145 = arith.addi %mul3A_120, %add3A_144 : i32
          %get3A_146 = arith.index_cast %add3A_145 : i32 to index
          %get3A_147 = tpu.vector_load %arg11[%get3A_146] {strides = array<i32>} : memref<16384xi32, #tpu.memory_space<vmem>>, vector<16xi32>,
          %add3A_148 = arith.constant 16 : i32
          %add3A_149 = arith.addi %mul3A_120, %add3A_148 : i32
          %get3A_150 = arith.index_cast %add3A_149 : i32 to index
          %get3A_151 = tpu.vector_load %arg10[%get3A_150] {strides = array<i32>} : memref<16384xf32, #tpu.memory_space<vmem>>, vector<16xf32>,
          %gather3A_152 = tpu.vector_load_idx %arg7[%get3A_147] : memref<4624xf32, #tpu.memory_space<vmem>>[vector<16xi32>], vector<16xf32>,
          %lt3A_153 = vector.broadcast %scan3A_117 : i32 to vector<16xi32>
          %lt3A_154 = arith.cmpi slt, %get3A_147, %lt3A_153 : vector<16xi32>
          %jit3A_155 = arith.constant 0.000000e+00 : f32
          %broadcast_in_dim3A_156 = vector.broadcast %jit3A_155 : f32 to vector<16xf32>
          %select_n3A_157 = arith.select %lt3A_154, %get3A_151, %broadcast_in_dim3A_156 : vector<16xi1>, vector<16xf32>
          %mul3A_158 = arith.mulf %gather3A_152, %select_n3A_157 : vector<16xf32>
          %add3A_159 = arith.addf %broadcast_in_dim3A_126, %mul3A_158 : vector<16xf32>
          %add3A_160 = arith.constant 32 : i32
          %add3A_161 = arith.addi %mul3A_120, %add3A_160 : i32
          %get3A_162 = arith.index_cast %add3A_161 : i32 to index
          %get3A_163 = tpu.vector_load %arg11[%get3A_162] {strides = array<i32>} : memref<16384xi32, #tpu.memory_space<vmem>>, vector<16xi32>,
          %add3A_164 = arith.constant 32 : i32
          %add3A_165 = arith.addi %mul3A_120, %add3A_164 : i32
          %get3A_166 = arith.index_cast %add3A_165 : i32 to index
          %get3A_167 = tpu.vector_load %arg10[%get3A_166] {strides = array<i32>} : memref<16384xf32, #tpu.memory_space<vmem>>, vector<16xf32>,
          %gather3A_168 = tpu.vector_load_idx %arg7[%get3A_163] : memref<4624xf32, #tpu.memory_space<vmem>>[vector<16xi32>], vector<16xf32>,
          %lt3A_169 = vector.broadcast %scan3A_117 : i32 to vector<16xi32>
          %lt3A_170 = arith.cmpi slt, %get3A_163, %lt3A_169 : vector<16xi32>
          %jit3A_171 = arith.constant 0.000000e+00 : f32
          %broadcast_in_dim3A_172 = vector.broadcast %jit3A_171 : f32 to vector<16xf32>
          %select_n3A_173 = arith.select %lt3A_170, %get3A_167, %broadcast_in_dim3A_172 : vector<16xi1>, vector<16xf32>
          %mul3A_174 = arith.mulf %gather3A_168, %select_n3A_173 : vector<16xf32>
          %add3A_175 = arith.addf %broadcast_in_dim3A_128, %mul3A_174 : vector<16xf32>
          %add3A_176 = arith.constant 48 : i32
          %add3A_177 = arith.addi %mul3A_120, %add3A_176 : i32
          %get3A_178 = arith.index_cast %add3A_177 : i32 to index
          %get3A_179 = tpu.vector_load %arg11[%get3A_178] {strides = array<i32>} : memref<16384xi32, #tpu.memory_space<vmem>>, vector<16xi32>,
          %add3A_180 = arith.constant 48 : i32
          %add3A_181 = arith.addi %mul3A_120, %add3A_180 : i32
          %get3A_182 = arith.index_cast %add3A_181 : i32 to index
          %get3A_183 = tpu.vector_load %arg10[%get3A_182] {strides = array<i32>} : memref<16384xf32, #tpu.memory_space<vmem>>, vector<16xf32>,
          %gather3A_184 = tpu.vector_load_idx %arg7[%get3A_179] : memref<4624xf32, #tpu.memory_space<vmem>>[vector<16xi32>], vector<16xf32>,
          %lt3A_185 = vector.broadcast %scan3A_117 : i32 to vector<16xi32>
          %lt3A_186 = arith.cmpi slt, %get3A_179, %lt3A_185 : vector<16xi32>
          %jit3A_187 = arith.constant 0.000000e+00 : f32
          %broadcast_in_dim3A_188 = vector.broadcast %jit3A_187 : f32 to vector<16xf32>
          %select_n3A_189 = arith.select %lt3A_186, %get3A_183, %broadcast_in_dim3A_188 : vector<16xi1>, vector<16xf32>
          %mul3A_190 = arith.mulf %gather3A_184, %select_n3A_189 : vector<16xf32>
          %add3A_191 = arith.addf %broadcast_in_dim3A_130, %mul3A_190 : vector<16xf32>
          %add3A_192 = arith.constant 64 : i32
          %add3A_193 = arith.addi %mul3A_120, %add3A_192 : i32
          %get3A_194 = arith.index_cast %add3A_193 : i32 to index
          %get3A_195 = tpu.vector_load %arg11[%get3A_194] {strides = array<i32>} : memref<16384xi32, #tpu.memory_space<vmem>>, vector<16xi32>,
          %add3A_196 = arith.constant 64 : i32
          %add3A_197 = arith.addi %mul3A_120, %add3A_196 : i32
          %get3A_198 = arith.index_cast %add3A_197 : i32 to index
          %get3A_199 = tpu.vector_load %arg10[%get3A_198] {strides = array<i32>} : memref<16384xf32, #tpu.memory_space<vmem>>, vector<16xf32>,
          %gather3A_200 = tpu.vector_load_idx %arg7[%get3A_195] : memref<4624xf32, #tpu.memory_space<vmem>>[vector<16xi32>], vector<16xf32>,
          %lt3A_201 = vector.broadcast %scan3A_117 : i32 to vector<16xi32>
          %lt3A_202 = arith.cmpi slt, %get3A_195, %lt3A_201 : vector<16xi32>
          %jit3A_203 = arith.constant 0.000000e+00 : f32
          %broadcast_in_dim3A_204 = vector.broadcast %jit3A_203 : f32 to vector<16xf32>
          %select_n3A_205 = arith.select %lt3A_202, %get3A_199, %broadcast_in_dim3A_204 : vector<16xi1>, vector<16xf32>
          %mul3A_206 = arith.mulf %gather3A_200, %select_n3A_205 : vector<16xf32>
          %add3A_207 = arith.addf %add3A_143, %mul3A_206 : vector<16xf32>
          %add3A_208 = arith.constant 80 : i32
          %add3A_209 = arith.addi %mul3A_120, %add3A_208 : i32
          %get3A_210 = arith.index_cast %add3A_209 : i32 to index
          %get3A_211 = tpu.vector_load %arg11[%get3A_210] {strides = array<i32>} : memref<16384xi32, #tpu.memory_space<vmem>>, vector<16xi32>,
          %add3A_212 = arith.constant 80 : i32
          %add3A_213 = arith.addi %mul3A_120, %add3A_212 : i32
          %get3A_214 = arith.index_cast %add3A_213 : i32 to index
          %get3A_215 = tpu.vector_load %arg10[%get3A_214] {strides = array<i32>} : memref<16384xf32, #tpu.memory_space<vmem>>, vector<16xf32>,
          %gather3A_216 = tpu.vector_load_idx %arg7[%get3A_211] : memref<4624xf32, #tpu.memory_space<vmem>>[vector<16xi32>], vector<16xf32>,
          %lt3A_217 = vector.broadcast %scan3A_117 : i32 to vector<16xi32>
          %lt3A_218 = arith.cmpi slt, %get3A_211, %lt3A_217 : vector<16xi32>
          %jit3A_219 = arith.constant 0.000000e+00 : f32
          %broadcast_in_dim3A_220 = vector.broadcast %jit3A_219 : f32 to vector<16xf32>
          %select_n3A_221 = arith.select %lt3A_218, %get3A_215, %broadcast_in_dim3A_220 : vector<16xi1>, vector<16xf32>
          %mul3A_222 = arith.mulf %gather3A_216, %select_n3A_221 : vector<16xf32>
          %add3A_223 = arith.addf %add3A_159, %mul3A_222 : vector<16xf32>
          %add3A_224 = arith.constant 96 : i32
          %add3A_225 = arith.addi %mul3A_120, %add3A_224 : i32
          %get3A_226 = arith.index_cast %add3A_225 : i32 to index
          %get3A_227 = tpu.vector_load %arg11[%get3A_226] {strides = array<i32>} : memref<16384xi32, #tpu.memory_space<vmem>>, vector<16xi32>,
          %add3A_228 = arith.constant 96 : i32
          %add3A_229 = arith.addi %mul3A_120, %add3A_228 : i32
          %get3A_230 = arith.index_cast %add3A_229 : i32 to index
          %get3A_231 = tpu.vector_load %arg10[%get3A_230] {strides = array<i32>} : memref<16384xf32, #tpu.memory_space<vmem>>, vector<16xf32>,
          %gather3A_232 = tpu.vector_load_idx %arg7[%get3A_227] : memref<4624xf32, #tpu.memory_space<vmem>>[vector<16xi32>], vector<16xf32>,
          %lt3A_233 = vector.broadcast %scan3A_117 : i32 to vector<16xi32>
          %lt3A_234 = arith.cmpi slt, %get3A_227, %lt3A_233 : vector<16xi32>
          %jit3A_235 = arith.constant 0.000000e+00 : f32
          %broadcast_in_dim3A_236 = vector.broadcast %jit3A_235 : f32 to vector<16xf32>
          %select_n3A_237 = arith.select %lt3A_234, %get3A_231, %broadcast_in_dim3A_236 : vector<16xi1>, vector<16xf32>
          %mul3A_238 = arith.mulf %gather3A_232, %select_n3A_237 : vector<16xf32>
          %add3A_239 = arith.addf %add3A_175, %mul3A_238 : vector<16xf32>
          %add3A_240 = arith.constant 112 : i32
          %add3A_241 = arith.addi %mul3A_120, %add3A_240 : i32
          %get3A_242 = arith.index_cast %add3A_241 : i32 to index
          %get3A_243 = tpu.vector_load %arg11[%get3A_242] {strides = array<i32>} : memref<16384xi32, #tpu.memory_space<vmem>>, vector<16xi32>,
          %add3A_244 = arith.constant 112 : i32
          %add3A_245 = arith.addi %mul3A_120, %add3A_244 : i32
          %get3A_246 = arith.index_cast %add3A_245 : i32 to index
          %get3A_247 = tpu.vector_load %arg10[%get3A_246] {strides = array<i32>} : memref<16384xf32, #tpu.memory_space<vmem>>, vector<16xf32>,
          %gather3A_248 = tpu.vector_load_idx %arg7[%get3A_243] : memref<4624xf32, #tpu.memory_space<vmem>>[vector<16xi32>], vector<16xf32>,
          %lt3A_249 = vector.broadcast %scan3A_117 : i32 to vector<16xi32>
          %lt3A_250 = arith.cmpi slt, %get3A_243, %lt3A_249 : vector<16xi32>
          %jit3A_251 = arith.constant 0.000000e+00 : f32
          %broadcast_in_dim3A_252 = vector.broadcast %jit3A_251 : f32 to vector<16xf32>
          %select_n3A_253 = arith.select %lt3A_250, %get3A_247, %broadcast_in_dim3A_252 : vector<16xi1>, vector<16xf32>
          %mul3A_254 = arith.mulf %gather3A_248, %select_n3A_253 : vector<16xf32>
          %add3A_255 = arith.addf %add3A_191, %mul3A_254 : vector<16xf32>
          %add3A_256 = arith.constant 128 : i32
          %add3A_257 = arith.addi %mul3A_120, %add3A_256 : i32
          %get3A_258 = arith.index_cast %add3A_257 : i32 to index
          %get3A_259 = tpu.vector_load %arg11[%get3A_258] {strides = array<i32>} : memref<16384xi32, #tpu.memory_space<vmem>>, vector<16xi32>,
          %add3A_260 = arith.constant 128 : i32
          %add3A_261 = arith.addi %mul3A_120, %add3A_260 : i32
          %get3A_262 = arith.index_cast %add3A_261 : i32 to index
          %get3A_263 = tpu.vector_load %arg10[%get3A_262] {strides = array<i32>} : memref<16384xf32, #tpu.memory_space<vmem>>, vector<16xf32>,
          %gather3A_264 = tpu.vector_load_idx %arg7[%get3A_259] : memref<4624xf32, #tpu.memory_space<vmem>>[vector<16xi32>], vector<16xf32>,
          %lt3A_265 = vector.broadcast %scan3A_117 : i32 to vector<16xi32>
          %lt3A_266 = arith.cmpi slt, %get3A_259, %lt3A_265 : vector<16xi32>
          %jit3A_267 = arith.constant 0.000000e+00 : f32
          %broadcast_in_dim3A_268 = vector.broadcast %jit3A_267 : f32 to vector<16xf32>
          %select_n3A_269 = arith.select %lt3A_266, %get3A_263, %broadcast_in_dim3A_268 : vector<16xi1>, vector<16xf32>
          %mul3A_270 = arith.mulf %gather3A_264, %select_n3A_269 : vector<16xf32>
          %add3A_271 = arith.addf %add3A_207, %mul3A_270 : vector<16xf32>
          %add3A_272 = arith.constant 144 : i32
          %add3A_273 = arith.addi %mul3A_120, %add3A_272 : i32
          %get3A_274 = arith.index_cast %add3A_273 : i32 to index
          %get3A_275 = tpu.vector_load %arg11[%get3A_274] {strides = array<i32>} : memref<16384xi32, #tpu.memory_space<vmem>>, vector<16xi32>,
          %add3A_276 = arith.constant 144 : i32
          %add3A_277 = arith.addi %mul3A_120, %add3A_276 : i32
          %get3A_278 = arith.index_cast %add3A_277 : i32 to index
          %get3A_279 = tpu.vector_load %arg10[%get3A_278] {strides = array<i32>} : memref<16384xf32, #tpu.memory_space<vmem>>, vector<16xf32>,
          %gather3A_280 = tpu.vector_load_idx %arg7[%get3A_275] : memref<4624xf32, #tpu.memory_space<vmem>>[vector<16xi32>], vector<16xf32>,
          %lt3A_281 = vector.broadcast %scan3A_117 : i32 to vector<16xi32>
          %lt3A_282 = arith.cmpi slt, %get3A_275, %lt3A_281 : vector<16xi32>
          %jit3A_283 = arith.constant 0.000000e+00 : f32
          %broadcast_in_dim3A_284 = vector.broadcast %jit3A_283 : f32 to vector<16xf32>
          %select_n3A_285 = arith.select %lt3A_282, %get3A_279, %broadcast_in_dim3A_284 : vector<16xi1>, vector<16xf32>
          %mul3A_286 = arith.mulf %gather3A_280, %select_n3A_285 : vector<16xf32>
          %add3A_287 = arith.addf %add3A_223, %mul3A_286 : vector<16xf32>
          %add3A_288 = arith.constant 160 : i32
          %add3A_289 = arith.addi %mul3A_120, %add3A_288 : i32
          %get3A_290 = arith.index_cast %add3A_289 : i32 to index
          %get3A_291 = tpu.vector_load %arg11[%get3A_290] {strides = array<i32>} : memref<16384xi32, #tpu.memory_space<vmem>>, vector<16xi32>,
          %add3A_292 = arith.constant 160 : i32
          %add3A_293 = arith.addi %mul3A_120, %add3A_292 : i32
          %get3A_294 = arith.index_cast %add3A_293 : i32 to index
          %get3A_295 = tpu.vector_load %arg10[%get3A_294] {strides = array<i32>} : memref<16384xf32, #tpu.memory_space<vmem>>, vector<16xf32>,
          %gather3A_296 = tpu.vector_load_idx %arg7[%get3A_291] : memref<4624xf32, #tpu.memory_space<vmem>>[vector<16xi32>], vector<16xf32>,
          %lt3A_297 = vector.broadcast %scan3A_117 : i32 to vector<16xi32>
          %lt3A_298 = arith.cmpi slt, %get3A_291, %lt3A_297 : vector<16xi32>
          %jit3A_299 = arith.constant 0.000000e+00 : f32
          %broadcast_in_dim3A_300 = vector.broadcast %jit3A_299 : f32 to vector<16xf32>
          %select_n3A_301 = arith.select %lt3A_298, %get3A_295, %broadcast_in_dim3A_300 : vector<16xi1>, vector<16xf32>
          %mul3A_302 = arith.mulf %gather3A_296, %select_n3A_301 : vector<16xf32>
          %add3A_303 = arith.addf %add3A_239, %mul3A_302 : vector<16xf32>
          %add3A_304 = arith.constant 176 : i32
          %add3A_305 = arith.addi %mul3A_120, %add3A_304 : i32
          %get3A_306 = arith.index_cast %add3A_305 : i32 to index
          %get3A_307 = tpu.vector_load %arg11[%get3A_306] {strides = array<i32>} : memref<16384xi32, #tpu.memory_space<vmem>>, vector<16xi32>,
          %add3A_308 = arith.constant 176 : i32
          %add3A_309 = arith.addi %mul3A_120, %add3A_308 : i32
          %get3A_310 = arith.index_cast %add3A_309 : i32 to index
          %get3A_311 = tpu.vector_load %arg10[%get3A_310] {strides = array<i32>} : memref<16384xf32, #tpu.memory_space<vmem>>, vector<16xf32>,
          %gather3A_312 = tpu.vector_load_idx %arg7[%get3A_307] : memref<4624xf32, #tpu.memory_space<vmem>>[vector<16xi32>], vector<16xf32>,
          %lt3A_313 = vector.broadcast %scan3A_117 : i32 to vector<16xi32>
          %lt3A_314 = arith.cmpi slt, %get3A_307, %lt3A_313 : vector<16xi32>
          %jit3A_315 = arith.constant 0.000000e+00 : f32
          %broadcast_in_dim3A_316 = vector.broadcast %jit3A_315 : f32 to vector<16xf32>
          %select_n3A_317 = arith.select %lt3A_314, %get3A_311, %broadcast_in_dim3A_316 : vector<16xi1>, vector<16xf32>
          %mul3A_318 = arith.mulf %gather3A_312, %select_n3A_317 : vector<16xf32>
          %add3A_319 = arith.addf %add3A_255, %mul3A_318 : vector<16xf32>
          %add3A_320 = arith.constant 192 : i32
          %add3A_321 = arith.addi %mul3A_120, %add3A_320 : i32
          %get3A_322 = arith.index_cast %add3A_321 : i32 to index
          %get3A_323 = tpu.vector_load %arg11[%get3A_322] {strides = array<i32>} : memref<16384xi32, #tpu.memory_space<vmem>>, vector<16xi32>,
          %add3A_324 = arith.constant 192 : i32
          %add3A_325 = arith.addi %mul3A_120, %add3A_324 : i32
          %get3A_326 = arith.index_cast %add3A_325 : i32 to index
          %get3A_327 = tpu.vector_load %arg10[%get3A_326] {strides = array<i32>} : memref<16384xf32, #tpu.memory_space<vmem>>, vector<16xf32>,
          %gather3A_328 = tpu.vector_load_idx %arg7[%get3A_323] : memref<4624xf32, #tpu.memory_space<vmem>>[vector<16xi32>], vector<16xf32>,
          %lt3A_329 = vector.broadcast %scan3A_117 : i32 to vector<16xi32>
          %lt3A_330 = arith.cmpi slt, %get3A_323, %lt3A_329 : vector<16xi32>
          %jit3A_331 = arith.constant 0.000000e+00 : f32
          %broadcast_in_dim3A_332 = vector.broadcast %jit3A_331 : f32 to vector<16xf32>
          %select_n3A_333 = arith.select %lt3A_330, %get3A_327, %broadcast_in_dim3A_332 : vector<16xi1>, vector<16xf32>
          %mul3A_334 = arith.mulf %gather3A_328, %select_n3A_333 : vector<16xf32>
          %add3A_335 = arith.addf %add3A_271, %mul3A_334 : vector<16xf32>
          %add3A_336 = arith.constant 208 : i32
          %add3A_337 = arith.addi %mul3A_120, %add3A_336 : i32
          %get3A_338 = arith.index_cast %add3A_337 : i32 to index
          %get3A_339 = tpu.vector_load %arg11[%get3A_338] {strides = array<i32>} : memref<16384xi32, #tpu.memory_space<vmem>>, vector<16xi32>,
          %add3A_340 = arith.constant 208 : i32
          %add3A_341 = arith.addi %mul3A_120, %add3A_340 : i32
          %get3A_342 = arith.index_cast %add3A_341 : i32 to index
          %get3A_343 = tpu.vector_load %arg10[%get3A_342] {strides = array<i32>} : memref<16384xf32, #tpu.memory_space<vmem>>, vector<16xf32>,
          %gather3A_344 = tpu.vector_load_idx %arg7[%get3A_339] : memref<4624xf32, #tpu.memory_space<vmem>>[vector<16xi32>], vector<16xf32>,
          %lt3A_345 = vector.broadcast %scan3A_117 : i32 to vector<16xi32>
          %lt3A_346 = arith.cmpi slt, %get3A_339, %lt3A_345 : vector<16xi32>
          %jit3A_347 = arith.constant 0.000000e+00 : f32
          %broadcast_in_dim3A_348 = vector.broadcast %jit3A_347 : f32 to vector<16xf32>
          %select_n3A_349 = arith.select %lt3A_346, %get3A_343, %broadcast_in_dim3A_348 : vector<16xi1>, vector<16xf32>
          %mul3A_350 = arith.mulf %gather3A_344, %select_n3A_349 : vector<16xf32>
          %add3A_351 = arith.addf %add3A_287, %mul3A_350 : vector<16xf32>
          %add3A_352 = arith.constant 224 : i32
          %add3A_353 = arith.addi %mul3A_120, %add3A_352 : i32
          %get3A_354 = arith.index_cast %add3A_353 : i32 to index
          %get3A_355 = tpu.vector_load %arg11[%get3A_354] {strides = array<i32>} : memref<16384xi32, #tpu.memory_space<vmem>>, vector<16xi32>,
          %add3A_356 = arith.constant 224 : i32
          %add3A_357 = arith.addi %mul3A_120, %add3A_356 : i32
          %get3A_358 = arith.index_cast %add3A_357 : i32 to index
          %get3A_359 = tpu.vector_load %arg10[%get3A_358] {strides = array<i32>} : memref<16384xf32, #tpu.memory_space<vmem>>, vector<16xf32>,
          %gather3A_360 = tpu.vector_load_idx %arg7[%get3A_355] : memref<4624xf32, #tpu.memory_space<vmem>>[vector<16xi32>], vector<16xf32>,
          %lt3A_361 = vector.broadcast %scan3A_117 : i32 to vector<16xi32>
          %lt3A_362 = arith.cmpi slt, %get3A_355, %lt3A_361 : vector<16xi32>
          %jit3A_363 = arith.constant 0.000000e+00 : f32
          %broadcast_in_dim3A_364 = vector.broadcast %jit3A_363 : f32 to vector<16xf32>
          %select_n3A_365 = arith.select %lt3A_362, %get3A_359, %broadcast_in_dim3A_364 : vector<16xi1>, vector<16xf32>
          %mul3A_366 = arith.mulf %gather3A_360, %select_n3A_365 : vector<16xf32>
          %add3A_367 = arith.addf %add3A_303, %mul3A_366 : vector<16xf32>
          %add3A_368 = arith.constant 240 : i32
          %add3A_369 = arith.addi %mul3A_120, %add3A_368 : i32
          %get3A_370 = arith.index_cast %add3A_369 : i32 to index
          %get3A_371 = tpu.vector_load %arg11[%get3A_370] {strides = array<i32>} : memref<16384xi32, #tpu.memory_space<vmem>>, vector<16xi32>,
          %add3A_372 = arith.constant 240 : i32
          %add3A_373 = arith.addi %mul3A_120, %add3A_372 : i32
          %get3A_374 = arith.index_cast %add3A_373 : i32 to index
          %get3A_375 = tpu.vector_load %arg10[%get3A_374] {strides = array<i32>} : memref<16384xf32, #tpu.memory_space<vmem>>, vector<16xf32>,
          %gather3A_376 = tpu.vector_load_idx %arg7[%get3A_371] : memref<4624xf32, #tpu.memory_space<vmem>>[vector<16xi32>], vector<16xf32>,
          %lt3A_377 = vector.broadcast %scan3A_117 : i32 to vector<16xi32>
          %lt3A_378 = arith.cmpi slt, %get3A_371, %lt3A_377 : vector<16xi32>
          %jit3A_379 = arith.constant 0.000000e+00 : f32
          %broadcast_in_dim3A_380 = vector.broadcast %jit3A_379 : f32 to vector<16xf32>
          %select_n3A_381 = arith.select %lt3A_378, %get3A_375, %broadcast_in_dim3A_380 : vector<16xi1>, vector<16xf32>
          %mul3A_382 = arith.mulf %gather3A_376, %select_n3A_381 : vector<16xf32>
          %add3A_383 = arith.addf %add3A_319, %mul3A_382 : vector<16xf32>
          %add3A_384 = arith.constant 256 : i32
          %add3A_385 = arith.addi %mul3A_120, %add3A_384 : i32
          %get3A_386 = arith.index_cast %add3A_385 : i32 to index
          %get3A_387 = tpu.vector_load %arg11[%get3A_386] {strides = array<i32>} : memref<16384xi32, #tpu.memory_space<vmem>>, vector<16xi32>,
          %add3A_388 = arith.constant 256 : i32
          %add3A_389 = arith.addi %mul3A_120, %add3A_388 : i32
          %get3A_390 = arith.index_cast %add3A_389 : i32 to index
          %get3A_391 = tpu.vector_load %arg10[%get3A_390] {strides = array<i32>} : memref<16384xf32, #tpu.memory_space<vmem>>, vector<16xf32>,
          %gather3A_392 = tpu.vector_load_idx %arg7[%get3A_387] : memref<4624xf32, #tpu.memory_space<vmem>>[vector<16xi32>], vector<16xf32>,
          %lt3A_393 = vector.broadcast %scan3A_117 : i32 to vector<16xi32>
          %lt3A_394 = arith.cmpi slt, %get3A_387, %lt3A_393 : vector<16xi32>
          %jit3A_395 = arith.constant 0.000000e+00 : f32
          %broadcast_in_dim3A_396 = vector.broadcast %jit3A_395 : f32 to vector<16xf32>
          %select_n3A_397 = arith.select %lt3A_394, %get3A_391, %broadcast_in_dim3A_396 : vector<16xi1>, vector<16xf32>
          %mul3A_398 = arith.mulf %gather3A_392, %select_n3A_397 : vector<16xf32>
          %add3A_399 = arith.addf %add3A_335, %mul3A_398 : vector<16xf32>
          %add3A_400 = arith.constant 272 : i32
          %add3A_401 = arith.addi %mul3A_120, %add3A_400 : i32
          %get3A_402 = arith.index_cast %add3A_401 : i32 to index
          %get3A_403 = tpu.vector_load %arg11[%get3A_402] {strides = array<i32>} : memref<16384xi32, #tpu.memory_space<vmem>>, vector<16xi32>,
          %add3A_404 = arith.constant 272 : i32
          %add3A_405 = arith.addi %mul3A_120, %add3A_404 : i32
          %get3A_406 = arith.index_cast %add3A_405 : i32 to index
          %get3A_407 = tpu.vector_load %arg10[%get3A_406] {strides = array<i32>} : memref<16384xf32, #tpu.memory_space<vmem>>, vector<16xf32>,
          %gather3A_408 = tpu.vector_load_idx %arg7[%get3A_403] : memref<4624xf32, #tpu.memory_space<vmem>>[vector<16xi32>], vector<16xf32>,
          %lt3A_409 = vector.broadcast %scan3A_117 : i32 to vector<16xi32>
          %lt3A_410 = arith.cmpi slt, %get3A_403, %lt3A_409 : vector<16xi32>
          %jit3A_411 = arith.constant 0.000000e+00 : f32
          %broadcast_in_dim3A_412 = vector.broadcast %jit3A_411 : f32 to vector<16xf32>
          %select_n3A_413 = arith.select %lt3A_410, %get3A_407, %broadcast_in_dim3A_412 : vector<16xi1>, vector<16xf32>
          %mul3A_414 = arith.mulf %gather3A_408, %select_n3A_413 : vector<16xf32>
          %add3A_415 = arith.addf %add3A_351, %mul3A_414 : vector<16xf32>
          %add3A_416 = arith.constant 288 : i32
          %add3A_417 = arith.addi %mul3A_120, %add3A_416 : i32
          %get3A_418 = arith.index_cast %add3A_417 : i32 to index
          %get3A_419 = tpu.vector_load %arg11[%get3A_418] {strides = array<i32>} : memref<16384xi32, #tpu.memory_space<vmem>>, vector<16xi32>,
          %add3A_420 = arith.constant 288 : i32
          %add3A_421 = arith.addi %mul3A_120, %add3A_420 : i32
          %get3A_422 = arith.index_cast %add3A_421 : i32 to index
          %get3A_423 = tpu.vector_load %arg10[%get3A_422] {strides = array<i32>} : memref<16384xf32, #tpu.memory_space<vmem>>, vector<16xf32>,
          %gather3A_424 = tpu.vector_load_idx %arg7[%get3A_419] : memref<4624xf32, #tpu.memory_space<vmem>>[vector<16xi32>], vector<16xf32>,
          %lt3A_425 = vector.broadcast %scan3A_117 : i32 to vector<16xi32>
          %lt3A_426 = arith.cmpi slt, %get3A_419, %lt3A_425 : vector<16xi32>
          %jit3A_427 = arith.constant 0.000000e+00 : f32
          %broadcast_in_dim3A_428 = vector.broadcast %jit3A_427 : f32 to vector<16xf32>
          %select_n3A_429 = arith.select %lt3A_426, %get3A_423, %broadcast_in_dim3A_428 : vector<16xi1>, vector<16xf32>
          %mul3A_430 = arith.mulf %gather3A_424, %select_n3A_429 : vector<16xf32>
          %add3A_431 = arith.addf %add3A_367, %mul3A_430 : vector<16xf32>
          %add3A_432 = arith.constant 304 : i32
          %add3A_433 = arith.addi %mul3A_120, %add3A_432 : i32
          %get3A_434 = arith.index_cast %add3A_433 : i32 to index
          %get3A_435 = tpu.vector_load %arg11[%get3A_434] {strides = array<i32>} : memref<16384xi32, #tpu.memory_space<vmem>>, vector<16xi32>,
          %add3A_436 = arith.constant 304 : i32
          %add3A_437 = arith.addi %mul3A_120, %add3A_436 : i32
          %get3A_438 = arith.index_cast %add3A_437 : i32 to index
          %get3A_439 = tpu.vector_load %arg10[%get3A_438] {strides = array<i32>} : memref<16384xf32, #tpu.memory_space<vmem>>, vector<16xf32>,
          %gather3A_440 = tpu.vector_load_idx %arg7[%get3A_435] : memref<4624xf32, #tpu.memory_space<vmem>>[vector<16xi32>], vector<16xf32>,
          %lt3A_441 = vector.broadcast %scan3A_117 : i32 to vector<16xi32>
          %lt3A_442 = arith.cmpi slt, %get3A_435, %lt3A_441 : vector<16xi32>
          %jit3A_443 = arith.constant 0.000000e+00 : f32
          %broadcast_in_dim3A_444 = vector.broadcast %jit3A_443 : f32 to vector<16xf32>
          %select_n3A_445 = arith.select %lt3A_442, %get3A_439, %broadcast_in_dim3A_444 : vector<16xi1>, vector<16xf32>
          %mul3A_446 = arith.mulf %gather3A_440, %select_n3A_445 : vector<16xf32>
          %add3A_447 = arith.addf %add3A_383, %mul3A_446 : vector<16xf32>
          %add3A_448 = arith.constant 320 : i32
          %add3A_449 = arith.addi %mul3A_120, %add3A_448 : i32
          %get3A_450 = arith.index_cast %add3A_449 : i32 to index
          %get3A_451 = tpu.vector_load %arg11[%get3A_450] {strides = array<i32>} : memref<16384xi32, #tpu.memory_space<vmem>>, vector<16xi32>,
          %add3A_452 = arith.constant 320 : i32
          %add3A_453 = arith.addi %mul3A_120, %add3A_452 : i32
          %get3A_454 = arith.index_cast %add3A_453 : i32 to index
          %get3A_455 = tpu.vector_load %arg10[%get3A_454] {strides = array<i32>} : memref<16384xf32, #tpu.memory_space<vmem>>, vector<16xf32>,
          %gather3A_456 = tpu.vector_load_idx %arg7[%get3A_451] : memref<4624xf32, #tpu.memory_space<vmem>>[vector<16xi32>], vector<16xf32>,
          %lt3A_457 = vector.broadcast %scan3A_117 : i32 to vector<16xi32>
          %lt3A_458 = arith.cmpi slt, %get3A_451, %lt3A_457 : vector<16xi32>
          %jit3A_459 = arith.constant 0.000000e+00 : f32
          %broadcast_in_dim3A_460 = vector.broadcast %jit3A_459 : f32 to vector<16xf32>
          %select_n3A_461 = arith.select %lt3A_458, %get3A_455, %broadcast_in_dim3A_460 : vector<16xi1>, vector<16xf32>
          %mul3A_462 = arith.mulf %gather3A_456, %select_n3A_461 : vector<16xf32>
          %add3A_463 = arith.addf %add3A_399, %mul3A_462 : vector<16xf32>
          %add3A_464 = arith.constant 336 : i32
          %add3A_465 = arith.addi %mul3A_120, %add3A_464 : i32
          %get3A_466 = arith.index_cast %add3A_465 : i32 to index
          %get3A_467 = tpu.vector_load %arg11[%get3A_466] {strides = array<i32>} : memref<16384xi32, #tpu.memory_space<vmem>>, vector<16xi32>,
          %add3A_468 = arith.constant 336 : i32
          %add3A_469 = arith.addi %mul3A_120, %add3A_468 : i32
          %get3A_470 = arith.index_cast %add3A_469 : i32 to index
          %get3A_471 = tpu.vector_load %arg10[%get3A_470] {strides = array<i32>} : memref<16384xf32, #tpu.memory_space<vmem>>, vector<16xf32>,
          %gather3A_472 = tpu.vector_load_idx %arg7[%get3A_467] : memref<4624xf32, #tpu.memory_space<vmem>>[vector<16xi32>], vector<16xf32>,
          %lt3A_473 = vector.broadcast %scan3A_117 : i32 to vector<16xi32>
          %lt3A_474 = arith.cmpi slt, %get3A_467, %lt3A_473 : vector<16xi32>
          %jit3A_475 = arith.constant 0.000000e+00 : f32
          %broadcast_in_dim3A_476 = vector.broadcast %jit3A_475 : f32 to vector<16xf32>
          %select_n3A_477 = arith.select %lt3A_474, %get3A_471, %broadcast_in_dim3A_476 : vector<16xi1>, vector<16xf32>
          %mul3A_478 = arith.mulf %gather3A_472, %select_n3A_477 : vector<16xf32>
          %add3A_479 = arith.addf %add3A_415, %mul3A_478 : vector<16xf32>
          %add3A_480 = arith.constant 352 : i32
          %add3A_481 = arith.addi %mul3A_120, %add3A_480 : i32
          %get3A_482 = arith.index_cast %add3A_481 : i32 to index
          %get3A_483 = tpu.vector_load %arg11[%get3A_482] {strides = array<i32>} : memref<16384xi32, #tpu.memory_space<vmem>>, vector<16xi32>,
          %add3A_484 = arith.constant 352 : i32
          %add3A_485 = arith.addi %mul3A_120, %add3A_484 : i32
          %get3A_486 = arith.index_cast %add3A_485 : i32 to index
          %get3A_487 = tpu.vector_load %arg10[%get3A_486] {strides = array<i32>} : memref<16384xf32, #tpu.memory_space<vmem>>, vector<16xf32>,
          %gather3A_488 = tpu.vector_load_idx %arg7[%get3A_483] : memref<4624xf32, #tpu.memory_space<vmem>>[vector<16xi32>], vector<16xf32>,
          %lt3A_489 = vector.broadcast %scan3A_117 : i32 to vector<16xi32>
          %lt3A_490 = arith.cmpi slt, %get3A_483, %lt3A_489 : vector<16xi32>
          %jit3A_491 = arith.constant 0.000000e+00 : f32
          %broadcast_in_dim3A_492 = vector.broadcast %jit3A_491 : f32 to vector<16xf32>
          %select_n3A_493 = arith.select %lt3A_490, %get3A_487, %broadcast_in_dim3A_492 : vector<16xi1>, vector<16xf32>
          %mul3A_494 = arith.mulf %gather3A_488, %select_n3A_493 : vector<16xf32>
          %add3A_495 = arith.addf %add3A_431, %mul3A_494 : vector<16xf32>
          %add3A_496 = arith.constant 368 : i32
          %add3A_497 = arith.addi %mul3A_120, %add3A_496 : i32
          %get3A_498 = arith.index_cast %add3A_497 : i32 to index
          %get3A_499 = tpu.vector_load %arg11[%get3A_498] {strides = array<i32>} : memref<16384xi32, #tpu.memory_space<vmem>>, vector<16xi32>,
          %add3A_500 = arith.constant 368 : i32
          %add3A_501 = arith.addi %mul3A_120, %add3A_500 : i32
          %get3A_502 = arith.index_cast %add3A_501 : i32 to index
          %get3A_503 = tpu.vector_load %arg10[%get3A_502] {strides = array<i32>} : memref<16384xf32, #tpu.memory_space<vmem>>, vector<16xf32>,
          %gather3A_504 = tpu.vector_load_idx %arg7[%get3A_499] : memref<4624xf32, #tpu.memory_space<vmem>>[vector<16xi32>], vector<16xf32>,
          %lt3A_505 = vector.broadcast %scan3A_117 : i32 to vector<16xi32>
          %lt3A_506 = arith.cmpi slt, %get3A_499, %lt3A_505 : vector<16xi32>
          %jit3A_507 = arith.constant 0.000000e+00 : f32
          %broadcast_in_dim3A_508 = vector.broadcast %jit3A_507 : f32 to vector<16xf32>
          %select_n3A_509 = arith.select %lt3A_506, %get3A_503, %broadcast_in_dim3A_508 : vector<16xi1>, vector<16xf32>
          %mul3A_510 = arith.mulf %gather3A_504, %select_n3A_509 : vector<16xf32>
          %add3A_511 = arith.addf %add3A_447, %mul3A_510 : vector<16xf32>
          %add3A_512 = arith.constant 384 : i32
          %add3A_513 = arith.addi %mul3A_120, %add3A_512 : i32
          %get3A_514 = arith.index_cast %add3A_513 : i32 to index
          %get3A_515 = tpu.vector_load %arg11[%get3A_514] {strides = array<i32>} : memref<16384xi32, #tpu.memory_space<vmem>>, vector<16xi32>,
          %add3A_516 = arith.constant 384 : i32
          %add3A_517 = arith.addi %mul3A_120, %add3A_516 : i32
          %get3A_518 = arith.index_cast %add3A_517 : i32 to index
          %get3A_519 = tpu.vector_load %arg10[%get3A_518] {strides = array<i32>} : memref<16384xf32, #tpu.memory_space<vmem>>, vector<16xf32>,
          %gather3A_520 = tpu.vector_load_idx %arg7[%get3A_515] : memref<4624xf32, #tpu.memory_space<vmem>>[vector<16xi32>], vector<16xf32>,
          %lt3A_521 = vector.broadcast %scan3A_117 : i32 to vector<16xi32>
          %lt3A_522 = arith.cmpi slt, %get3A_515, %lt3A_521 : vector<16xi32>
          %jit3A_523 = arith.constant 0.000000e+00 : f32
          %broadcast_in_dim3A_524 = vector.broadcast %jit3A_523 : f32 to vector<16xf32>
          %select_n3A_525 = arith.select %lt3A_522, %get3A_519, %broadcast_in_dim3A_524 : vector<16xi1>, vector<16xf32>
          %mul3A_526 = arith.mulf %gather3A_520, %select_n3A_525 : vector<16xf32>
          %add3A_527 = arith.addf %add3A_463, %mul3A_526 : vector<16xf32>
          %add3A_528 = arith.constant 400 : i32
          %add3A_529 = arith.addi %mul3A_120, %add3A_528 : i32
          %get3A_530 = arith.index_cast %add3A_529 : i32 to index
          %get3A_531 = tpu.vector_load %arg11[%get3A_530] {strides = array<i32>} : memref<16384xi32, #tpu.memory_space<vmem>>, vector<16xi32>,
          %add3A_532 = arith.constant 400 : i32
          %add3A_533 = arith.addi %mul3A_120, %add3A_532 : i32
          %get3A_534 = arith.index_cast %add3A_533 : i32 to index
          %get3A_535 = tpu.vector_load %arg10[%get3A_534] {strides = array<i32>} : memref<16384xf32, #tpu.memory_space<vmem>>, vector<16xf32>,
          %gather3A_536 = tpu.vector_load_idx %arg7[%get3A_531] : memref<4624xf32, #tpu.memory_space<vmem>>[vector<16xi32>], vector<16xf32>,
          %lt3A_537 = vector.broadcast %scan3A_117 : i32 to vector<16xi32>
          %lt3A_538 = arith.cmpi slt, %get3A_531, %lt3A_537 : vector<16xi32>
          %jit3A_539 = arith.constant 0.000000e+00 : f32
          %broadcast_in_dim3A_540 = vector.broadcast %jit3A_539 : f32 to vector<16xf32>
          %select_n3A_541 = arith.select %lt3A_538, %get3A_535, %broadcast_in_dim3A_540 : vector<16xi1>, vector<16xf32>
          %mul3A_542 = arith.mulf %gather3A_536, %select_n3A_541 : vector<16xf32>
          %add3A_543 = arith.addf %add3A_479, %mul3A_542 : vector<16xf32>
          %add3A_544 = arith.constant 416 : i32
          %add3A_545 = arith.addi %mul3A_120, %add3A_544 : i32
          %get3A_546 = arith.index_cast %add3A_545 : i32 to index
          %get3A_547 = tpu.vector_load %arg11[%get3A_546] {strides = array<i32>} : memref<16384xi32, #tpu.memory_space<vmem>>, vector<16xi32>,
          %add3A_548 = arith.constant 416 : i32
          %add3A_549 = arith.addi %mul3A_120, %add3A_548 : i32
          %get3A_550 = arith.index_cast %add3A_549 : i32 to index
          %get3A_551 = tpu.vector_load %arg10[%get3A_550] {strides = array<i32>} : memref<16384xf32, #tpu.memory_space<vmem>>, vector<16xf32>,
          %gather3A_552 = tpu.vector_load_idx %arg7[%get3A_547] : memref<4624xf32, #tpu.memory_space<vmem>>[vector<16xi32>], vector<16xf32>,
          %lt3A_553 = vector.broadcast %scan3A_117 : i32 to vector<16xi32>
          %lt3A_554 = arith.cmpi slt, %get3A_547, %lt3A_553 : vector<16xi32>
          %jit3A_555 = arith.constant 0.000000e+00 : f32
          %broadcast_in_dim3A_556 = vector.broadcast %jit3A_555 : f32 to vector<16xf32>
          %select_n3A_557 = arith.select %lt3A_554, %get3A_551, %broadcast_in_dim3A_556 : vector<16xi1>, vector<16xf32>
          %mul3A_558 = arith.mulf %gather3A_552, %select_n3A_557 : vector<16xf32>
          %add3A_559 = arith.addf %add3A_495, %mul3A_558 : vector<16xf32>
          %add3A_560 = arith.constant 432 : i32
          %add3A_561 = arith.addi %mul3A_120, %add3A_560 : i32
          %get3A_562 = arith.index_cast %add3A_561 : i32 to index
          %get3A_563 = tpu.vector_load %arg11[%get3A_562] {strides = array<i32>} : memref<16384xi32, #tpu.memory_space<vmem>>, vector<16xi32>,
          %add3A_564 = arith.constant 432 : i32
          %add3A_565 = arith.addi %mul3A_120, %add3A_564 : i32
          %get3A_566 = arith.index_cast %add3A_565 : i32 to index
          %get3A_567 = tpu.vector_load %arg10[%get3A_566] {strides = array<i32>} : memref<16384xf32, #tpu.memory_space<vmem>>, vector<16xf32>,
          %gather3A_568 = tpu.vector_load_idx %arg7[%get3A_563] : memref<4624xf32, #tpu.memory_space<vmem>>[vector<16xi32>], vector<16xf32>,
          %lt3A_569 = vector.broadcast %scan3A_117 : i32 to vector<16xi32>
          %lt3A_570 = arith.cmpi slt, %get3A_563, %lt3A_569 : vector<16xi32>
          %jit3A_571 = arith.constant 0.000000e+00 : f32
          %broadcast_in_dim3A_572 = vector.broadcast %jit3A_571 : f32 to vector<16xf32>
          %select_n3A_573 = arith.select %lt3A_570, %get3A_567, %broadcast_in_dim3A_572 : vector<16xi1>, vector<16xf32>
          %mul3A_574 = arith.mulf %gather3A_568, %select_n3A_573 : vector<16xf32>
          %add3A_575 = arith.addf %add3A_511, %mul3A_574 : vector<16xf32>
          %add3A_576 = arith.constant 448 : i32
          %add3A_577 = arith.addi %mul3A_120, %add3A_576 : i32
          %get3A_578 = arith.index_cast %add3A_577 : i32 to index
          %get3A_579 = tpu.vector_load %arg11[%get3A_578] {strides = array<i32>} : memref<16384xi32, #tpu.memory_space<vmem>>, vector<16xi32>,
          %add3A_580 = arith.constant 448 : i32
          %add3A_581 = arith.addi %mul3A_120, %add3A_580 : i32
          %get3A_582 = arith.index_cast %add3A_581 : i32 to index
          %get3A_583 = tpu.vector_load %arg10[%get3A_582] {strides = array<i32>} : memref<16384xf32, #tpu.memory_space<vmem>>, vector<16xf32>,
          %gather3A_584 = tpu.vector_load_idx %arg7[%get3A_579] : memref<4624xf32, #tpu.memory_space<vmem>>[vector<16xi32>], vector<16xf32>,
          %lt3A_585 = vector.broadcast %scan3A_117 : i32 to vector<16xi32>
          %lt3A_586 = arith.cmpi slt, %get3A_579, %lt3A_585 : vector<16xi32>
          %jit3A_587 = arith.constant 0.000000e+00 : f32
          %broadcast_in_dim3A_588 = vector.broadcast %jit3A_587 : f32 to vector<16xf32>
          %select_n3A_589 = arith.select %lt3A_586, %get3A_583, %broadcast_in_dim3A_588 : vector<16xi1>, vector<16xf32>
          %mul3A_590 = arith.mulf %gather3A_584, %select_n3A_589 : vector<16xf32>
          %add3A_591 = arith.addf %add3A_527, %mul3A_590 : vector<16xf32>
          %add3A_592 = arith.constant 464 : i32
          %add3A_593 = arith.addi %mul3A_120, %add3A_592 : i32
          %get3A_594 = arith.index_cast %add3A_593 : i32 to index
          %get3A_595 = tpu.vector_load %arg11[%get3A_594] {strides = array<i32>} : memref<16384xi32, #tpu.memory_space<vmem>>, vector<16xi32>,
          %add3A_596 = arith.constant 464 : i32
          %add3A_597 = arith.addi %mul3A_120, %add3A_596 : i32
          %get3A_598 = arith.index_cast %add3A_597 : i32 to index
          %get3A_599 = tpu.vector_load %arg10[%get3A_598] {strides = array<i32>} : memref<16384xf32, #tpu.memory_space<vmem>>, vector<16xf32>,
          %gather3A_600 = tpu.vector_load_idx %arg7[%get3A_595] : memref<4624xf32, #tpu.memory_space<vmem>>[vector<16xi32>], vector<16xf32>,
          %lt3A_601 = vector.broadcast %scan3A_117 : i32 to vector<16xi32>
          %lt3A_602 = arith.cmpi slt, %get3A_595, %lt3A_601 : vector<16xi32>
          %jit3A_603 = arith.constant 0.000000e+00 : f32
          %broadcast_in_dim3A_604 = vector.broadcast %jit3A_603 : f32 to vector<16xf32>
          %select_n3A_605 = arith.select %lt3A_602, %get3A_599, %broadcast_in_dim3A_604 : vector<16xi1>, vector<16xf32>
          %mul3A_606 = arith.mulf %gather3A_600, %select_n3A_605 : vector<16xf32>
          %add3A_607 = arith.addf %add3A_543, %mul3A_606 : vector<16xf32>
          %add3A_608 = arith.constant 480 : i32
          %add3A_609 = arith.addi %mul3A_120, %add3A_608 : i32
          %get3A_610 = arith.index_cast %add3A_609 : i32 to index
          %get3A_611 = tpu.vector_load %arg11[%get3A_610] {strides = array<i32>} : memref<16384xi32, #tpu.memory_space<vmem>>, vector<16xi32>,
          %add3A_612 = arith.constant 480 : i32
          %add3A_613 = arith.addi %mul3A_120, %add3A_612 : i32
          %get3A_614 = arith.index_cast %add3A_613 : i32 to index
          %get3A_615 = tpu.vector_load %arg10[%get3A_614] {strides = array<i32>} : memref<16384xf32, #tpu.memory_space<vmem>>, vector<16xf32>,
          %gather3A_616 = tpu.vector_load_idx %arg7[%get3A_611] : memref<4624xf32, #tpu.memory_space<vmem>>[vector<16xi32>], vector<16xf32>,
          %lt3A_617 = vector.broadcast %scan3A_117 : i32 to vector<16xi32>
          %lt3A_618 = arith.cmpi slt, %get3A_611, %lt3A_617 : vector<16xi32>
          %jit3A_619 = arith.constant 0.000000e+00 : f32
          %broadcast_in_dim3A_620 = vector.broadcast %jit3A_619 : f32 to vector<16xf32>
          %select_n3A_621 = arith.select %lt3A_618, %get3A_615, %broadcast_in_dim3A_620 : vector<16xi1>, vector<16xf32>
          %mul3A_622 = arith.mulf %gather3A_616, %select_n3A_621 : vector<16xf32>
          %add3A_623 = arith.addf %add3A_559, %mul3A_622 : vector<16xf32>
          %add3A_624 = arith.constant 496 : i32
          %add3A_625 = arith.addi %mul3A_120, %add3A_624 : i32
          %get3A_626 = arith.index_cast %add3A_625 : i32 to index
          %get3A_627 = tpu.vector_load %arg11[%get3A_626] {strides = array<i32>} : memref<16384xi32, #tpu.memory_space<vmem>>, vector<16xi32>,
          %add3A_628 = arith.constant 496 : i32
          %add3A_629 = arith.addi %mul3A_120, %add3A_628 : i32
          %get3A_630 = arith.index_cast %add3A_629 : i32 to index
          %get3A_631 = tpu.vector_load %arg10[%get3A_630] {strides = array<i32>} : memref<16384xf32, #tpu.memory_space<vmem>>, vector<16xf32>,
          %gather3A_632 = tpu.vector_load_idx %arg7[%get3A_627] : memref<4624xf32, #tpu.memory_space<vmem>>[vector<16xi32>], vector<16xf32>,
          %lt3A_633 = vector.broadcast %scan3A_117 : i32 to vector<16xi32>
          %lt3A_634 = arith.cmpi slt, %get3A_627, %lt3A_633 : vector<16xi32>
          %jit3A_635 = arith.constant 0.000000e+00 : f32
          %broadcast_in_dim3A_636 = vector.broadcast %jit3A_635 : f32 to vector<16xf32>
          %select_n3A_637 = arith.select %lt3A_634, %get3A_631, %broadcast_in_dim3A_636 : vector<16xi1>, vector<16xf32>
          %mul3A_638 = arith.mulf %gather3A_632, %select_n3A_637 : vector<16xf32>
          %add3A_639 = arith.addf %add3A_575, %mul3A_638 : vector<16xf32>
          %add3A_640 = arith.constant 512 : i32
          %add3A_641 = arith.addi %mul3A_120, %add3A_640 : i32
          %get3A_642 = arith.index_cast %add3A_641 : i32 to index
          %get3A_643 = tpu.vector_load %arg11[%get3A_642] {strides = array<i32>} : memref<16384xi32, #tpu.memory_space<vmem>>, vector<16xi32>,
          %add3A_644 = arith.constant 512 : i32
          %add3A_645 = arith.addi %mul3A_120, %add3A_644 : i32
          %get3A_646 = arith.index_cast %add3A_645 : i32 to index
          %get3A_647 = tpu.vector_load %arg10[%get3A_646] {strides = array<i32>} : memref<16384xf32, #tpu.memory_space<vmem>>, vector<16xf32>,
          %gather3A_648 = tpu.vector_load_idx %arg7[%get3A_643] : memref<4624xf32, #tpu.memory_space<vmem>>[vector<16xi32>], vector<16xf32>,
          %lt3A_649 = vector.broadcast %scan3A_117 : i32 to vector<16xi32>
          %lt3A_650 = arith.cmpi slt, %get3A_643, %lt3A_649 : vector<16xi32>
          %jit3A_651 = arith.constant 0.000000e+00 : f32
          %broadcast_in_dim3A_652 = vector.broadcast %jit3A_651 : f32 to vector<16xf32>
          %select_n3A_653 = arith.select %lt3A_650, %get3A_647, %broadcast_in_dim3A_652 : vector<16xi1>, vector<16xf32>
          %mul3A_654 = arith.mulf %gather3A_648, %select_n3A_653 : vector<16xf32>
          %add3A_655 = arith.addf %add3A_591, %mul3A_654 : vector<16xf32>
          %add3A_656 = arith.constant 528 : i32
          %add3A_657 = arith.addi %mul3A_120, %add3A_656 : i32
          %get3A_658 = arith.index_cast %add3A_657 : i32 to index
          %get3A_659 = tpu.vector_load %arg11[%get3A_658] {strides = array<i32>} : memref<16384xi32, #tpu.memory_space<vmem>>, vector<16xi32>,
          %add3A_660 = arith.constant 528 : i32
          %add3A_661 = arith.addi %mul3A_120, %add3A_660 : i32
          %get3A_662 = arith.index_cast %add3A_661 : i32 to index
          %get3A_663 = tpu.vector_load %arg10[%get3A_662] {strides = array<i32>} : memref<16384xf32, #tpu.memory_space<vmem>>, vector<16xf32>,
          %gather3A_664 = tpu.vector_load_idx %arg7[%get3A_659] : memref<4624xf32, #tpu.memory_space<vmem>>[vector<16xi32>], vector<16xf32>,
          %lt3A_665 = vector.broadcast %scan3A_117 : i32 to vector<16xi32>
          %lt3A_666 = arith.cmpi slt, %get3A_659, %lt3A_665 : vector<16xi32>
          %jit3A_667 = arith.constant 0.000000e+00 : f32
          %broadcast_in_dim3A_668 = vector.broadcast %jit3A_667 : f32 to vector<16xf32>
          %select_n3A_669 = arith.select %lt3A_666, %get3A_663, %broadcast_in_dim3A_668 : vector<16xi1>, vector<16xf32>
          %mul3A_670 = arith.mulf %gather3A_664, %select_n3A_669 : vector<16xf32>
          %add3A_671 = arith.addf %add3A_607, %mul3A_670 : vector<16xf32>
          %add3A_672 = arith.constant 544 : i32
          %add3A_673 = arith.addi %mul3A_120, %add3A_672 : i32
          %get3A_674 = arith.index_cast %add3A_673 : i32 to index
          %get3A_675 = tpu.vector_load %arg11[%get3A_674] {strides = array<i32>} : memref<16384xi32, #tpu.memory_space<vmem>>, vector<16xi32>,
          %add3A_676 = arith.constant 544 : i32
          %add3A_677 = arith.addi %mul3A_120, %add3A_676 : i32
          %get3A_678 = arith.index_cast %add3A_677 : i32 to index
          %get3A_679 = tpu.vector_load %arg10[%get3A_678] {strides = array<i32>} : memref<16384xf32, #tpu.memory_space<vmem>>, vector<16xf32>,
          %gather3A_680 = tpu.vector_load_idx %arg7[%get3A_675] : memref<4624xf32, #tpu.memory_space<vmem>>[vector<16xi32>], vector<16xf32>,
          %lt3A_681 = vector.broadcast %scan3A_117 : i32 to vector<16xi32>
          %lt3A_682 = arith.cmpi slt, %get3A_675, %lt3A_681 : vector<16xi32>
          %jit3A_683 = arith.constant 0.000000e+00 : f32
          %broadcast_in_dim3A_684 = vector.broadcast %jit3A_683 : f32 to vector<16xf32>
          %select_n3A_685 = arith.select %lt3A_682, %get3A_679, %broadcast_in_dim3A_684 : vector<16xi1>, vector<16xf32>
          %mul3A_686 = arith.mulf %gather3A_680, %select_n3A_685 : vector<16xf32>
          %add3A_687 = arith.addf %add3A_623, %mul3A_686 : vector<16xf32>
          %add3A_688 = arith.constant 560 : i32
          %add3A_689 = arith.addi %mul3A_120, %add3A_688 : i32
          %get3A_690 = arith.index_cast %add3A_689 : i32 to index
          %get3A_691 = tpu.vector_load %arg11[%get3A_690] {strides = array<i32>} : memref<16384xi32, #tpu.memory_space<vmem>>, vector<16xi32>,
          %add3A_692 = arith.constant 560 : i32
          %add3A_693 = arith.addi %mul3A_120, %add3A_692 : i32
          %get3A_694 = arith.index_cast %add3A_693 : i32 to index
          %get3A_695 = tpu.vector_load %arg10[%get3A_694] {strides = array<i32>} : memref<16384xf32, #tpu.memory_space<vmem>>, vector<16xf32>,
          %gather3A_696 = tpu.vector_load_idx %arg7[%get3A_691] : memref<4624xf32, #tpu.memory_space<vmem>>[vector<16xi32>], vector<16xf32>,
          %lt3A_697 = vector.broadcast %scan3A_117 : i32 to vector<16xi32>
          %lt3A_698 = arith.cmpi slt, %get3A_691, %lt3A_697 : vector<16xi32>
          %jit3A_699 = arith.constant 0.000000e+00 : f32
          %broadcast_in_dim3A_700 = vector.broadcast %jit3A_699 : f32 to vector<16xf32>
          %select_n3A_701 = arith.select %lt3A_698, %get3A_695, %broadcast_in_dim3A_700 : vector<16xi1>, vector<16xf32>
          %mul3A_702 = arith.mulf %gather3A_696, %select_n3A_701 : vector<16xf32>
          %add3A_703 = arith.addf %add3A_639, %mul3A_702 : vector<16xf32>
          %add3A_704 = arith.constant 576 : i32
          %add3A_705 = arith.addi %mul3A_120, %add3A_704 : i32
          %get3A_706 = arith.index_cast %add3A_705 : i32 to index
          %get3A_707 = tpu.vector_load %arg11[%get3A_706] {strides = array<i32>} : memref<16384xi32, #tpu.memory_space<vmem>>, vector<16xi32>,
          %add3A_708 = arith.constant 576 : i32
          %add3A_709 = arith.addi %mul3A_120, %add3A_708 : i32
          %get3A_710 = arith.index_cast %add3A_709 : i32 to index
          %get3A_711 = tpu.vector_load %arg10[%get3A_710] {strides = array<i32>} : memref<16384xf32, #tpu.memory_space<vmem>>, vector<16xf32>,
          %gather3A_712 = tpu.vector_load_idx %arg7[%get3A_707] : memref<4624xf32, #tpu.memory_space<vmem>>[vector<16xi32>], vector<16xf32>,
          %lt3A_713 = vector.broadcast %scan3A_117 : i32 to vector<16xi32>
          %lt3A_714 = arith.cmpi slt, %get3A_707, %lt3A_713 : vector<16xi32>
          %jit3A_715 = arith.constant 0.000000e+00 : f32
          %broadcast_in_dim3A_716 = vector.broadcast %jit3A_715 : f32 to vector<16xf32>
          %select_n3A_717 = arith.select %lt3A_714, %get3A_711, %broadcast_in_dim3A_716 : vector<16xi1>, vector<16xf32>
          %mul3A_718 = arith.mulf %gather3A_712, %select_n3A_717 : vector<16xf32>
          %add3A_719 = arith.addf %add3A_655, %mul3A_718 : vector<16xf32>
          %add3A_720 = arith.constant 592 : i32
          %add3A_721 = arith.addi %mul3A_120, %add3A_720 : i32
          %get3A_722 = arith.index_cast %add3A_721 : i32 to index
          %get3A_723 = tpu.vector_load %arg11[%get3A_722] {strides = array<i32>} : memref<16384xi32, #tpu.memory_space<vmem>>, vector<16xi32>,
          %add3A_724 = arith.constant 592 : i32
          %add3A_725 = arith.addi %mul3A_120, %add3A_724 : i32
          %get3A_726 = arith.index_cast %add3A_725 : i32 to index
          %get3A_727 = tpu.vector_load %arg10[%get3A_726] {strides = array<i32>} : memref<16384xf32, #tpu.memory_space<vmem>>, vector<16xf32>,
          %gather3A_728 = tpu.vector_load_idx %arg7[%get3A_723] : memref<4624xf32, #tpu.memory_space<vmem>>[vector<16xi32>], vector<16xf32>,
          %lt3A_729 = vector.broadcast %scan3A_117 : i32 to vector<16xi32>
          %lt3A_730 = arith.cmpi slt, %get3A_723, %lt3A_729 : vector<16xi32>
          %jit3A_731 = arith.constant 0.000000e+00 : f32
          %broadcast_in_dim3A_732 = vector.broadcast %jit3A_731 : f32 to vector<16xf32>
          %select_n3A_733 = arith.select %lt3A_730, %get3A_727, %broadcast_in_dim3A_732 : vector<16xi1>, vector<16xf32>
          %mul3A_734 = arith.mulf %gather3A_728, %select_n3A_733 : vector<16xf32>
          %add3A_735 = arith.addf %add3A_671, %mul3A_734 : vector<16xf32>
          %add3A_736 = arith.constant 608 : i32
          %add3A_737 = arith.addi %mul3A_120, %add3A_736 : i32
          %get3A_738 = arith.index_cast %add3A_737 : i32 to index
          %get3A_739 = tpu.vector_load %arg11[%get3A_738] {strides = array<i32>} : memref<16384xi32, #tpu.memory_space<vmem>>, vector<16xi32>,
          %add3A_740 = arith.constant 608 : i32
          %add3A_741 = arith.addi %mul3A_120, %add3A_740 : i32
          %get3A_742 = arith.index_cast %add3A_741 : i32 to index
          %get3A_743 = tpu.vector_load %arg10[%get3A_742] {strides = array<i32>} : memref<16384xf32, #tpu.memory_space<vmem>>, vector<16xf32>,
          %gather3A_744 = tpu.vector_load_idx %arg7[%get3A_739] : memref<4624xf32, #tpu.memory_space<vmem>>[vector<16xi32>], vector<16xf32>,
          %lt3A_745 = vector.broadcast %scan3A_117 : i32 to vector<16xi32>
          %lt3A_746 = arith.cmpi slt, %get3A_739, %lt3A_745 : vector<16xi32>
          %jit3A_747 = arith.constant 0.000000e+00 : f32
          %broadcast_in_dim3A_748 = vector.broadcast %jit3A_747 : f32 to vector<16xf32>
          %select_n3A_749 = arith.select %lt3A_746, %get3A_743, %broadcast_in_dim3A_748 : vector<16xi1>, vector<16xf32>
          %mul3A_750 = arith.mulf %gather3A_744, %select_n3A_749 : vector<16xf32>
          %add3A_751 = arith.addf %add3A_687, %mul3A_750 : vector<16xf32>
          %add3A_752 = arith.constant 624 : i32
          %add3A_753 = arith.addi %mul3A_120, %add3A_752 : i32
          %get3A_754 = arith.index_cast %add3A_753 : i32 to index
          %get3A_755 = tpu.vector_load %arg11[%get3A_754] {strides = array<i32>} : memref<16384xi32, #tpu.memory_space<vmem>>, vector<16xi32>,
          %add3A_756 = arith.constant 624 : i32
          %add3A_757 = arith.addi %mul3A_120, %add3A_756 : i32
          %get3A_758 = arith.index_cast %add3A_757 : i32 to index
          %get3A_759 = tpu.vector_load %arg10[%get3A_758] {strides = array<i32>} : memref<16384xf32, #tpu.memory_space<vmem>>, vector<16xf32>,
          %gather3A_760 = tpu.vector_load_idx %arg7[%get3A_755] : memref<4624xf32, #tpu.memory_space<vmem>>[vector<16xi32>], vector<16xf32>,
          %lt3A_761 = vector.broadcast %scan3A_117 : i32 to vector<16xi32>
          %lt3A_762 = arith.cmpi slt, %get3A_755, %lt3A_761 : vector<16xi32>
          %jit3A_763 = arith.constant 0.000000e+00 : f32
          %broadcast_in_dim3A_764 = vector.broadcast %jit3A_763 : f32 to vector<16xf32>
          %select_n3A_765 = arith.select %lt3A_762, %get3A_759, %broadcast_in_dim3A_764 : vector<16xi1>, vector<16xf32>
          %mul3A_766 = arith.mulf %gather3A_760, %select_n3A_765 : vector<16xf32>
          %add3A_767 = arith.addf %add3A_703, %mul3A_766 : vector<16xf32>
          %add3A_768 = arith.constant 640 : i32
          %add3A_769 = arith.addi %mul3A_120, %add3A_768 : i32
          %get3A_770 = arith.index_cast %add3A_769 : i32 to index
          %get3A_771 = tpu.vector_load %arg11[%get3A_770] {strides = array<i32>} : memref<16384xi32, #tpu.memory_space<vmem>>, vector<16xi32>,
          %add3A_772 = arith.constant 640 : i32
          %add3A_773 = arith.addi %mul3A_120, %add3A_772 : i32
          %get3A_774 = arith.index_cast %add3A_773 : i32 to index
          %get3A_775 = tpu.vector_load %arg10[%get3A_774] {strides = array<i32>} : memref<16384xf32, #tpu.memory_space<vmem>>, vector<16xf32>,
          %gather3A_776 = tpu.vector_load_idx %arg7[%get3A_771] : memref<4624xf32, #tpu.memory_space<vmem>>[vector<16xi32>], vector<16xf32>,
          %lt3A_777 = vector.broadcast %scan3A_117 : i32 to vector<16xi32>
          %lt3A_778 = arith.cmpi slt, %get3A_771, %lt3A_777 : vector<16xi32>
          %jit3A_779 = arith.constant 0.000000e+00 : f32
          %broadcast_in_dim3A_780 = vector.broadcast %jit3A_779 : f32 to vector<16xf32>
          %select_n3A_781 = arith.select %lt3A_778, %get3A_775, %broadcast_in_dim3A_780 : vector<16xi1>, vector<16xf32>
          %mul3A_782 = arith.mulf %gather3A_776, %select_n3A_781 : vector<16xf32>
          %add3A_783 = arith.addf %add3A_719, %mul3A_782 : vector<16xf32>
          %add3A_784 = arith.constant 656 : i32
          %add3A_785 = arith.addi %mul3A_120, %add3A_784 : i32
          %get3A_786 = arith.index_cast %add3A_785 : i32 to index
          %get3A_787 = tpu.vector_load %arg11[%get3A_786] {strides = array<i32>} : memref<16384xi32, #tpu.memory_space<vmem>>, vector<16xi32>,
          %add3A_788 = arith.constant 656 : i32
          %add3A_789 = arith.addi %mul3A_120, %add3A_788 : i32
          %get3A_790 = arith.index_cast %add3A_789 : i32 to index
          %get3A_791 = tpu.vector_load %arg10[%get3A_790] {strides = array<i32>} : memref<16384xf32, #tpu.memory_space<vmem>>, vector<16xf32>,
          %gather3A_792 = tpu.vector_load_idx %arg7[%get3A_787] : memref<4624xf32, #tpu.memory_space<vmem>>[vector<16xi32>], vector<16xf32>,
          %lt3A_793 = vector.broadcast %scan3A_117 : i32 to vector<16xi32>
          %lt3A_794 = arith.cmpi slt, %get3A_787, %lt3A_793 : vector<16xi32>
          %jit3A_795 = arith.constant 0.000000e+00 : f32
          %broadcast_in_dim3A_796 = vector.broadcast %jit3A_795 : f32 to vector<16xf32>
          %select_n3A_797 = arith.select %lt3A_794, %get3A_791, %broadcast_in_dim3A_796 : vector<16xi1>, vector<16xf32>
          %mul3A_798 = arith.mulf %gather3A_792, %select_n3A_797 : vector<16xf32>
          %add3A_799 = arith.addf %add3A_735, %mul3A_798 : vector<16xf32>
          %add3A_800 = arith.constant 672 : i32
          %add3A_801 = arith.addi %mul3A_120, %add3A_800 : i32
          %get3A_802 = arith.index_cast %add3A_801 : i32 to index
          %get3A_803 = tpu.vector_load %arg11[%get3A_802] {strides = array<i32>} : memref<16384xi32, #tpu.memory_space<vmem>>, vector<16xi32>,
          %add3A_804 = arith.constant 672 : i32
          %add3A_805 = arith.addi %mul3A_120, %add3A_804 : i32
          %get3A_806 = arith.index_cast %add3A_805 : i32 to index
          %get3A_807 = tpu.vector_load %arg10[%get3A_806] {strides = array<i32>} : memref<16384xf32, #tpu.memory_space<vmem>>, vector<16xf32>,
          %gather3A_808 = tpu.vector_load_idx %arg7[%get3A_803] : memref<4624xf32, #tpu.memory_space<vmem>>[vector<16xi32>], vector<16xf32>,
          %lt3A_809 = vector.broadcast %scan3A_117 : i32 to vector<16xi32>
          %lt3A_810 = arith.cmpi slt, %get3A_803, %lt3A_809 : vector<16xi32>
          %jit3A_811 = arith.constant 0.000000e+00 : f32
          %broadcast_in_dim3A_812 = vector.broadcast %jit3A_811 : f32 to vector<16xf32>
          %select_n3A_813 = arith.select %lt3A_810, %get3A_807, %broadcast_in_dim3A_812 : vector<16xi1>, vector<16xf32>
          %mul3A_814 = arith.mulf %gather3A_808, %select_n3A_813 : vector<16xf32>
          %add3A_815 = arith.addf %add3A_751, %mul3A_814 : vector<16xf32>
          %add3A_816 = arith.constant 688 : i32
          %add3A_817 = arith.addi %mul3A_120, %add3A_816 : i32
          %get3A_818 = arith.index_cast %add3A_817 : i32 to index
          %get3A_819 = tpu.vector_load %arg11[%get3A_818] {strides = array<i32>} : memref<16384xi32, #tpu.memory_space<vmem>>, vector<16xi32>,
          %add3A_820 = arith.constant 688 : i32
          %add3A_821 = arith.addi %mul3A_120, %add3A_820 : i32
          %get3A_822 = arith.index_cast %add3A_821 : i32 to index
          %get3A_823 = tpu.vector_load %arg10[%get3A_822] {strides = array<i32>} : memref<16384xf32, #tpu.memory_space<vmem>>, vector<16xf32>,
          %gather3A_824 = tpu.vector_load_idx %arg7[%get3A_819] : memref<4624xf32, #tpu.memory_space<vmem>>[vector<16xi32>], vector<16xf32>,
          %lt3A_825 = vector.broadcast %scan3A_117 : i32 to vector<16xi32>
          %lt3A_826 = arith.cmpi slt, %get3A_819, %lt3A_825 : vector<16xi32>
          %jit3A_827 = arith.constant 0.000000e+00 : f32
          %broadcast_in_dim3A_828 = vector.broadcast %jit3A_827 : f32 to vector<16xf32>
          %select_n3A_829 = arith.select %lt3A_826, %get3A_823, %broadcast_in_dim3A_828 : vector<16xi1>, vector<16xf32>
          %mul3A_830 = arith.mulf %gather3A_824, %select_n3A_829 : vector<16xf32>
          %add3A_831 = arith.addf %add3A_767, %mul3A_830 : vector<16xf32>
          %add3A_832 = arith.constant 704 : i32
          %add3A_833 = arith.addi %mul3A_120, %add3A_832 : i32
          %get3A_834 = arith.index_cast %add3A_833 : i32 to index
          %get3A_835 = tpu.vector_load %arg11[%get3A_834] {strides = array<i32>} : memref<16384xi32, #tpu.memory_space<vmem>>, vector<16xi32>,
          %add3A_836 = arith.constant 704 : i32
          %add3A_837 = arith.addi %mul3A_120, %add3A_836 : i32
          %get3A_838 = arith.index_cast %add3A_837 : i32 to index
          %get3A_839 = tpu.vector_load %arg10[%get3A_838] {strides = array<i32>} : memref<16384xf32, #tpu.memory_space<vmem>>, vector<16xf32>,
          %gather3A_840 = tpu.vector_load_idx %arg7[%get3A_835] : memref<4624xf32, #tpu.memory_space<vmem>>[vector<16xi32>], vector<16xf32>,
          %lt3A_841 = vector.broadcast %scan3A_117 : i32 to vector<16xi32>
          %lt3A_842 = arith.cmpi slt, %get3A_835, %lt3A_841 : vector<16xi32>
          %jit3A_843 = arith.constant 0.000000e+00 : f32
          %broadcast_in_dim3A_844 = vector.broadcast %jit3A_843 : f32 to vector<16xf32>
          %select_n3A_845 = arith.select %lt3A_842, %get3A_839, %broadcast_in_dim3A_844 : vector<16xi1>, vector<16xf32>
          %mul3A_846 = arith.mulf %gather3A_840, %select_n3A_845 : vector<16xf32>
          %add3A_847 = arith.addf %add3A_783, %mul3A_846 : vector<16xf32>
          %add3A_848 = arith.constant 720 : i32
          %add3A_849 = arith.addi %mul3A_120, %add3A_848 : i32
          %get3A_850 = arith.index_cast %add3A_849 : i32 to index
          %get3A_851 = tpu.vector_load %arg11[%get3A_850] {strides = array<i32>} : memref<16384xi32, #tpu.memory_space<vmem>>, vector<16xi32>,
          %add3A_852 = arith.constant 720 : i32
          %add3A_853 = arith.addi %mul3A_120, %add3A_852 : i32
          %get3A_854 = arith.index_cast %add3A_853 : i32 to index
          %get3A_855 = tpu.vector_load %arg10[%get3A_854] {strides = array<i32>} : memref<16384xf32, #tpu.memory_space<vmem>>, vector<16xf32>,
          %gather3A_856 = tpu.vector_load_idx %arg7[%get3A_851] : memref<4624xf32, #tpu.memory_space<vmem>>[vector<16xi32>], vector<16xf32>,
          %lt3A_857 = vector.broadcast %scan3A_117 : i32 to vector<16xi32>
          %lt3A_858 = arith.cmpi slt, %get3A_851, %lt3A_857 : vector<16xi32>
          %jit3A_859 = arith.constant 0.000000e+00 : f32
          %broadcast_in_dim3A_860 = vector.broadcast %jit3A_859 : f32 to vector<16xf32>
          %select_n3A_861 = arith.select %lt3A_858, %get3A_855, %broadcast_in_dim3A_860 : vector<16xi1>, vector<16xf32>
          %mul3A_862 = arith.mulf %gather3A_856, %select_n3A_861 : vector<16xf32>
          %add3A_863 = arith.addf %add3A_799, %mul3A_862 : vector<16xf32>
          %add3A_864 = arith.constant 736 : i32
          %add3A_865 = arith.addi %mul3A_120, %add3A_864 : i32
          %get3A_866 = arith.index_cast %add3A_865 : i32 to index
          %get3A_867 = tpu.vector_load %arg11[%get3A_866] {strides = array<i32>} : memref<16384xi32, #tpu.memory_space<vmem>>, vector<16xi32>,
          %add3A_868 = arith.constant 736 : i32
          %add3A_869 = arith.addi %mul3A_120, %add3A_868 : i32
          %get3A_870 = arith.index_cast %add3A_869 : i32 to index
          %get3A_871 = tpu.vector_load %arg10[%get3A_870] {strides = array<i32>} : memref<16384xf32, #tpu.memory_space<vmem>>, vector<16xf32>,
          %gather3A_872 = tpu.vector_load_idx %arg7[%get3A_867] : memref<4624xf32, #tpu.memory_space<vmem>>[vector<16xi32>], vector<16xf32>,
          %lt3A_873 = vector.broadcast %scan3A_117 : i32 to vector<16xi32>
          %lt3A_874 = arith.cmpi slt, %get3A_867, %lt3A_873 : vector<16xi32>
          %jit3A_875 = arith.constant 0.000000e+00 : f32
          %broadcast_in_dim3A_876 = vector.broadcast %jit3A_875 : f32 to vector<16xf32>
          %select_n3A_877 = arith.select %lt3A_874, %get3A_871, %broadcast_in_dim3A_876 : vector<16xi1>, vector<16xf32>
          %mul3A_878 = arith.mulf %gather3A_872, %select_n3A_877 : vector<16xf32>
          %add3A_879 = arith.addf %add3A_815, %mul3A_878 : vector<16xf32>
          %add3A_880 = arith.constant 752 : i32
          %add3A_881 = arith.addi %mul3A_120, %add3A_880 : i32
          %get3A_882 = arith.index_cast %add3A_881 : i32 to index
          %get3A_883 = tpu.vector_load %arg11[%get3A_882] {strides = array<i32>} : memref<16384xi32, #tpu.memory_space<vmem>>, vector<16xi32>,
          %add3A_884 = arith.constant 752 : i32
          %add3A_885 = arith.addi %mul3A_120, %add3A_884 : i32
          %get3A_886 = arith.index_cast %add3A_885 : i32 to index
          %get3A_887 = tpu.vector_load %arg10[%get3A_886] {strides = array<i32>} : memref<16384xf32, #tpu.memory_space<vmem>>, vector<16xf32>,
          %gather3A_888 = tpu.vector_load_idx %arg7[%get3A_883] : memref<4624xf32, #tpu.memory_space<vmem>>[vector<16xi32>], vector<16xf32>,
          %lt3A_889 = vector.broadcast %scan3A_117 : i32 to vector<16xi32>
          %lt3A_890 = arith.cmpi slt, %get3A_883, %lt3A_889 : vector<16xi32>
          %jit3A_891 = arith.constant 0.000000e+00 : f32
          %broadcast_in_dim3A_892 = vector.broadcast %jit3A_891 : f32 to vector<16xf32>
          %select_n3A_893 = arith.select %lt3A_890, %get3A_887, %broadcast_in_dim3A_892 : vector<16xi1>, vector<16xf32>
          %mul3A_894 = arith.mulf %gather3A_888, %select_n3A_893 : vector<16xf32>
          %add3A_895 = arith.addf %add3A_831, %mul3A_894 : vector<16xf32>
          %add3A_896 = arith.constant 768 : i32
          %add3A_897 = arith.addi %mul3A_120, %add3A_896 : i32
          %get3A_898 = arith.index_cast %add3A_897 : i32 to index
          %get3A_899 = tpu.vector_load %arg11[%get3A_898] {strides = array<i32>} : memref<16384xi32, #tpu.memory_space<vmem>>, vector<16xi32>,
          %add3A_900 = arith.constant 768 : i32
          %add3A_901 = arith.addi %mul3A_120, %add3A_900 : i32
          %get3A_902 = arith.index_cast %add3A_901 : i32 to index
          %get3A_903 = tpu.vector_load %arg10[%get3A_902] {strides = array<i32>} : memref<16384xf32, #tpu.memory_space<vmem>>, vector<16xf32>,
          %gather3A_904 = tpu.vector_load_idx %arg7[%get3A_899] : memref<4624xf32, #tpu.memory_space<vmem>>[vector<16xi32>], vector<16xf32>,
          %lt3A_905 = vector.broadcast %scan3A_117 : i32 to vector<16xi32>
          %lt3A_906 = arith.cmpi slt, %get3A_899, %lt3A_905 : vector<16xi32>
          %jit3A_907 = arith.constant 0.000000e+00 : f32
          %broadcast_in_dim3A_908 = vector.broadcast %jit3A_907 : f32 to vector<16xf32>
          %select_n3A_909 = arith.select %lt3A_906, %get3A_903, %broadcast_in_dim3A_908 : vector<16xi1>, vector<16xf32>
          %mul3A_910 = arith.mulf %gather3A_904, %select_n3A_909 : vector<16xf32>
          %add3A_911 = arith.addf %add3A_847, %mul3A_910 : vector<16xf32>
          %add3A_912 = arith.constant 784 : i32
          %add3A_913 = arith.addi %mul3A_120, %add3A_912 : i32
          %get3A_914 = arith.index_cast %add3A_913 : i32 to index
          %get3A_915 = tpu.vector_load %arg11[%get3A_914] {strides = array<i32>} : memref<16384xi32, #tpu.memory_space<vmem>>, vector<16xi32>,
          %add3A_916 = arith.constant 784 : i32
          %add3A_917 = arith.addi %mul3A_120, %add3A_916 : i32
          %get3A_918 = arith.index_cast %add3A_917 : i32 to index
          %get3A_919 = tpu.vector_load %arg10[%get3A_918] {strides = array<i32>} : memref<16384xf32, #tpu.memory_space<vmem>>, vector<16xf32>,
          %gather3A_920 = tpu.vector_load_idx %arg7[%get3A_915] : memref<4624xf32, #tpu.memory_space<vmem>>[vector<16xi32>], vector<16xf32>,
          %lt3A_921 = vector.broadcast %scan3A_117 : i32 to vector<16xi32>
          %lt3A_922 = arith.cmpi slt, %get3A_915, %lt3A_921 : vector<16xi32>
          %jit3A_923 = arith.constant 0.000000e+00 : f32
          %broadcast_in_dim3A_924 = vector.broadcast %jit3A_923 : f32 to vector<16xf32>
          %select_n3A_925 = arith.select %lt3A_922, %get3A_919, %broadcast_in_dim3A_924 : vector<16xi1>, vector<16xf32>
          %mul3A_926 = arith.mulf %gather3A_920, %select_n3A_925 : vector<16xf32>
          %add3A_927 = arith.addf %add3A_863, %mul3A_926 : vector<16xf32>
          %add3A_928 = arith.constant 800 : i32
          %add3A_929 = arith.addi %mul3A_120, %add3A_928 : i32
          %get3A_930 = arith.index_cast %add3A_929 : i32 to index
          %get3A_931 = tpu.vector_load %arg11[%get3A_930] {strides = array<i32>} : memref<16384xi32, #tpu.memory_space<vmem>>, vector<16xi32>,
          %add3A_932 = arith.constant 800 : i32
          %add3A_933 = arith.addi %mul3A_120, %add3A_932 : i32
          %get3A_934 = arith.index_cast %add3A_933 : i32 to index
          %get3A_935 = tpu.vector_load %arg10[%get3A_934] {strides = array<i32>} : memref<16384xf32, #tpu.memory_space<vmem>>, vector<16xf32>,
          %gather3A_936 = tpu.vector_load_idx %arg7[%get3A_931] : memref<4624xf32, #tpu.memory_space<vmem>>[vector<16xi32>], vector<16xf32>,
          %lt3A_937 = vector.broadcast %scan3A_117 : i32 to vector<16xi32>
          %lt3A_938 = arith.cmpi slt, %get3A_931, %lt3A_937 : vector<16xi32>
          %jit3A_939 = arith.constant 0.000000e+00 : f32
          %broadcast_in_dim3A_940 = vector.broadcast %jit3A_939 : f32 to vector<16xf32>
          %select_n3A_941 = arith.select %lt3A_938, %get3A_935, %broadcast_in_dim3A_940 : vector<16xi1>, vector<16xf32>
          %mul3A_942 = arith.mulf %gather3A_936, %select_n3A_941 : vector<16xf32>
          %add3A_943 = arith.addf %add3A_879, %mul3A_942 : vector<16xf32>
          %add3A_944 = arith.constant 816 : i32
          %add3A_945 = arith.addi %mul3A_120, %add3A_944 : i32
          %get3A_946 = arith.index_cast %add3A_945 : i32 to index
          %get3A_947 = tpu.vector_load %arg11[%get3A_946] {strides = array<i32>} : memref<16384xi32, #tpu.memory_space<vmem>>, vector<16xi32>,
          %add3A_948 = arith.constant 816 : i32
          %add3A_949 = arith.addi %mul3A_120, %add3A_948 : i32
          %get3A_950 = arith.index_cast %add3A_949 : i32 to index
          %get3A_951 = tpu.vector_load %arg10[%get3A_950] {strides = array<i32>} : memref<16384xf32, #tpu.memory_space<vmem>>, vector<16xf32>,
          %gather3A_952 = tpu.vector_load_idx %arg7[%get3A_947] : memref<4624xf32, #tpu.memory_space<vmem>>[vector<16xi32>], vector<16xf32>,
          %lt3A_953 = vector.broadcast %scan3A_117 : i32 to vector<16xi32>
          %lt3A_954 = arith.cmpi slt, %get3A_947, %lt3A_953 : vector<16xi32>
          %jit3A_955 = arith.constant 0.000000e+00 : f32
          %broadcast_in_dim3A_956 = vector.broadcast %jit3A_955 : f32 to vector<16xf32>
          %select_n3A_957 = arith.select %lt3A_954, %get3A_951, %broadcast_in_dim3A_956 : vector<16xi1>, vector<16xf32>
          %mul3A_958 = arith.mulf %gather3A_952, %select_n3A_957 : vector<16xf32>
          %add3A_959 = arith.addf %add3A_895, %mul3A_958 : vector<16xf32>
          %add3A_960 = arith.constant 832 : i32
          %add3A_961 = arith.addi %mul3A_120, %add3A_960 : i32
          %get3A_962 = arith.index_cast %add3A_961 : i32 to index
          %get3A_963 = tpu.vector_load %arg11[%get3A_962] {strides = array<i32>} : memref<16384xi32, #tpu.memory_space<vmem>>, vector<16xi32>,
          %add3A_964 = arith.constant 832 : i32
          %add3A_965 = arith.addi %mul3A_120, %add3A_964 : i32
          %get3A_966 = arith.index_cast %add3A_965 : i32 to index
          %get3A_967 = tpu.vector_load %arg10[%get3A_966] {strides = array<i32>} : memref<16384xf32, #tpu.memory_space<vmem>>, vector<16xf32>,
          %gather3A_968 = tpu.vector_load_idx %arg7[%get3A_963] : memref<4624xf32, #tpu.memory_space<vmem>>[vector<16xi32>], vector<16xf32>,
          %lt3A_969 = vector.broadcast %scan3A_117 : i32 to vector<16xi32>
          %lt3A_970 = arith.cmpi slt, %get3A_963, %lt3A_969 : vector<16xi32>
          %jit3A_971 = arith.constant 0.000000e+00 : f32
          %broadcast_in_dim3A_972 = vector.broadcast %jit3A_971 : f32 to vector<16xf32>
          %select_n3A_973 = arith.select %lt3A_970, %get3A_967, %broadcast_in_dim3A_972 : vector<16xi1>, vector<16xf32>
          %mul3A_974 = arith.mulf %gather3A_968, %select_n3A_973 : vector<16xf32>
          %add3A_975 = arith.addf %add3A_911, %mul3A_974 : vector<16xf32>
          %add3A_976 = arith.constant 848 : i32
          %add3A_977 = arith.addi %mul3A_120, %add3A_976 : i32
          %get3A_978 = arith.index_cast %add3A_977 : i32 to index
          %get3A_979 = tpu.vector_load %arg11[%get3A_978] {strides = array<i32>} : memref<16384xi32, #tpu.memory_space<vmem>>, vector<16xi32>,
          %add3A_980 = arith.constant 848 : i32
          %add3A_981 = arith.addi %mul3A_120, %add3A_980 : i32
          %get3A_982 = arith.index_cast %add3A_981 : i32 to index
          %get3A_983 = tpu.vector_load %arg10[%get3A_982] {strides = array<i32>} : memref<16384xf32, #tpu.memory_space<vmem>>, vector<16xf32>,
          %gather3A_984 = tpu.vector_load_idx %arg7[%get3A_979] : memref<4624xf32, #tpu.memory_space<vmem>>[vector<16xi32>], vector<16xf32>,
          %lt3A_985 = vector.broadcast %scan3A_117 : i32 to vector<16xi32>
          %lt3A_986 = arith.cmpi slt, %get3A_979, %lt3A_985 : vector<16xi32>
          %jit3A_987 = arith.constant 0.000000e+00 : f32
          %broadcast_in_dim3A_988 = vector.broadcast %jit3A_987 : f32 to vector<16xf32>
          %select_n3A_989 = arith.select %lt3A_986, %get3A_983, %broadcast_in_dim3A_988 : vector<16xi1>, vector<16xf32>
          %mul3A_990 = arith.mulf %gather3A_984, %select_n3A_989 : vector<16xf32>
          %add3A_991 = arith.addf %add3A_927, %mul3A_990 : vector<16xf32>
          %add3A_992 = arith.constant 864 : i32
          %add3A_993 = arith.addi %mul3A_120, %add3A_992 : i32
          %get3A_994 = arith.index_cast %add3A_993 : i32 to index
          %get3A_995 = tpu.vector_load %arg11[%get3A_994] {strides = array<i32>} : memref<16384xi32, #tpu.memory_space<vmem>>, vector<16xi32>,
          %add3A_996 = arith.constant 864 : i32
          %add3A_997 = arith.addi %mul3A_120, %add3A_996 : i32
          %get3A_998 = arith.index_cast %add3A_997 : i32 to index
          %get3A_999 = tpu.vector_load %arg10[%get3A_998] {strides = array<i32>} : memref<16384xf32, #tpu.memory_space<vmem>>, vector<16xf32>,
          %gather3A_1000 = tpu.vector_load_idx %arg7[%get3A_995] : memref<4624xf32, #tpu.memory_space<vmem>>[vector<16xi32>], vector<16xf32>,
          %lt3A_1001 = vector.broadcast %scan3A_117 : i32 to vector<16xi32>
          %lt3A_1002 = arith.cmpi slt, %get3A_995, %lt3A_1001 : vector<16xi32>
          %jit3A_1003 = arith.constant 0.000000e+00 : f32
          %broadcast_in_dim3A_1004 = vector.broadcast %jit3A_1003 : f32 to vector<16xf32>
          %select_n3A_1005 = arith.select %lt3A_1002, %get3A_999, %broadcast_in_dim3A_1004 : vector<16xi1>, vector<16xf32>
          %mul3A_1006 = arith.mulf %gather3A_1000, %select_n3A_1005 : vector<16xf32>
          %add3A_1007 = arith.addf %add3A_943, %mul3A_1006 : vector<16xf32>
          %add3A_1008 = arith.constant 880 : i32
          %add3A_1009 = arith.addi %mul3A_120, %add3A_1008 : i32
          %get3A_1010 = arith.index_cast %add3A_1009 : i32 to index
          %get3A_1011 = tpu.vector_load %arg11[%get3A_1010] {strides = array<i32>} : memref<16384xi32, #tpu.memory_space<vmem>>, vector<16xi32>,
          %add3A_1012 = arith.constant 880 : i32
          %add3A_1013 = arith.addi %mul3A_120, %add3A_1012 : i32
          %get3A_1014 = arith.index_cast %add3A_1013 : i32 to index
          %get3A_1015 = tpu.vector_load %arg10[%get3A_1014] {strides = array<i32>} : memref<16384xf32, #tpu.memory_space<vmem>>, vector<16xf32>,
          %gather3A_1016 = tpu.vector_load_idx %arg7[%get3A_1011] : memref<4624xf32, #tpu.memory_space<vmem>>[vector<16xi32>], vector<16xf32>,
          %lt3A_1017 = vector.broadcast %scan3A_117 : i32 to vector<16xi32>
          %lt3A_1018 = arith.cmpi slt, %get3A_1011, %lt3A_1017 : vector<16xi32>
          %jit3A_1019 = arith.constant 0.000000e+00 : f32
          %broadcast_in_dim3A_1020 = vector.broadcast %jit3A_1019 : f32 to vector<16xf32>
          %select_n3A_1021 = arith.select %lt3A_1018, %get3A_1015, %broadcast_in_dim3A_1020 : vector<16xi1>, vector<16xf32>
          %mul3A_1022 = arith.mulf %gather3A_1016, %select_n3A_1021 : vector<16xf32>
          %add3A_1023 = arith.addf %add3A_959, %mul3A_1022 : vector<16xf32>
          %add3A_1024 = arith.constant 896 : i32
          %add3A_1025 = arith.addi %mul3A_120, %add3A_1024 : i32
          %get3A_1026 = arith.index_cast %add3A_1025 : i32 to index
          %get3A_1027 = tpu.vector_load %arg11[%get3A_1026] {strides = array<i32>} : memref<16384xi32, #tpu.memory_space<vmem>>, vector<16xi32>,
          %add3A_1028 = arith.constant 896 : i32
          %add3A_1029 = arith.addi %mul3A_120, %add3A_1028 : i32
          %get3A_1030 = arith.index_cast %add3A_1029 : i32 to index
          %get3A_1031 = tpu.vector_load %arg10[%get3A_1030] {strides = array<i32>} : memref<16384xf32, #tpu.memory_space<vmem>>, vector<16xf32>,
          %gather3A_1032 = tpu.vector_load_idx %arg7[%get3A_1027] : memref<4624xf32, #tpu.memory_space<vmem>>[vector<16xi32>], vector<16xf32>,
          %lt3A_1033 = vector.broadcast %scan3A_117 : i32 to vector<16xi32>
          %lt3A_1034 = arith.cmpi slt, %get3A_1027, %lt3A_1033 : vector<16xi32>
          %jit3A_1035 = arith.constant 0.000000e+00 : f32
          %broadcast_in_dim3A_1036 = vector.broadcast %jit3A_1035 : f32 to vector<16xf32>
          %select_n3A_1037 = arith.select %lt3A_1034, %get3A_1031, %broadcast_in_dim3A_1036 : vector<16xi1>, vector<16xf32>
          %mul3A_1038 = arith.mulf %gather3A_1032, %select_n3A_1037 : vector<16xf32>
          %add3A_1039 = arith.addf %add3A_975, %mul3A_1038 : vector<16xf32>
          %add3A_1040 = arith.constant 912 : i32
          %add3A_1041 = arith.addi %mul3A_120, %add3A_1040 : i32
          %get3A_1042 = arith.index_cast %add3A_1041 : i32 to index
          %get3A_1043 = tpu.vector_load %arg11[%get3A_1042] {strides = array<i32>} : memref<16384xi32, #tpu.memory_space<vmem>>, vector<16xi32>,
          %add3A_1044 = arith.constant 912 : i32
          %add3A_1045 = arith.addi %mul3A_120, %add3A_1044 : i32
          %get3A_1046 = arith.index_cast %add3A_1045 : i32 to index
          %get3A_1047 = tpu.vector_load %arg10[%get3A_1046] {strides = array<i32>} : memref<16384xf32, #tpu.memory_space<vmem>>, vector<16xf32>,
          %gather3A_1048 = tpu.vector_load_idx %arg7[%get3A_1043] : memref<4624xf32, #tpu.memory_space<vmem>>[vector<16xi32>], vector<16xf32>,
          %lt3A_1049 = vector.broadcast %scan3A_117 : i32 to vector<16xi32>
          %lt3A_1050 = arith.cmpi slt, %get3A_1043, %lt3A_1049 : vector<16xi32>
          %jit3A_1051 = arith.constant 0.000000e+00 : f32
          %broadcast_in_dim3A_1052 = vector.broadcast %jit3A_1051 : f32 to vector<16xf32>
          %select_n3A_1053 = arith.select %lt3A_1050, %get3A_1047, %broadcast_in_dim3A_1052 : vector<16xi1>, vector<16xf32>
          %mul3A_1054 = arith.mulf %gather3A_1048, %select_n3A_1053 : vector<16xf32>
          %add3A_1055 = arith.addf %add3A_991, %mul3A_1054 : vector<16xf32>
          %add3A_1056 = arith.constant 928 : i32
          %add3A_1057 = arith.addi %mul3A_120, %add3A_1056 : i32
          %get3A_1058 = arith.index_cast %add3A_1057 : i32 to index
          %get3A_1059 = tpu.vector_load %arg11[%get3A_1058] {strides = array<i32>} : memref<16384xi32, #tpu.memory_space<vmem>>, vector<16xi32>,
          %add3A_1060 = arith.constant 928 : i32
          %add3A_1061 = arith.addi %mul3A_120, %add3A_1060 : i32
          %get3A_1062 = arith.index_cast %add3A_1061 : i32 to index
          %get3A_1063 = tpu.vector_load %arg10[%get3A_1062] {strides = array<i32>} : memref<16384xf32, #tpu.memory_space<vmem>>, vector<16xf32>,
          %gather3A_1064 = tpu.vector_load_idx %arg7[%get3A_1059] : memref<4624xf32, #tpu.memory_space<vmem>>[vector<16xi32>], vector<16xf32>,
          %lt3A_1065 = vector.broadcast %scan3A_117 : i32 to vector<16xi32>
          %lt3A_1066 = arith.cmpi slt, %get3A_1059, %lt3A_1065 : vector<16xi32>
          %jit3A_1067 = arith.constant 0.000000e+00 : f32
          %broadcast_in_dim3A_1068 = vector.broadcast %jit3A_1067 : f32 to vector<16xf32>
          %select_n3A_1069 = arith.select %lt3A_1066, %get3A_1063, %broadcast_in_dim3A_1068 : vector<16xi1>, vector<16xf32>
          %mul3A_1070 = arith.mulf %gather3A_1064, %select_n3A_1069 : vector<16xf32>
          %add3A_1071 = arith.addf %add3A_1007, %mul3A_1070 : vector<16xf32>
          %add3A_1072 = arith.constant 944 : i32
          %add3A_1073 = arith.addi %mul3A_120, %add3A_1072 : i32
          %get3A_1074 = arith.index_cast %add3A_1073 : i32 to index
          %get3A_1075 = tpu.vector_load %arg11[%get3A_1074] {strides = array<i32>} : memref<16384xi32, #tpu.memory_space<vmem>>, vector<16xi32>,
          %add3A_1076 = arith.constant 944 : i32
          %add3A_1077 = arith.addi %mul3A_120, %add3A_1076 : i32
          %get3A_1078 = arith.index_cast %add3A_1077 : i32 to index
          %get3A_1079 = tpu.vector_load %arg10[%get3A_1078] {strides = array<i32>} : memref<16384xf32, #tpu.memory_space<vmem>>, vector<16xf32>,
          %gather3A_1080 = tpu.vector_load_idx %arg7[%get3A_1075] : memref<4624xf32, #tpu.memory_space<vmem>>[vector<16xi32>], vector<16xf32>,
          %lt3A_1081 = vector.broadcast %scan3A_117 : i32 to vector<16xi32>
          %lt3A_1082 = arith.cmpi slt, %get3A_1075, %lt3A_1081 : vector<16xi32>
          %jit3A_1083 = arith.constant 0.000000e+00 : f32
          %broadcast_in_dim3A_1084 = vector.broadcast %jit3A_1083 : f32 to vector<16xf32>
          %select_n3A_1085 = arith.select %lt3A_1082, %get3A_1079, %broadcast_in_dim3A_1084 : vector<16xi1>, vector<16xf32>
          %mul3A_1086 = arith.mulf %gather3A_1080, %select_n3A_1085 : vector<16xf32>
          %add3A_1087 = arith.addf %add3A_1023, %mul3A_1086 : vector<16xf32>
          %add3A_1088 = arith.constant 960 : i32
          %add3A_1089 = arith.addi %mul3A_120, %add3A_1088 : i32
          %get3A_1090 = arith.index_cast %add3A_1089 : i32 to index
          %get3A_1091 = tpu.vector_load %arg11[%get3A_1090] {strides = array<i32>} : memref<16384xi32, #tpu.memory_space<vmem>>, vector<16xi32>,
          %add3A_1092 = arith.constant 960 : i32
          %add3A_1093 = arith.addi %mul3A_120, %add3A_1092 : i32
          %get3A_1094 = arith.index_cast %add3A_1093 : i32 to index
          %get3A_1095 = tpu.vector_load %arg10[%get3A_1094] {strides = array<i32>} : memref<16384xf32, #tpu.memory_space<vmem>>, vector<16xf32>,
          %gather3A_1096 = tpu.vector_load_idx %arg7[%get3A_1091] : memref<4624xf32, #tpu.memory_space<vmem>>[vector<16xi32>], vector<16xf32>,
          %lt3A_1097 = vector.broadcast %scan3A_117 : i32 to vector<16xi32>
          %lt3A_1098 = arith.cmpi slt, %get3A_1091, %lt3A_1097 : vector<16xi32>
          %jit3A_1099 = arith.constant 0.000000e+00 : f32
          %broadcast_in_dim3A_1100 = vector.broadcast %jit3A_1099 : f32 to vector<16xf32>
          %select_n3A_1101 = arith.select %lt3A_1098, %get3A_1095, %broadcast_in_dim3A_1100 : vector<16xi1>, vector<16xf32>
          %mul3A_1102 = arith.mulf %gather3A_1096, %select_n3A_1101 : vector<16xf32>
          %add3A_1103 = arith.addf %add3A_1039, %mul3A_1102 : vector<16xf32>
          %add3A_1104 = arith.constant 976 : i32
          %add3A_1105 = arith.addi %mul3A_120, %add3A_1104 : i32
          %get3A_1106 = arith.index_cast %add3A_1105 : i32 to index
          %get3A_1107 = tpu.vector_load %arg11[%get3A_1106] {strides = array<i32>} : memref<16384xi32, #tpu.memory_space<vmem>>, vector<16xi32>,
          %add3A_1108 = arith.constant 976 : i32
          %add3A_1109 = arith.addi %mul3A_120, %add3A_1108 : i32
          %get3A_1110 = arith.index_cast %add3A_1109 : i32 to index
          %get3A_1111 = tpu.vector_load %arg10[%get3A_1110] {strides = array<i32>} : memref<16384xf32, #tpu.memory_space<vmem>>, vector<16xf32>,
          %gather3A_1112 = tpu.vector_load_idx %arg7[%get3A_1107] : memref<4624xf32, #tpu.memory_space<vmem>>[vector<16xi32>], vector<16xf32>,
          %lt3A_1113 = vector.broadcast %scan3A_117 : i32 to vector<16xi32>
          %lt3A_1114 = arith.cmpi slt, %get3A_1107, %lt3A_1113 : vector<16xi32>
          %jit3A_1115 = arith.constant 0.000000e+00 : f32
          %broadcast_in_dim3A_1116 = vector.broadcast %jit3A_1115 : f32 to vector<16xf32>
          %select_n3A_1117 = arith.select %lt3A_1114, %get3A_1111, %broadcast_in_dim3A_1116 : vector<16xi1>, vector<16xf32>
          %mul3A_1118 = arith.mulf %gather3A_1112, %select_n3A_1117 : vector<16xf32>
          %add3A_1119 = arith.addf %add3A_1055, %mul3A_1118 : vector<16xf32>
          %add3A_1120 = arith.constant 992 : i32
          %add3A_1121 = arith.addi %mul3A_120, %add3A_1120 : i32
          %get3A_1122 = arith.index_cast %add3A_1121 : i32 to index
          %get3A_1123 = tpu.vector_load %arg11[%get3A_1122] {strides = array<i32>} : memref<16384xi32, #tpu.memory_space<vmem>>, vector<16xi32>,
          %add3A_1124 = arith.constant 992 : i32
          %add3A_1125 = arith.addi %mul3A_120, %add3A_1124 : i32
          %get3A_1126 = arith.index_cast %add3A_1125 : i32 to index
          %get3A_1127 = tpu.vector_load %arg10[%get3A_1126] {strides = array<i32>} : memref<16384xf32, #tpu.memory_space<vmem>>, vector<16xf32>,
          %gather3A_1128 = tpu.vector_load_idx %arg7[%get3A_1123] : memref<4624xf32, #tpu.memory_space<vmem>>[vector<16xi32>], vector<16xf32>,
          %lt3A_1129 = vector.broadcast %scan3A_117 : i32 to vector<16xi32>
          %lt3A_1130 = arith.cmpi slt, %get3A_1123, %lt3A_1129 : vector<16xi32>
          %jit3A_1131 = arith.constant 0.000000e+00 : f32
          %broadcast_in_dim3A_1132 = vector.broadcast %jit3A_1131 : f32 to vector<16xf32>
          %select_n3A_1133 = arith.select %lt3A_1130, %get3A_1127, %broadcast_in_dim3A_1132 : vector<16xi1>, vector<16xf32>
          %mul3A_1134 = arith.mulf %gather3A_1128, %select_n3A_1133 : vector<16xf32>
          %add3A_1135 = arith.addf %add3A_1071, %mul3A_1134 : vector<16xf32>
          %add3A_1136 = arith.constant 1008 : i32
          %add3A_1137 = arith.addi %mul3A_120, %add3A_1136 : i32
          %get3A_1138 = arith.index_cast %add3A_1137 : i32 to index
          %get3A_1139 = tpu.vector_load %arg11[%get3A_1138] {strides = array<i32>} : memref<16384xi32, #tpu.memory_space<vmem>>, vector<16xi32>,
          %add3A_1140 = arith.constant 1008 : i32
          %add3A_1141 = arith.addi %mul3A_120, %add3A_1140 : i32
          %get3A_1142 = arith.index_cast %add3A_1141 : i32 to index
          %get3A_1143 = tpu.vector_load %arg10[%get3A_1142] {strides = array<i32>} : memref<16384xf32, #tpu.memory_space<vmem>>, vector<16xf32>,
          %gather3A_1144 = tpu.vector_load_idx %arg7[%get3A_1139] : memref<4624xf32, #tpu.memory_space<vmem>>[vector<16xi32>], vector<16xf32>,
          %lt3A_1145 = vector.broadcast %scan3A_117 : i32 to vector<16xi32>
          %lt3A_1146 = arith.cmpi slt, %get3A_1139, %lt3A_1145 : vector<16xi32>
          %jit3A_1147 = arith.constant 0.000000e+00 : f32
          %broadcast_in_dim3A_1148 = vector.broadcast %jit3A_1147 : f32 to vector<16xf32>
          %select_n3A_1149 = arith.select %lt3A_1146, %get3A_1143, %broadcast_in_dim3A_1148 : vector<16xi1>, vector<16xf32>
          %mul3A_1150 = arith.mulf %gather3A_1144, %select_n3A_1149 : vector<16xf32>
          %add3A_1151 = arith.addf %add3A_1087, %mul3A_1150 : vector<16xf32>
          %add3A_1152 = arith.addf %add3A_1103, %add3A_1119 : vector<16xf32>
          %add3A_1153 = arith.addf %add3A_1135, %add3A_1151 : vector<16xf32>
          %add3A_1154 = arith.addf %add3A_1152, %add3A_1153 : vector<16xf32>
          %mul3A_1155 = arith.constant -4.900000e+00 : f32
          %mul3A_1156 = vector.broadcast %mul3A_1155 : f32 to vector<16xf32>
          %mul3A_1157 = arith.mulf %mul3A_1156, %add3A_1154 : vector<16xf32>
          %exp3A = math.exp %mul3A_1157 : vector<16xf32>
          %add3A_1158 = arith.constant 1.000000e+00 : f32
          %add3A_1159 = vector.broadcast %add3A_1158 : f32 to vector<16xf32>
          %add3A_1160 = arith.addf %add3A_1159, %exp3A : vector<16xf32>
          %div3A = arith.constant 1.000000e+00 : f32
          %div3A_1161 = vector.broadcast %div3A : f32 to vector<16xf32>
          %div3A_1162 = arith.divf %div3A_1161, %add3A_1160 : vector<16xf32>
          tpu.vector_store_idx %arg7[%add3A_122], %div3A_1162 : memref<4624xf32, #tpu.memory_space<vmem>>[vector<16xi32>], vector<16xf32>,
          %jit3A_1163 = arith.constant 16 : i32
          %div3A_1164 = arith.divsi %scan3A_118, %jit3A_1163 : i32
          %sign3A = arith.constant 0 : i32
          %sign3A_1165 = arith.cmpi sgt, %scan3A_118, %sign3A : i32
          %sign3A_1166 = arith.extui %sign3A_1165 : i1 to i32
          %sign3A_1167 = arith.constant 0 : i32
          %sign3A_1168 = arith.cmpi slt, %scan3A_118, %sign3A_1167 : i32
          %sign3A_1169 = arith.extui %sign3A_1168 : i1 to i32
          %sign3A_1170 = arith.subi %sign3A_1166, %sign3A_1169 : i32
          %sign3A_1171 = arith.constant 0 : i32
          %sign3A_1172 = arith.cmpi sgt, %jit3A_1163, %sign3A_1171 : i32
          %sign3A_1173 = arith.extui %sign3A_1172 : i1 to i32
          %sign3A_1174 = arith.constant 0 : i32
          %sign3A_1175 = arith.cmpi slt, %jit3A_1163, %sign3A_1174 : i32
          %sign3A_1176 = arith.extui %sign3A_1175 : i1 to i32
          %sign3A_1177 = arith.subi %sign3A_1173, %sign3A_1176 : i32
          %ne3A = arith.cmpi ne, %sign3A_1170, %sign3A_1177 : i32
          %rem3A = arith.remsi %scan3A_118, %jit3A_1163 : i32
          %ne3A_1178 = arith.constant 0 : i32
          %ne3A_1179 = arith.cmpi ne, %rem3A, %ne3A_1178 : i32
          %and3A = arith.andi %ne3A, %ne3A_1179 : i1
          %sub3A = arith.constant 1 : i32
          %sub3A_1180 = arith.subi %div3A_1164, %sub3A : i32
          %select_n3A_1181 = arith.select %and3A, %sub3A_1180, %div3A_1164 : i32
          %mul3A_1182 = arith.constant 16 : i32
          %mul3A_1183 = arith.muli %select_n3A_1181, %mul3A_1182 : i32
          %get3A_1184 = arith.index_cast %mul3A_1183 : i32 to index
          %get3A_1185 = tpu.vector_load %arg12[%get3A_1184] {strides = array<i32>} : memref<256xi32, #tpu.memory_space<vmem>>, vector<16xi32>,
          %sub3A_1186 = arith.subi %scan3A_118, %mul3A_1183 : i32
          %eq3A_1187 = vector.broadcast %sub3A_1186 : i32 to vector<16xi32>
          %eq3A_1188 = arith.cmpi eq, %iota3A, %eq3A_1187 : vector<16xi32>
          %jit3A_1189 = arith.constant 0 : i32
          %broadcast_in_dim3A_1190 = vector.broadcast %jit3A_1189 : i32 to vector<16xi32>
          %select_n3A_1191 = arith.select %eq3A_1188, %get3A_1185, %broadcast_in_dim3A_1190 : vector<16xi1>, vector<16xi32>
          %reduce_sum3A = arith.constant true
          %reduce_sum3A_1192 = vector.broadcast %reduce_sum3A : i1 to vector<16xi1>
          %reduce_sum3A_1193 = tpu.scan <sum>, %select_n3A_1191 masked %reduce_sum3A_1192 : vector<16xi32>, vector<16xi1> -> vector<16xi32>
          %reduce_sum3A_1194 = vector.extract %reduce_sum3A_1193[15] : i32 from vector<16xi32>
          %add3A_1195 = arith.constant 1024 : i32
          %add3A_1196 = arith.addi %mul3A_120, %add3A_1195 : i32
          %mul3A_1197 = arith.constant 16 : i32
          %mul3A_1198 = arith.muli %mul3A_1197, %reduce_sum3A_1194 : i32
          %sub3A_1199 = arith.subi %add3A_1196, %mul3A_1198 : i32
          %while3A = scf.while (%while3A_1204 = %reduce_sum3A_1194) : (i32) -> i32 {
            %gt3A = arith.constant 0 : i32
            %gt3A_1205 = arith.cmpi sgt, %while3A_1204, %gt3A : i32
            scf.condition(%gt3A_1205) %while3A_1204 : i32
          } do {
          ^bb0(%while3A_1204: i32):
            %gather3A_1205 = tpu.vector_load_idx %arg7[%add3A_122] : memref<4624xf32, #tpu.memory_space<vmem>>[vector<16xi32>], vector<16xf32>,
            %while3A_1206 = arith.constant 0 : i32
            %while3A_1207 = arith.subi %reduce_sum3A_1194, %while3A_1206 : i32
            %while3A_1208 = arith.addi %while3A_1206, %while3A_1207 : i32
            %while3A_1209 = arith.constant 1 : i32
            %while3A_1210 = arith.divsi %while3A_1207, %while3A_1209 : i32
            %while3A_1211 = arith.muli %while3A_1210, %while3A_1209 : i32
            %while3A_1212 = arith.addi %while3A_1206, %while3A_1211 : i32
            %while3A_1213 = arith.constant 1 : i32
            %while3A_1214 = scf.for %while3A_1233 = %while3A_1206 to %while3A_1212 step %while3A_1213 iter_args(%while3A_1234 = %add3A_1154) -> (vector<16xf32>)  : i32 {
              %mul3A_1235 = arith.constant 16 : i32
              %mul3A_1236 = arith.muli %mul3A_1235, %while3A_1233 : i32
              %add3A_1237 = arith.addi %sub3A_1199, %mul3A_1236 : i32
              %get3A_1238 = arith.index_cast %add3A_1237 : i32 to index
              %get3A_1239 = tpu.vector_load %arg11[%get3A_1238] {strides = array<i32>} : memref<16384xi32, #tpu.memory_space<vmem>>, vector<16xi32>,
              %mul3A_1240 = arith.constant 16 : i32
              %mul3A_1241 = arith.muli %mul3A_1240, %while3A_1233 : i32
              %add3A_1242 = arith.addi %sub3A_1199, %mul3A_1241 : i32
              %get3A_1243 = arith.index_cast %add3A_1242 : i32 to index
              %get3A_1244 = tpu.vector_load %arg10[%get3A_1243] {strides = array<i32>} : memref<16384xf32, #tpu.memory_space<vmem>>, vector<16xf32>,
              %gather3A_1245 = tpu.vector_load_idx %arg7[%get3A_1239] : memref<4624xf32, #tpu.memory_space<vmem>>[vector<16xi32>], vector<16xf32>,
              %lt3A_1246 = arith.cmpi slt, %get3A_1239, %add3A_122 : vector<16xi32>
              %jit3A_1247 = arith.constant 1.000000e+00 : f32
              %broadcast_in_dim3A_1248 = vector.broadcast %jit3A_1247 : f32 to vector<16xf32>
              %select_n3A_1249 = arith.select %lt3A_1246, %gather3A_1245, %broadcast_in_dim3A_1248 : vector<16xi1>, vector<16xf32>
              %ge3A = vector.broadcast %scan3A_117 : i32 to vector<16xi32>
              %ge3A_1250 = arith.cmpi sge, %get3A_1239, %ge3A : vector<16xi32>
              %mul3A_1251 = arith.mulf %select_n3A_1249, %get3A_1244 : vector<16xf32>
              %jit3A_1252 = arith.constant 0.000000e+00 : f32
              %broadcast_in_dim3A_1253 = vector.broadcast %jit3A_1252 : f32 to vector<16xf32>
              %select_n3A_1254 = arith.select %ge3A_1250, %mul3A_1251, %broadcast_in_dim3A_1253 : vector<16xi1>, vector<16xf32>
              %add3A_1255 = arith.addf %while3A_1234, %select_n3A_1254 : vector<16xf32>
              scf.yield %add3A_1255 : vector<16xf32>
            }
            %while3A_1215 = arith.constant 1 : i32
            %while3A_1216 = scf.for %while3A_1233 = %while3A_1212 to %while3A_1208 step %while3A_1215 iter_args(%while3A_1234 = %while3A_1214) -> (vector<16xf32>)  : i32 {
              %mul3A_1235 = arith.constant 16 : i32
              %mul3A_1236 = arith.muli %mul3A_1235, %while3A_1233 : i32
              %add3A_1237 = arith.addi %sub3A_1199, %mul3A_1236 : i32
              %get3A_1238 = arith.index_cast %add3A_1237 : i32 to index
              %get3A_1239 = tpu.vector_load %arg11[%get3A_1238] {strides = array<i32>} : memref<16384xi32, #tpu.memory_space<vmem>>, vector<16xi32>,
              %mul3A_1240 = arith.constant 16 : i32
              %mul3A_1241 = arith.muli %mul3A_1240, %while3A_1233 : i32
              %add3A_1242 = arith.addi %sub3A_1199, %mul3A_1241 : i32
              %get3A_1243 = arith.index_cast %add3A_1242 : i32 to index
              %get3A_1244 = tpu.vector_load %arg10[%get3A_1243] {strides = array<i32>} : memref<16384xf32, #tpu.memory_space<vmem>>, vector<16xf32>,
              %gather3A_1245 = tpu.vector_load_idx %arg7[%get3A_1239] : memref<4624xf32, #tpu.memory_space<vmem>>[vector<16xi32>], vector<16xf32>,
              %lt3A_1246 = arith.cmpi slt, %get3A_1239, %add3A_122 : vector<16xi32>
              %jit3A_1247 = arith.constant 1.000000e+00 : f32
              %broadcast_in_dim3A_1248 = vector.broadcast %jit3A_1247 : f32 to vector<16xf32>
              %select_n3A_1249 = arith.select %lt3A_1246, %gather3A_1245, %broadcast_in_dim3A_1248 : vector<16xi1>, vector<16xf32>
              %ge3A = vector.broadcast %scan3A_117 : i32 to vector<16xi32>
              %ge3A_1250 = arith.cmpi sge, %get3A_1239, %ge3A : vector<16xi32>
              %mul3A_1251 = arith.mulf %select_n3A_1249, %get3A_1244 : vector<16xf32>
              %jit3A_1252 = arith.constant 0.000000e+00 : f32
              %broadcast_in_dim3A_1253 = vector.broadcast %jit3A_1252 : f32 to vector<16xf32>
              %select_n3A_1254 = arith.select %ge3A_1250, %mul3A_1251, %broadcast_in_dim3A_1253 : vector<16xi1>, vector<16xf32>
              %add3A_1255 = arith.addf %while3A_1234, %select_n3A_1254 : vector<16xf32>
              scf.yield %add3A_1255 : vector<16xf32>
            }
            %mul3A_1217 = arith.constant -4.900000e+00 : f32
            %mul3A_1218 = vector.broadcast %mul3A_1217 : f32 to vector<16xf32>
            %mul3A_1219 = arith.mulf %mul3A_1218, %while3A_1216 : vector<16xf32>
            %exp3A_1220 = math.exp %mul3A_1219 : vector<16xf32>
            %add3A_1221 = arith.constant 1.000000e+00 : f32
            %add3A_1222 = vector.broadcast %add3A_1221 : f32 to vector<16xf32>
            %add3A_1223 = arith.addf %add3A_1222, %exp3A_1220 : vector<16xf32>
            %div3A_1224 = arith.constant 1.000000e+00 : f32
            %div3A_1225 = vector.broadcast %div3A_1224 : f32 to vector<16xf32>
            %div3A_1226 = arith.divf %div3A_1225, %add3A_1223 : vector<16xf32>
            tpu.vector_store_idx %arg7[%add3A_122], %div3A_1226 : memref<4624xf32, #tpu.memory_space<vmem>>[vector<16xi32>], vector<16xf32>,
            %ne3A_1227 = arith.cmpf one, %div3A_1226, %gather3A_1205 : vector<16xf32>
            %convert_element_type3A_1228 = arith.extui %ne3A_1227 : vector<16xi1> to vector<16xi32>
            %reduce_sum3A_1229 = arith.constant true
            %reduce_sum3A_1230 = vector.broadcast %reduce_sum3A_1229 : i1 to vector<16xi1>
            %reduce_sum3A_1231 = tpu.scan <sum>, %convert_element_type3A_1228 masked %reduce_sum3A_1230 : vector<16xi32>, vector<16xi1> -> vector<16xi32>
            %reduce_sum3A_1232 = vector.extract %reduce_sum3A_1231[15] : i32 from vector<16xi32>
            scf.yield %reduce_sum3A_1232 : i32
          }
          %add3A_1200 = arith.constant 16 : i32
          %add3A_1201 = arith.addi %scan3A_117, %add3A_1200 : i32
          %add3A_1202 = arith.constant 1 : i32
          %add3A_1203 = arith.addi %scan3A_118, %add3A_1202 : i32
          scf.yield %add3A_1201, %add3A_1203 : i32, i32
        }
        %scan3A_115 = arith.constant 16 : i32
        scf.yield %scan3A_114#0, %scan3A_114#1 : i32, i32
      }
      %scan3A_23 = arith.constant 8 : i32
      %broadcast_in_dim3A_24 = arith.constant 4481 : i32
      %broadcast_in_dim3A_25 = vector.broadcast %broadcast_in_dim3A_24 : i32 to vector<16xi32>
      %add3A_26 = arith.addi %broadcast_in_dim3A_25, %iota3A : vector<16xi32>
      %gather3A = tpu.vector_load_idx %arg7[%add3A_26] : memref<4624xf32, #tpu.memory_space<vmem>>[vector<16xi32>], vector<16xf32>,
      %swap3A = arith.constant 0 : index
      %swap3A_27 = tpu.vector_load %arg13[%swap3A] {strides = array<i32>} : memref<128xf32, #tpu.memory_space<vmem>>, vector<16xf32>,
      tpu.vector_store %arg13[%swap3A], %gather3A {strides = array<i32>} : memref<128xf32, #tpu.memory_space<vmem>>, vector<16xf32>,
      %broadcast_in_dim3A_28 = arith.constant 4497 : i32
      %broadcast_in_dim3A_29 = vector.broadcast %broadcast_in_dim3A_28 : i32 to vector<16xi32>
      %add3A_30 = arith.addi %broadcast_in_dim3A_29, %iota3A : vector<16xi32>
      %gather3A_31 = tpu.vector_load_idx %arg7[%add3A_30] : memref<4624xf32, #tpu.memory_space<vmem>>[vector<16xi32>], vector<16xf32>,
      %swap3A_32 = arith.constant 16 : index
      %swap3A_33 = tpu.vector_load %arg13[%swap3A_32] {strides = array<i32>} : memref<128xf32, #tpu.memory_space<vmem>>, vector<16xf32>,
      tpu.vector_store %arg13[%swap3A_32], %gather3A_31 {strides = array<i32>} : memref<128xf32, #tpu.memory_space<vmem>>, vector<16xf32>,
      %broadcast_in_dim3A_34 = arith.constant 4513 : i32
      %broadcast_in_dim3A_35 = vector.broadcast %broadcast_in_dim3A_34 : i32 to vector<16xi32>
      %add3A_36 = arith.addi %broadcast_in_dim3A_35, %iota3A : vector<16xi32>
      %gather3A_37 = tpu.vector_load_idx %arg7[%add3A_36] : memref<4624xf32, #tpu.memory_space<vmem>>[vector<16xi32>], vector<16xf32>,
      %swap3A_38 = arith.constant 32 : index
      %swap3A_39 = tpu.vector_load %arg13[%swap3A_38] {strides = array<i32>} : memref<128xf32, #tpu.memory_space<vmem>>, vector<16xf32>,
      tpu.vector_store %arg13[%swap3A_38], %gather3A_37 {strides = array<i32>} : memref<128xf32, #tpu.memory_space<vmem>>, vector<16xf32>,
      %broadcast_in_dim3A_40 = arith.constant 4529 : i32
      %broadcast_in_dim3A_41 = vector.broadcast %broadcast_in_dim3A_40 : i32 to vector<16xi32>
      %add3A_42 = arith.addi %broadcast_in_dim3A_41, %iota3A : vector<16xi32>
      %gather3A_43 = tpu.vector_load_idx %arg7[%add3A_42] : memref<4624xf32, #tpu.memory_space<vmem>>[vector<16xi32>], vector<16xf32>,
      %swap3A_44 = arith.constant 48 : index
      %swap3A_45 = tpu.vector_load %arg13[%swap3A_44] {strides = array<i32>} : memref<128xf32, #tpu.memory_space<vmem>>, vector<16xf32>,
      tpu.vector_store %arg13[%swap3A_44], %gather3A_43 {strides = array<i32>} : memref<128xf32, #tpu.memory_space<vmem>>, vector<16xf32>,
      %broadcast_in_dim3A_46 = arith.constant 4545 : i32
      %broadcast_in_dim3A_47 = vector.broadcast %broadcast_in_dim3A_46 : i32 to vector<16xi32>
      %add3A_48 = arith.addi %broadcast_in_dim3A_47, %iota3A : vector<16xi32>
      %gather3A_49 = tpu.vector_load_idx %arg7[%add3A_48] : memref<4624xf32, #tpu.memory_space<vmem>>[vector<16xi32>], vector<16xf32>,
      %swap3A_50 = arith.constant 64 : index
      %swap3A_51 = tpu.vector_load %arg13[%swap3A_50] {strides = array<i32>} : memref<128xf32, #tpu.memory_space<vmem>>, vector<16xf32>,
      tpu.vector_store %arg13[%swap3A_50], %gather3A_49 {strides = array<i32>} : memref<128xf32, #tpu.memory_space<vmem>>, vector<16xf32>,
      %broadcast_in_dim3A_52 = arith.constant 4561 : i32
      %broadcast_in_dim3A_53 = vector.broadcast %broadcast_in_dim3A_52 : i32 to vector<16xi32>
      %add3A_54 = arith.addi %broadcast_in_dim3A_53, %iota3A : vector<16xi32>
      %gather3A_55 = tpu.vector_load_idx %arg7[%add3A_54] : memref<4624xf32, #tpu.memory_space<vmem>>[vector<16xi32>], vector<16xf32>,
      %swap3A_56 = arith.constant 80 : index
      %swap3A_57 = tpu.vector_load %arg13[%swap3A_56] {strides = array<i32>} : memref<128xf32, #tpu.memory_space<vmem>>, vector<16xf32>,
      tpu.vector_store %arg13[%swap3A_56], %gather3A_55 {strides = array<i32>} : memref<128xf32, #tpu.memory_space<vmem>>, vector<16xf32>,
      %broadcast_in_dim3A_58 = arith.constant 4577 : i32
      %broadcast_in_dim3A_59 = vector.broadcast %broadcast_in_dim3A_58 : i32 to vector<16xi32>
      %add3A_60 = arith.addi %broadcast_in_dim3A_59, %iota3A : vector<16xi32>
      %gather3A_61 = tpu.vector_load_idx %arg7[%add3A_60] : memref<4624xf32, #tpu.memory_space<vmem>>[vector<16xi32>], vector<16xf32>,
      %swap3A_62 = arith.constant 96 : index
      %swap3A_63 = tpu.vector_load %arg13[%swap3A_62] {strides = array<i32>} : memref<128xf32, #tpu.memory_space<vmem>>, vector<16xf32>,
      tpu.vector_store %arg13[%swap3A_62], %gather3A_61 {strides = array<i32>} : memref<128xf32, #tpu.memory_space<vmem>>, vector<16xf32>,
      %broadcast_in_dim3A_64 = arith.constant 4593 : i32
      %broadcast_in_dim3A_65 = vector.broadcast %broadcast_in_dim3A_64 : i32 to vector<16xi32>
      %add3A_66 = arith.addi %broadcast_in_dim3A_65, %iota3A : vector<16xi32>
      %gather3A_67 = tpu.vector_load_idx %arg7[%add3A_66] : memref<4624xf32, #tpu.memory_space<vmem>>[vector<16xi32>], vector<16xf32>,
      %swap3A_68 = arith.constant 112 : index
      %swap3A_69 = tpu.vector_load %arg13[%swap3A_68] {strides = array<i32>} : memref<128xf32, #tpu.memory_space<vmem>>, vector<16xf32>,
      tpu.vector_store %arg13[%swap3A_68], %gather3A_67 {strides = array<i32>} : memref<128xf32, #tpu.memory_space<vmem>>, vector<16xf32>,
      "tpu.region"() ({
        %run_scoped3A = tpu.sem_alloc : memref<!tpu.dma_semaphore, #tpu.memory_space<semaphore_mem>>
        tpu.enqueue_dma source(%arg13 : memref<128xf32, #tpu.memory_space<vmem>>) target(%arg6 : memref<128xf32, #tpu.memory_space<hbm>>) target_semaphore(%run_scoped3A : memref<!tpu.dma_semaphore, #tpu.memory_space<semaphore_mem>>)
        tpu.wait_dma2 semaphore(%run_scoped3A : memref<!tpu.dma_semaphore, #tpu.memory_space<semaphore_mem>>) src(%arg13 : memref<128xf32, #tpu.memory_space<vmem>>) dst(%arg6 : memref<128xf32, #tpu.memory_space<hbm>>)
        tpu.yield
      }) : () -> ()
    } else {
    }
    return
  }
}

</mosaic_0001>

<sc_bundles>
// kernel: kernel.3.cloned.1.call-start
scs
__scs_entry_jumppad:
0x0: {  	(pc) =	sbr.rel $0x88, $3  }
0x1: {  	(tag) =	ssettag $0x0;
	lr =	simm.s32 $0x1  }
0x2: {  	[smem:$0x3F9E] =	sst lr;
	_ =	strace $0xD0000000  }
0x3: {  	_ = 	snop  }
0x4: {  	_ = 	snop  }
0x5: {  	_ = 	snop  }
0x6: {  	_ = 	snop  }
0x7: {  	_ = 	snop  }
__scs_overlays_trampoline_lowered:
0x8: {  	[smem:$0x3FAD] =	sst s0  }
0x9: {  	[smem:$0x3FAE] =	sst s1  }
0xa: {  	[smem:$0x3FAF] =	sst s2  }
0xb: {  	[smem:$0x3FB0] =	sst s3  }
0xc: {  	[smem:$0x3FB1] =	sst s4  }
0xd: {  	[smem:$0x3FB2] =	sst s5  }
0xe: {  	[smem:$0x3FB3] =	sst s6  }
0xf: {  	[smem:$0x3FB4] =	sst s7  }
0x10: {  	[smem:$0x3FB5] =	sst s8  }
0x11: {  	[smem:$0x3FB6] =	sst s9;
	s0 =	simm.s32 @!p0 $0x0  }
0x12: {  	s1 =	sld [smem:$0x3F9C];
	s0 =	simm.s32 @p0 $0x1  }
0x13: {  	[smem:$0x3FB7] =	sst s0;
	s0 =	simm.s32 @!p1 $0x0  }
0x14: {  	s2 =	sld [smem:$0x3F9B];
	s0 =	simm.s32 @p1 $0x1  }
0x15: {  	[smem:$0x3FB8] =	sst s0;
	s0 =	simm.s32 @!p2 $0x0  }
0x16: {  	s3 =	sld [smem:$0x3FDB];
	s0 =	simm.s32 @p2 $0x1  }
0x17: {  	s4 =	simm.s32 $0x1BF5;
	[smem:$0x3FBA] =	sst s0  }
0x18: {  	s0 =	sld [smem:$0x3F9D];
	_ =	swait.ge [sflag:s4], $0x0  }
0x19: {  	s7 =	sld [smem:$0x3F9E]  }
0x1a: {  	s8 =	sadd.s32 $0xFFFFE003, lr  }
0x1b: {  	s9 =	sadd.s32 $0xFFFFFEF7, lr;
	s5 =	simm.s32 $0xFFFFFFFF;
	p2 =	slt.u32 s8, $0xFFFFF086  }
0x1c: {  	p1 =	slt.u32 s9, $0xF7A;
	s5 =	simm.s32 @!p2 $0x0  }
0x1d: {  	s5 =	simm.s32 @p1 $0x1;
	p0 =	seq.s32 s7, s2  }
0x1e: {  	s7 =	smul.u32 @!p0 $0xF7A, s2;
	p2 =	seq.s32 @!p0 s5, $0x0  }
0x1f: {  	s9 =	smul.u32 $0xF7A, s1;
	s8 =	simm.s32 @!p0 $0x1BF5;
	p2 =	por !p2, p0  }
0x20: {  	[sflag:s8] =	ssyncset.s32 @!p0 $0xFFFFF086;
	s6 =	sadd.s32 @!p0 s3, s7;
	s7 =	simm.s32 @!p0 $0x108  }
0x21: {  	s3 =	sadd.s32 s3, s9;
	s6 =	sadd.s32 @!p0 $0x88, s6;
	s7 =	simm.s32 @p2 $0x1082  }
0x22: {  	[simem:s7], [sflag:s8] =	dma.local @!p0 [hbm:s6], $0xF7A  }
0x23: {  	s9 =	sor.u32 $0xD0000000, s2;
	s6 =	simm.s32 $0x108;
	_ =	swait.ge @!p0 [sflag:s8], $0x0  }
0x24: {  	s3 =	sadd.s32 $0x88, s3;
	s6 =	simm.s32 @!p1 $0x1082;
	[sflag:s4] =	ssyncset.s32 $0xFFFFF086  }
0x25: {  	[simem:s6], [sflag:s4] =	dma.local [hbm:s3], $0xF7A  }
0x26: {  	[smem:$0x3F9E] =	sst s1;
	(tag) =	ssettag s2;
	_ =	strace s9  }
0x27: {  	s1 =	sld [smem:$0x3FAE]  }
0x28: {  	s2 =	sld [smem:$0x3FAF]  }
0x29: {  	s4 =	sld [smem:$0x3FB1]  }
0x2a: {  	p0 =	seq.s32 s5, $0x0;
	s5 =	sld [smem:$0x3FB2]  }
0x2b: {  	s6 =	sld [smem:$0x3FB3]  }
0x2c: {  	s7 =	sld [smem:$0x3FB4]  }
0x2d: {  	s3 =	simm.s32 $0x108;
	s8 =	sld [smem:$0x3FB5]  }
0x2e: {  	s3 =	simm.s32 @!p0 $0x1082;
	s9 =	sld [smem:$0x3FB6]  }
0x2f: {  	lr =	sadd.s32 s0, s3;
	s0 =	sld [smem:$0x3FAD]  }
0x30: {  	s3 =	sld [smem:$0x3FB0]  }
0x31: {  	[smem:$0x3FB9] =	sst s10  }
0x32: {  	s10 =	sld [smem:$0x3FB7];
	_ =	sdelay $0x3  }
0x33: {  	p0 =	seq.s32 s10, $0x1;
	s10 =	sld [smem:$0x3FB9];
	_ =	sdelay $0x3  }
0x34: {  	[smem:$0x3FB9] =	sst s10  }
0x35: {  	s10 =	sld [smem:$0x3FB8];
	_ =	sdelay $0x3  }
0x36: {  	p1 =	seq.s32 s10, $0x1;
	s10 =	sld [smem:$0x3FB9];
	_ =	sdelay $0x3  }
0x37: {  	[smem:$0x3FB9] =	sst s10  }
0x38: {  	s10 =	sld [smem:$0x3FBA]  }
0x39: {  	_ = 	snop;
	(pc) =	sbr.ind lr, $3  }
0x3a: {  	_ = 	snop  }
0x3b: {  	_ = 	snop  }
0x3c: {  	p2 =	seq.s32 s10, $0x1;
	s10 =	sld [smem:$0x3FB9]  }
0x3d: {  	_ =	shalt  }
0x3e: {  	_ =	shalt  }
0x3f: {  	_ =	shalt  }
0x40: {  	_ =	shalt  }
0x41: {  	_ =	shalt  }
0x42: {  	_ =	shalt  }
0x43: {  	_ =	shalt  }
0x44: {  	_ =	shalt  }
0x45: {  	_ =	shalt  }
0x46: {  	_ =	shalt  }
0x47: {  	_ =	shalt  }
0x48: {  	_ =	shalt  }
0x49: {  	_ =	shalt  }
0x4a: {  	_ =	shalt  }
0x4b: {  	_ =	shalt  }
0x4c: {  	_ =	shalt  }
0x4d: {  	_ =	shalt  }
0x4e: {  	_ =	shalt  }
0x4f: {  	_ =	shalt  }
0x50: {  	_ =	shalt  }
0x51: {  	_ =	shalt  }
0x52: {  	_ =	shalt  }
0x53: {  	_ =	shalt  }
0x54: {  	_ =	shalt  }
0x55: {  	_ =	shalt  }
0x56: {  	_ =	shalt  }
0x57: {  	_ =	shalt  }
0x58: {  	_ =	shalt  }
0x59: {  	_ =	shalt  }
0x5a: {  	_ =	shalt  }
0x5b: {  	_ =	shalt  }
0x5c: {  	_ =	shalt  }
0x5d: {  	_ =	shalt  }
0x5e: {  	_ =	shalt  }
0x5f: {  	_ =	shalt  }
0x60: {  	_ =	shalt  }
0x61: {  	_ =	shalt  }
0x62: {  	_ =	shalt  }
0x63: {  	_ =	shalt  }
0x64: {  	_ =	shalt  }
0x65: {  	_ =	shalt  }
0x66: {  	_ =	shalt  }
0x67: {  	_ =	shalt  }
0x68: {  	_ =	shalt  }
0x69: {  	_ =	shalt  }
0x6a: {  	_ =	shalt  }
0x6b: {  	_ =	shalt  }
0x6c: {  	_ =	shalt  }
0x6d: {  	_ =	shalt  }
0x6e: {  	_ =	shalt  }
0x6f: {  	_ =	shalt  }
0x70: {  	_ =	shalt  }
0x71: {  	_ =	shalt  }
0x72: {  	_ =	shalt  }
0x73: {  	_ =	shalt  }
0x74: {  	_ =	shalt  }
0x75: {  	_ =	shalt  }
0x76: {  	_ =	shalt  }
0x77: {  	_ =	shalt  }
0x78: {  	_ =	shalt  }
0x79: {  	_ =	shalt  }
0x7a: {  	_ =	shalt  }
0x7b: {  	_ =	shalt  }
0x7c: {  	_ =	shalt  }
0x7d: {  	_ =	shalt  }
0x7e: {  	_ =	shalt  }
0x7f: {  	_ =	shalt  }
0x80: {  	_ =	shalt  }
0x81: {  	_ =	shalt  }
0x82: {  	_ =	shalt  }
0x83: {  	_ =	shalt  }
0x84: {  	_ =	shalt  }
0x85: {  	_ =	shalt  }
0x86: {  	_ =	shalt  }
0x87: {  	_ =	shalt  }
.Lfunc_end0:
.L_simem_size_0:
called_computation_lowered:
.L_overlay_start_0:
0x88: {  	s2 =	sld [smem:$0x3FD9]  }
0x89: {  	s3 =	sld [smem:$0x3FFE];
	_ =	sdelay $0x1  }
0x8a: {  	s1 =	srdreg.scid  }
0x8b: {  	s0 =	sand.u32 $0x1, s1  }
0x8c: {  	s17 =	sshll.u32 s0, $0xA;
	s2 =	sadd.s32 s3, s2  }
0x8d: {  	s2 =	sadd.s32 s2, s17  }
0x8e: {  	[smem:$0x3FC5] =	sst s2  }
0x8f: {  	_ = 	snop  }
0x90: {  	s2 =	sld [smem:$0x3FC9]  }
0x91: {  	s18 =	sld [smem:$0x3FD0];
	(tm) =	ssettm $0x1  }
0x92: {  	s4 =	sld [smem:$0x3FFB];
	_ =	sdelay $0x3  }
0x93: {  	_ =	strace s4  }
0x94: {  	s4 =	sld [smem:$0x3FFC];
	_ =	sdelay $0x3  }
0x95: {  	_ =	strace s4  }
0x96: {  	s4 =	sld [smem:$0x3FFD];
	_ =	sdelay $0x3  }
0x97: {  	_ =	strace s4  }
0x98: {  	_ =	strace $0x8FFFFFFF  }
0x99: {  	s19 =	sld [smem:$0x3FDB];
	_ =	sdelay $0x1  }
0x9a: {  	s5 =	simm.s32 $_scs_section_size  }
0x9b: {  	s6 =	simm.s32 $_size__tile_overlayer_lowered;
	s7 =	simm.s32 $_tile_overlayer_lowered  }
0x9c: {  	s22 =	simm.s32 $0x1BFF;
	s21 =	sshll.u32 s7, $0x1;
	s4 =	sadd.s32 s5, s19  }
0x9d: {  	s8 =	simm.s32 $0x0;
	s20 =	sshll.u32 s6, $0x1;
	s6 =	sadd.s32 s21, s4  }
0x9e: {  	[timem:s8], [sflag:s22] =	dma.local [hbm:s6], s20  }
0x9f: {  	_ =	swait.ge [sflag:s22], s20  }
0xa0: {  	s5 =	ssub.s32 $0x0, s20;
	[sflag:s22] =	ssyncset.done $0x0  }
0xa1: {  	[sflag:s22] =	ssyncadd.s32 s5;
	_ =	sdelay $0x1  }
0xa2: {  	s23 =	simm.s32 $0x1B8B  }
0xa3: {  	_ =	swait.ge [sflag:s23], $0x1  }
0xa4: {  	[sflag:s23] =	ssyncset.done $0x0  }
0xa5: {  	s25 =	simm.s32 $0x1B8E;
	s24 =	sld [smem:$0x3FFE];
	[sflag:s23] =	ssyncadd.s32 $0xFFFFFFFF  }
0xa6: {  	s26 =	simm.s32 $execute0_lowered;
	[smem:$0x3FD2] =	sst s25  }
0xa7: {  	s6 =	sshll.u32 s26, $0x1;
	_ =	strace $0x80000046;
	[dreg:$0x1] =	wrdreg $0xFFFFFFFF  }
0xa8: {  	s28 =	simm.s32 $_size_execute0_lowered;
	s4 =	sadd.s32 s4, s6;
	[dreg:$0x0] =	wrdreg $0x0  }
0xa9: {  	s6 =	sshll.u32 s28, $0x1;
	[dreg:$0x2] =	wrdreg s4  }
0xaa: {  	[dreg:$0x3] =	wrdreg s6  }
0xab: {  	[dreg:$0x4] =	wrdreg $0xC0  }
0xac: {  	_ =	task [dreg:s8], $0x5FFFF  }
0xad: {  	[dreg:$0x1] =	wrdreg $0xFFFFFFFF  }
0xae: {  	[dreg:$0x0] =	wrdreg $0x60  }
0xaf: {  	[dreg:$0x2] =	wrdreg s2  }
0xb0: {  	[dreg:$0x3] =	wrdreg s24  }
0xb1: {  	[dreg:$0x4] =	wrdreg s18  }
0xb2: {  	[dreg:$0x5] =	wrdreg $0x9  }
0xb3: {  	_ =	task.clear_ibuf [dreg:s8], $0x6FFFF;
	_ =	strace $0x90000046  }
0xb4: {  	s29 =	simm.s32 $0x9;
	_ =	strace $0x80000048  }
0xb5: {  	_ =	swait.ge [sflag:s29], $0x1  }
0xb6: {  	[sflag:s29] =	ssyncadd.s32 $0xFFFFFFFF  }
0xb7: {  	_ =	strace $0x90000048  }
0xb8: {  	_ =	sfence  }
0xb9: {  	s30 =	sld [smem:$0x0];
	_ =	sdelay $0x2  }
0xba: {  	s31 =	sshll.u32 s1, $0xD;
	s1 =	sshrl.u32 s1, $0x2  }
0xbb: {  	s3 =	sand.u32 $0x4000, s31;
	s1 =	sadd.s32 s1, s30  }
0xbc: {  	s0 =	sor.u32 s3, s0;
	s1 =	sshll.u32 s1, $0x11  }
0xbd: {  	s0 =	sor.u32 s1, s0  }
0xbe: {  	s0 =	sadd.s32 $0x8F2B, s0  }
0xbf: {  	[sflag:s0] =	ssyncadd.remote.s32 $0x1  }
0xc0: {  	_ =	sfence.sel $0xFFFF  }
0xc1: {  	[dreg:$0x0] =	wrdreg $0xFFFFFFFF;
	(pc) =	sbr.abs _section_cstart, $3  }
0xc2: {  	[dreg:$0x1] =	wrdreg $0xFFFFFFFF  }
0xc3: {  	_ =	task.clear_ibuf [dreg:s8], $0x2FFFF;
	_ =	strace $0x9FFFFFFF  }
0xc4: {  	(tm) =	ssettm $0x7FFFFFFF  }
0xc5: {  	_ =	shalt  }
tec
execute0_lowered:
.L_overlay_start_1:
0x0: {  	(tag) =	ssettag $0x1  }
0x1: {  	s0 =	srdreg.scid  }
0x2: {  	s3 =	stileid.u32;
	s0 =	sand.u32 $0x1, s0  }
0x3: {  	s3 =	sshll.u32 s3, $0x1;
	s6 =	ssub.s32 $0x0, s0  }
0x4: {  	p0 =	sne.s32 s3, s6  }
.Ltmp0:
0x5: {  	_ = 	snop;
	(pc) =	sbr.rel @p0 .LBB2_29-.Ltmp0, $4  }
0x6: {  	s1 =	rddreg [dreg:$0x0]  }
0x7: {  	s2 =	rddreg [dreg:$0x1];
	s5 =	simm.s32 $0x0  }
0x8: {  	[smem:$0x7FF] =	sst s5  }
0x9: {  	s4 =	rddreg [dreg:$0x2];
	_ =	strace $0x80000047  }
0xa: {  	s0 =	ssub.s32 $0x2, s0;
	s6 =	sadd.s32 $0x8000, s2;
	s7 =	sadd.s32 $0x10000, s2  }
.Ltmp1:
0xb: {  	s10 =	simm.s32 $0x5280;
	s11 =	simm.s32 $0x11280;
	(pc) =	sbr.rel .LBB2_2-.Ltmp1, $4  }
0xc: {  	s12 =	simm.s32 $0x5;
	s13 =	simm.s32 $0x1;
	s14 =	simm.s32 $0x2  }
0xd: {  	s15 =	simm.s32 $0x9280;
	s16 =	simm.s32 $0xD280;
	s3 =	sshrl.u32 s0, $0x1  }
0xe: {  	s17 =	simm.s32 $0x3;
	s18 =	simm.s32 $0x4;
	s0 =	ssub.s32 s0, s3  }
0xf: {  	v0 =	vimm.f32 $1.000000000e+00;
	s19 =	simm.s32 $0x11380;
	s20 =	simm.s32 $0x0;
	s8 =	smax.u32 s0, $0x1  }
.LBB2_28:
0x10: {  	v0 =	vadd.s32 $0x1181, v27;
	_ =	sdelay $0x4  }
0x11: {  	v0 =	vld.idx.msk [tilespmem:v0+s5+$0x0], $0xffff  }
0x12: {  	v1 =	vadd.s32 $0x1191, v27;
	_ =	sdelay $0x3  }
0x13: {  	[tilespmem:$0x11380] =	vst v0  }
0x14: {  	v0 =	vld.idx.msk [tilespmem:v1+s5+$0x0], $0xffff  }
0x15: {  	v1 =	vadd.s32 $0x11A1, v27;
	_ =	sdelay $0x3  }
0x16: {  	[tilespmem:$0x11390] =	vst v0  }
0x17: {  	v0 =	vld.idx.msk [tilespmem:v1+s5+$0x0], $0xffff  }
0x18: {  	v1 =	vadd.s32 $0x11B1, v27;
	_ =	sdelay $0x3  }
0x19: {  	[tilespmem:$0x113A0] =	vst v0  }
0x1a: {  	v0 =	vld.idx.msk [tilespmem:v1+s5+$0x0], $0xffff  }
0x1b: {  	v1 =	vadd.s32 $0x11C1, v27;
	_ =	sdelay $0x3  }
0x1c: {  	[tilespmem:$0x113B0] =	vst v0  }
0x1d: {  	v0 =	vld.idx.msk [tilespmem:v1+s5+$0x0], $0xffff  }
0x1e: {  	v1 =	vadd.s32 $0x11D1, v27;
	_ =	sdelay $0x3  }
0x1f: {  	[tilespmem:$0x113C0] =	vst v0  }
0x20: {  	v0 =	vld.idx.msk [tilespmem:v1+s5+$0x0], $0xffff  }
0x21: {  	v1 =	vadd.s32 $0x11E1, v27;
	_ =	sdelay $0x3  }
0x22: {  	[tilespmem:$0x113D0] =	vst v0  }
0x23: {  	v0 =	vld.idx.msk [tilespmem:v1+s5+$0x0], $0xffff  }
0x24: {  	v1 =	vadd.s32 $0x11F1, v27;
	_ =	sdelay $0x3  }
0x25: {  	[tilespmem:$0x113E0] =	vst v0  }
0x26: {  	v0 =	vld.idx.msk [tilespmem:v1+s5+$0x0], $0xffff;
	_ =	sdelay $0x2  }
0x27: {  	s20 =	sadd.s32 $0x1, s20  }
0x28: {  	p0 =	sne.s32 s20, s8  }
.Ltmp2:
0x29: {  	[tilespmem:$0x113F0] =	vst v0;
	(pc) =	sbr.rel @!p0 .LBB2_29-.Ltmp2, $4  }
0x2a: {  	[hbm4b:s4+s5] =	stream.linear.scatter [tilespmem:s19], [sflag:$0x5], $0x80, $0x38;
	[tilespmem:$0x11400] =	vst v63  }
0x2b: {  	_ =	swait.ge [sflag:s12], $0x80  }
0x2c: {  	[sflag:s12] =	ssyncset.done $0x0  }
0x2d: {  	v0 =	vimm.f32 $1.000000000e+00;
	[sflag:s12] =	ssyncadd.s32 $0xFFFFFF80  }
.LBB2_2:
0x2e: {  	s23 =	simm.s32 $0x0;
	s0 =	simm.s32 $0x1280  }
0x2f: {  	[tilespmem:s0], [sflag:$0x1] =	stream.linear.gather [hbm4b:s6+s23], $0x4000, $0x38;
	[tilespmem:$0x11400] =	vst v63  }
0x30: {  	_ = 	snop  }
0x31: {  	[tilespmem:s10], [sflag:$0x2] =	stream.linear.gather [hbm4b:s2+s23], $0x4000, $0x38;
	[tilespmem:$0x11400] =	vst v63  }
0x32: {  	_ = 	snop  }
0x33: {  	[tilespmem:s11], [sflag:$0x5] =	stream.linear.gather [hbm4b:s7+s23], $0x100, $0x38;
	[tilespmem:$0x11400] =	vst v63  }
0x34: {  	_ =	swait.ge [sflag:s12], $0x100  }
0x35: {  	[sflag:s12] =	ssyncset.done $0x0  }
0x36: {  	[sflag:s12] =	ssyncadd.s32 $0xFFFFFF00  }
0x37: {  	[tilespmem:s23], [sflag:$0x5] =	stream.linear.gather [hbm4b:s1+s23], $0x200, $0x38;
	[tilespmem:$0x11400] =	vst v63  }
0x38: {  	_ =	swait.ge [sflag:s12], $0x200  }
0x39: {  	[sflag:s12] =	ssyncset.done $0x0  }
0x3a: {  	s0 =	simm.s32 $0x0;
	[sflag:s12] =	ssyncadd.s32 $0xFFFFFE00  }
.LBB2_3:
0x3b: {  	p0 =	seq.s32 s0, $0x1000  }
.Ltmp3:
0x3c: {  	_ = 	snop;
	(pc) =	sbr.rel @!p0 .LBB2_3-.Ltmp3, $3  }
0x3d: {  	_ =	sdelay $0x1  }
0x3e: {  	s3 =	sand.u32 $0x1FF0, s0  }
0x3f: {  	s0 =	sadd.s32 $0x10, s0;
	[tilespmem:s3+$0x200] =	vst v0  }
.Ltmp4:
0x40: {  	(pc) =	sbr.rel .LBB2_6-.Ltmp4, $2  }
0x41: {  	_ =	sdelay $0x2  }
0x42: {  	s21 =	simm.s32 $0x201;
	s22 =	simm.s32 $0x0  }
.LBB2_5:
0x43: {  	p0 =	seq.s32 s23, $0x8  }
.Ltmp5:
0x44: {  	_ = 	snop;
	(pc) =	sbr.rel @p0 .LBB2_28-.Ltmp5, $1  }
0x45: {  	_ =	sdelay $0x3  }
.LBB2_6:
0x46: {  	_ =	swait.ge [sflag:s13], $0x4000  }
0x47: {  	[sflag:s13] =	ssyncset.done $0x0  }
0x48: {  	[sflag:s13] =	ssyncadd.s32 $0xFFFFC000  }
0x49: {  	s24 =	sshll.u32 s23, $0xC;
	_ =	swait.ge [sflag:s14], $0x4000  }
.Ltmp6:
0x4a: {  	s0 =	sor.u32 $0x800, s24;
	[sflag:s14] =	ssyncset.done $0x0;
	(pc) =	sbr.rel .LBB2_7-.Ltmp6, $4  }
0x4b: {  	s25 =	simm.s32 $0x0;
	s3 =	sadd.s32 s6, s0;
	[sflag:s14] =	ssyncadd.s32 $0xFFFFC000  }
0x4c: {  	[tilespmem:s15], [sflag:$0x3] =	stream.linear.gather [hbm4b:s3+s25], $0x4000, $0x38;
	[tilespmem:$0x11400] =	vst v63  }
0x4d: {  	s26 =	simm.s32 $0x5680;
	s28 =	simm.s32 $0x1680;
	s0 =	sadd.s32 s2, s0  }
0x4e: {  	[tilespmem:s16], [sflag:$0x4] =	stream.linear.gather [hbm4b:s0+s25], $0x4000, $0x38;
	[tilespmem:$0x11400] =	vst v63  }
.LBB2_16:
0x4f: {  	s25 =	sadd.s32 $0x1, s25  }
0x50: {  	p0 =	sne.s32 s25, $0x10  }
.Ltmp7:
0x51: {  	_ = 	snop;
	(pc) =	sbr.rel @!p0 .LBB2_17-.Ltmp7, $3  }
0x52: {  	_ =	sdelay $0x1  }
0x53: {  	s21 =	sadd.s32 $0x10, s21  }
0x54: {  	s22 =	sadd.s32 $0x1, s22;
	s26 =	sadd.s32 $0x400, s26;
	s28 =	sadd.s32 $0x400, s28  }
.LBB2_7:
0x55: {  	s29 =	sshll.u32 s25, $0xA  }
0x56: {  	v3 =	vld [tilespmem:s29+$0x5280]  }
0x57: {  	v10 =	vld [tilespmem:s29+$0x5290]  }
0x58: {  	v18 =	vld [tilespmem:s29+$0x52A0]  }
0x59: {  	v33 =	vld [tilespmem:s29+$0x1280]  }
0x5a: {  	v61 =	vld [tilespmem:s29+$0x52B0]  }
0x5b: {  	v4 =	vld [tilespmem:s29+$0x1290]  }
0x5c: {  	v62 =	vld [tilespmem:s29+$0x52C0]  }
0x5d: {  	v9 =	vld [tilespmem:s29+$0x12A0]  }
0x5e: {  	v63 =	vld [tilespmem:s29+$0x52D0]  }
0x5f: {  	v12 =	vld [tilespmem:s29+$0x12B0]  }
0x60: {  	v56 =	vld [tilespmem:s29+$0x52E0]  }
0x61: {  	v1 =	vld [tilespmem:s29+$0x12C0]  }
0x62: {  	v52 =	vld [tilespmem:s29+$0x52F0]  }
0x63: {  	v14 =	vld [tilespmem:s29+$0x12D0]  }
0x64: {  	v51 =	vld [tilespmem:s29+$0x5300]  }
0x65: {  	v13 =	vld [tilespmem:s29+$0x12E0]  }
0x66: {  	v40 =	vld [tilespmem:s29+$0x5310]  }
0x67: {  	v48 =	vld [tilespmem:s29+$0x12F0]  }
0x68: {  	v53 =	vld [tilespmem:s29+$0x5320]  }
0x69: {  	v37 =	vld [tilespmem:s29+$0x1300]  }
0x6a: {  	v32 =	vld [tilespmem:s29+$0x5330]  }
0x6b: {  	v50 =	vld [tilespmem:s29+$0x1310]  }
0x6c: {  	v28 =	vld [tilespmem:s29+$0x5340]  }
0x6d: {  	v38 =	vld [tilespmem:s29+$0x1320]  }
0x6e: {  	v31 =	vld [tilespmem:s29+$0x5350]  }
0x6f: {  	v49 =	vld [tilespmem:s29+$0x1330]  }
0x70: {  	v17 =	vld [tilespmem:s29+$0x5360]  }
0x71: {  	v0 =	vld [tilespmem:s29+$0x1340]  }
0x72: {  	v2 =	vld [tilespmem:s29+$0x1350]  }
0x73: {  	v6 =	vld [tilespmem:s29+$0x5380]  }
0x74: {  	v29 =	vld [tilespmem:s29+$0x5390]  }
0x75: {  	v15 =	vld [tilespmem:s29+$0x1380]  }
0x76: {  	v16 =	vld [tilespmem:s29+$0x1390]  }
0x77: {  	v25 =	vld [tilespmem:s29+$0x53C0]  }
0x78: {  	v43 =	vld [tilespmem:s29+$0x13A0]  }
0x79: {  	v59 =	vld [tilespmem:s29+$0x53D0]  }
0x7a: {  	v45 =	vld [tilespmem:s29+$0x13B0]  }
0x7b: {  	v60 =	vld [tilespmem:s29+$0x53E0]  }
0x7c: {  	v55 =	vld [tilespmem:s29+$0x13C0]  }
0x7d: {  	v22 =	vld [tilespmem:s29+$0x13D0]  }
0x7e: {  	v24 =	vld [tilespmem:s29+$0x13E0]  }
0x7f: {  	v27 =	vld [tilespmem:s29+$0x13F0]  }
0x80: {  	v35 =	vld [tilespmem:s29+$0x1400]  }
0x81: {  	v19 =	vld [tilespmem:s29+$0x5480]  }
0x82: {  	[tilespmem:$0x1FD50] =	vst v15;
	v15 =	vld [tilespmem:s29+$0x53B0]  }
0x83: {  	[tilespmem:$0x1FDD0] =	vst v55;
	v55 =	vld [tilespmem:s29+$0x5400]  }
0x84: {  	[tilespmem:$0x1FDA0] =	vst v45;
	v45 =	vld [tilespmem:s29+$0x5410]  }
0x85: {  	[tilespmem:$0x1FDF0] =	vst v22;
	v22 =	vld [tilespmem:s29+$0x1420]  }
0x86: {  	[tilespmem:$0x1FE10] =	vst v24;
	v24 =	vld [tilespmem:s29+$0x1430]  }
0x87: {  	[tilespmem:$0x1FE30] =	vst v27;
	v27 =	vld [tilespmem:s29+$0x1440]  }
0x88: {  	[tilespmem:$0x1FE50] =	vst v35;
	v35 =	vld [tilespmem:s29+$0x1450]  }
0x89: {  	[tilespmem:$0x1FD70] =	vst v16;
	v16 =	vld [tilespmem:s29+$0x5490]  }
0x8a: {  	v5 =	vld.idx.msk [tilespmem:v3+s5+$0x0], $0xffff  }
0x8b: {  	v8 =	vld.idx.msk [tilespmem:v10+s5+$0x0], $0xffff  }
0x8c: {  	v11 =	vld.idx.msk [tilespmem:v18+s5+$0x0], $0xffff  }
0x8d: {  	v20 =	vld.idx.msk [tilespmem:v61+s5+$0x0], $0xffff  }
0x8e: {  	v7 =	vld.idx.msk [tilespmem:v62+s5+$0x0], $0xffff  }
0x8f: {  	v30 =	vld.idx.msk [tilespmem:v63+s5+$0x0], $0xffff  }
0x90: {  	v21 =	vld.idx.msk [tilespmem:v56+s5+$0x0], $0xffff  }
0x91: {  	v42 =	vld.idx.msk [tilespmem:v52+s5+$0x0], $0xffff  }
0x92: {  	v41 =	vld.idx.msk [tilespmem:v51+s5+$0x0], $0xffff  }
0x93: {  	v58 =	vld.idx.msk [tilespmem:v40+s5+$0x0], $0xffff  }
0x94: {  	v54 =	vld.idx.msk [tilespmem:v53+s5+$0x0], $0xffff  }
0x95: {  	v47 =	vld.idx.msk [tilespmem:v32+s5+$0x0], $0xffff  }
0x96: {  	[tilespmem:$0x1FCD0] =	vst v0;
	v0 =	vld.idx.msk [tilespmem:v28+s5+$0x0], $0xffff  }
0x97: {  	[tilespmem:$0x1FCF0] =	vst v2;
	v2 =	vld.idx.msk [tilespmem:v31+s5+$0x0], $0xffff  }
0x98: {  	v36 =	vld.idx.msk [tilespmem:v6+s5+$0x0], $0xffff  }
0x99: {  	v39 =	vld.idx.msk [tilespmem:v29+s5+$0x0], $0xffff  }
0x9a: {  	v57 =	vld.idx.msk [tilespmem:v25+s5+$0x0], $0xffff  }
0x9b: {  	v23 =	vld.idx.msk [tilespmem:v59+s5+$0x0], $0xffff  }
0x9c: {  	v26 =	vld.idx.msk [tilespmem:v60+s5+$0x0], $0xffff  }
0x9d: {  	vm4 =	vlt.s32 v61, s21;
	v61 =	vld [tilespmem:s29+$0x14E0]  }
0x9e: {  	vm14 =	vlt.s32 v18, s21;
	v18 =	vld [tilespmem:s29+$0x5510]  }
0x9f: {  	vm5 =	vlt.s32 v63, s21;
	v63 =	vld [tilespmem:s29+$0x14F0]  }
0xa0: {  	vm7 =	vlt.s32 v52, s21;
	v52 =	vld [tilespmem:s29+$0x1500]  }
0xa1: {  	vm9 =	vlt.s32 v40, s21;
	v40 =	vld [tilespmem:s29+$0x5530]  }
0xa2: {  	vm0 =	vlt.s32 v3, s21;
	vm1 =	vlt.s32 v10, s21;
	vm12 =	vlt.s32 v31, s21;
	v31 =	vld [tilespmem:s29+$0x1520]  }
0xa3: {  	v10 =	vnsel vm0, $0x0, v33;
	v33 =	vnsel vm4, $0x0, v12;
	vm4 =	vlt.s32 v29, s21;
	v29 =	vld [tilespmem:s29+$0x5560]  }
0xa4: {  	[tilespmem:$0x1FEB0] =	vst v24;
	v24 =	vld [tilespmem:s29+$0x5470]  }
0xa5: {  	[tilespmem:$0x1FE90] =	vst v22;
	v22 =	vld [tilespmem:s29+$0x1460]  }
0xa6: {  	[tilespmem:$0x1FCE0] =	vst v0;
	v0 =	vld [tilespmem:s29+$0x5370]  }
0xa7: {  	[tilespmem:$0x1FD00] =	vst v2;
	v2 =	vld [tilespmem:s29+$0x1360]  }
0xa8: {  	v46 =	vld.idx.msk [tilespmem:v15+s5+$0x0], $0xffff  }
0xa9: {  	[tilespmem:$0x1FDE0] =	vst v57;
	v57 =	vld [tilespmem:s29+$0x53F0]  }
0xaa: {  	[tilespmem:$0x1FD60] =	vst v36;
	v36 =	vld.idx.msk [tilespmem:v55+s5+$0x0], $0xffff  }
0xab: {  	[tilespmem:$0x1FD80] =	vst v39;
	v39 =	vld [tilespmem:s29+$0x1410]  }
0xac: {  	[tilespmem:$0x1FD90] =	vst v43;
	v43 =	vld.idx.msk [tilespmem:v45+s5+$0x0], $0xffff  }
0xad: {  	vm15 =	vlt.s32 v62, s21;
	v4 =	vnsel vm1, $0x0, v4;
	[tilespmem:$0x1FEF0] =	vst v35;
	v35 =	vld.idx.msk [tilespmem:v16+s5+$0x0], $0xffff  }
0xae: {  	v1 =	vnsel vm15, $0x0, v1;
	v5 =	vmul.f32 v10, v5;
	v10 =	vld [tilespmem:s29+$0x14D0];
	v4 =	vmul.f32 v4, v8  }
0xaf: {  	vm6 =	vlt.s32 v56, s21;
	v1 =	vmul.f32 v1, v7;
	v7 =	vmul.f32 v33, v20;
	v33 =	vld [tilespmem:s29+$0x5520]  }
0xb0: {  	v8 =	vnsel vm14, $0x0, v9;
	v9 =	vnsel vm6, $0x0, v13;
	vm6 =	vlt.s32 v15, s21;
	v15 =	vld [tilespmem:s29+$0x1550]  }
0xb1: {  	vm8 =	vlt.s32 v51, s21;
	v20 =	vld [tilespmem:$0x1FD80]  }
0xb2: {  	v8 =	vmul.f32 v8, v11;
	v11 =	vnsel vm8, $0x0, v37;
	vm8 =	vlt.s32 v59, s21;
	v59 =	vld [tilespmem:$0x1FE30]  }
0xb3: {  	[tilespmem:$0x1FF10] =	vst v22;
	v22 =	vld [tilespmem:s29+$0x1470]  }
0xb4: {  	vm15 =	vlt.s32 v6, s21;
	v6 =	vld.idx.msk [tilespmem:v40+s5+$0x0], $0xffff  }
0xb5: {  	[tilespmem:$0x1FD10] =	vst v2;
	v2 =	vld.idx.msk [tilespmem:v17+s5+$0x0], $0xffff  }
0xb6: {  	[tilespmem:$0x1FDC0] =	vst v46;
	v46 =	vld [tilespmem:s29+$0x5420]  }
0xb7: {  	[tilespmem:$0x1FE70] =	vst v39;
	v39 =	vld [tilespmem:s29+$0x5440]  }
0xb8: {  	[tilespmem:$0x1FE80] =	vst v43;
	v43 =	vld [tilespmem:s29+$0x5450]  }
0xb9: {  	[tilespmem:$0x1FEC0] =	vst v27;
	v27 =	vld.idx.msk [tilespmem:v24+s5+$0x0], $0xffff  }
0xba: {  	v9 =	vmul.f32 v9, v21;
	v8 =	vadd.f32 $0.0e+00, v8;
	[tilespmem:$0x1FF80] =	vst v35;
	v35 =	vld [tilespmem:s29+$0x14B0]  }
0xbb: {  	[tilespmem:$0x1FFE0] =	vst v10;
	v10 =	vld [tilespmem:s29+$0x5500]  }
0xbc: {  	vm10 =	vlt.s32 v53, s21;
	vm13 =	vlt.s32 v17, s21;
	v8 =	vadd.f32 v9, v8;
	v17 =	vld [tilespmem:s29+$0x1530]  }
0xbd: {  	v9 =	vmul.f32 v11, v41;
	v11 =	vnsel vm9, $0x0, v50;
	v50 =	vnsel vm10, $0x0, v38;
	v38 =	vld [tilespmem:$0x1FDE0]  }
0xbe: {  	v12 =	vmul.f32 v50, v54;
	v50 =	vld [tilespmem:s29+$0x1510]  }
0xbf: {  	vm2 =	vlt.s32 v32, s21;
	[tilespmem:$0x1FE00] =	vst v23;
	v32 =	vld [tilespmem:$0x1FDC0]  }
0xc0: {  	v5 =	vadd.f32 $0.0e+00, v5;
	v54 =	vnsel vm2, $0x0, v49;
	v49 =	vld [tilespmem:$0x1FE00]  }
0xc1: {  	[tilespmem:$0x1FF30] =	vst v22;
	v22 =	vld [tilespmem:s29+$0x54A0]  }
0xc2: {  	v1 =	vadd.f32 v1, v5;
	v11 =	vmul.f32 v11, v58;
	v58 =	vmul.f32 v54, v47;
	v47 =	vld.idx.msk [tilespmem:v18+s5+$0x0], $0xffff  }
0xc3: {  	v54 =	vld [tilespmem:s29+$0x5540]  }
0xc4: {  	v1 =	vadd.f32 v9, v1;
	v9 =	vld [tilespmem:$0x1FCE0]  }
0xc5: {  	v34 =	vld.idx.msk [tilespmem:v57+s5+$0x0], $0xffff  }
0xc6: {  	v8 =	vadd.f32 v12, v8;
	v12 =	vld [tilespmem:$0x1FCD0]  }
0xc7: {  	vm11 =	vlt.s32 v28, s21;
	v28 =	vld.idx.msk [tilespmem:v33+s5+$0x0], $0xffff  }
0xc8: {  	vm10 =	vlt.s32 v57, s21;
	v57 =	vld [tilespmem:$0x1FE10]  }
0xc9: {  	[tilespmem:$0x1FD20] =	vst v2;
	v2 =	vld [tilespmem:s29+$0x1370]  }
0xca: {  	[tilespmem:$0x1FF40] =	vst v27;
	v27 =	vld [tilespmem:s29+$0x1490]  }
0xcb: {  	[tilespmem:$0x1FFA0] =	vst v35;
	v35 =	vld [tilespmem:s29+$0x14C0]  }
0xcc: {  	v23 =	vld.idx.msk [tilespmem:v46+s5+$0x0], $0xffff  }
0xcd: {  	[tilespmem:$0x1FE40] =	vst v34;
	v34 =	vld.idx.msk [tilespmem:v39+s5+$0x0], $0xffff  }
0xce: {  	[tilespmem:$0x1FE60] =	vst v36;
	v36 =	vld.idx.msk [tilespmem:v43+s5+$0x0], $0xffff  }
0xcf: {  	v53 =	vld.idx.msk [tilespmem:v10+s5+$0x0], $0xffff  }
0xd0: {  	[tilespmem:$0x1FD30] =	vst v2;
	v2 =	vld.idx.msk [tilespmem:v0+s5+$0x0], $0xffff  }
0xd1: {  	[tilespmem:$0x1FF70] =	vst v27;
	v27 =	vld [tilespmem:s29+$0x54C0]  }
0xd2: {  	vm14 =	vlt.s32 v0, s21;
	v0 =	vld [tilespmem:$0x1FD10]  }
0xd3: {  	[tilespmem:$0x1FFC0] =	vst v35;
	v35 =	vnsel vm5, $0x0, v14;
	v14 =	vld [tilespmem:$0x1FD60]  }
0xd4: {  	v5 =	vmul.f32 v35, v30;
	v35 =	vld [tilespmem:$0x1FDD0]  }
0xd5: {  	[tilespmem:$0x1FEA0] =	vst v23;
	v23 =	vld [tilespmem:s29+$0x5460]  }
0xd6: {  	v4 =	vadd.f32 $0.0e+00, v4;
	[tilespmem:$0x1FEE0] =	vst v34;
	v34 =	vld.idx.msk [tilespmem:v19+s5+$0x0], $0xffff  }
0xd7: {  	v48 =	vnsel vm7, $0x0, v48;
	[tilespmem:$0x1FF00] =	vst v36;
	v36 =	vld.idx.msk [tilespmem:v22+s5+$0x0], $0xffff  }
0xd8: {  	v4 =	vadd.f32 v5, v4;
	v5 =	vmul.f32 v48, v42;
	v48 =	vld [tilespmem:$0x1FDF0]  }
0xd9: {  	vm9 =	vlt.s32 v60, s21;
	v60 =	vnsel vm10, $0x0, v59;
	v59 =	vld [tilespmem:$0x1FEE0]  }
0xda: {  	v7 =	vadd.f32 $0.0e+00, v7;
	[tilespmem:$0x1FD40] =	vst v2;
	v2 =	vld [tilespmem:s29+$0x53A0]  }
0xdb: {  	v4 =	vadd.f32 v11, v4;
	v11 =	vld [tilespmem:$0x1FD00]  }
0xdc: {  	v5 =	vadd.f32 v5, v7;
	v7 =	vnsel vm11, $0x0, v12;
	vm11 =	vlt.s32 v55, s21;
	v55 =	vld [tilespmem:$0x1FEC0]  }
0xdd: {  	v7 =	vmul.f32 v7, v9;
	v9 =	vld [tilespmem:$0x1FCF0]  }
0xde: {  	vm7 =	vlt.s32 v25, s21;
	v13 =	vld [tilespmem:$0x1FD40]  }
0xdf: {  	[tilespmem:$0x1FE20] =	vst v26;
	v37 =	vnsel vm7, $0x0, v35;
	v35 =	vld [tilespmem:$0x1FE50]  }
0xe0: {  	v5 =	vadd.f32 v58, v5;
	v58 =	vld [tilespmem:$0x1FE20]  }
0xe1: {  	v41 =	vmul.f32 v37, v38;
	v37 =	vld [tilespmem:$0x1FE60]  }
0xe2: {  	v38 =	vld [tilespmem:$0x1FE70]  }
0xe3: {  	[tilespmem:$0x1FF60] =	vst v34;
	v34 =	vld [tilespmem:s29+$0x14A0]  }
0xe4: {  	v3 =	vld.idx.msk [tilespmem:v27+s5+$0x0], $0xffff  }
0xe5: {  	v7 =	vadd.f32 v7, v1;
	v1 =	vld [tilespmem:$0x1FD20]  }
0xe6: {  	v9 =	vnsel vm12, $0x0, v9;
	vm12 =	vlt.s32 v45, s21;
	v45 =	vld [tilespmem:$0x1FEA0]  }
0xe7: {  	v9 =	vmul.f32 v9, v11;
	v11 =	vnsel vm13, $0x0, v0;
	v0 =	vld [tilespmem:s29+$0x5550]  }
0xe8: {  	v44 =	vld.idx.msk [tilespmem:v2+s5+$0x0], $0xffff  }
0xe9: {  	[tilespmem:$0x1FF90] =	vst v34;
	v34 =	vld [tilespmem:s29+$0x54D0]  }
0xea: {  	[tilespmem:$0x1FFF0] =	vst v3;
	v3 =	vld [tilespmem:s29+$0x54F0]  }
0xeb: {  	vm5 =	vlt.s32 v2, s21;
	v2 =	vld [tilespmem:$0x1FD90]  }
0xec: {  	vm13 =	vlt.s32 v46, s21;
	v46 =	vld [tilespmem:$0x1FEB0];
	v1 =	vmul.f32 v11, v1  }
0xed: {  	v11 =	vld [tilespmem:$0x1FD30]  }
0xee: {  	v8 =	vadd.f32 v1, v8;
	v1 =	vld [tilespmem:$0x1FD50]  }
0xef: {  	[tilespmem:$0x1FDB0] =	vst v44;
	v44 =	vld [tilespmem:s29+$0x5430]  }
0xf0: {  	v21 =	vnsel vm5, $0x0, v2;
	v2 =	vld [tilespmem:$0x1FDA0]  }
0xf1: {  	v30 =	vld [tilespmem:$0x1FDB0]  }
0xf2: {  	v11 =	vnsel vm14, $0x0, v11;
	v62 =	vld.idx.msk [tilespmem:v34+s5+$0x0], $0xffff  }
0xf3: {  	v9 =	vadd.f32 v9, v4;
	v4 =	vmul.f32 v11, v13;
	v1 =	vnsel vm15, $0x0, v1;
	v51 =	vld.idx.msk [tilespmem:v3+s5+$0x0], $0xffff  }
0xf4: {  	v11 =	vmul.f32 v1, v14;
	v1 =	vld [tilespmem:$0x1FD70]  }
0xf5: {  	v5 =	vadd.f32 v4, v5;
	v4 =	vld [tilespmem:s29+$0x1540]  }
0xf6: {  	v25 =	vnsel vm6, $0x0, v2;
	v2 =	vld [tilespmem:s29+$0x5570]  }
0xf7: {  	v11 =	vadd.f32 v11, v7;
	v7 =	vld.idx.msk [tilespmem:v0+s5+$0x0], $0xffff  }
0xf8: {  	vm6 =	vlt.s32 v24, s21;
	v24 =	vld [tilespmem:s29+$0x15A0]  }
0xf9: {  	v13 =	vmul.f32 v21, v30;
	v21 =	vld.idx.msk [tilespmem:v29+s5+$0x0], $0xffff  }
0xfa: {  	v14 =	vmul.f32 v25, v32;
	v32 =	vld [tilespmem:$0x1FE40]  }
0xfb: {  	v30 =	vnsel vm11, $0x0, v35;
	v35 =	vld [tilespmem:$0x1FF00]  }
0xfc: {  	vm11 =	vlt.s32 v27, s21;
	v27 =	vld [tilespmem:s29+$0x15C0]  }
0xfd: {  	v11 =	vadd.f32 v41, v11;
	v41 =	vld [tilespmem:$0x1FE80]  }
0xfe: {  	v26 =	vld.idx.msk [tilespmem:v44+s5+$0x0], $0xffff  }
0xff: {  	vm15 =	vlt.s32 v39, s21;
	v42 =	vadd.f32 v14, v5;
	v5 =	vld [tilespmem:s29+$0x5580]  }
0x100: {  	v1 =	vnsel vm4, $0x0, v1;
	v8 =	vadd.f32 v13, v8;
	v13 =	vnsel vm12, $0x0, v38;
	v38 =	vld [tilespmem:s29+$0x1590]  }
0x101: {  	v14 =	vnsel vm9, $0x0, v57;
	v57 =	vnsel vm15, $0x0, v55;
	vm15 =	vlt.s32 v10, s21;
	v10 =	vld [tilespmem:s29+$0x15E0]  }
0x102: {  	v12 =	vmul.f32 v1, v20;
	v1 =	vld.idx.msk [tilespmem:v54+s5+$0x0], $0xffff  }
0x103: {  	v20 =	vld [tilespmem:s29+$0x1560];
	v25 =	vmul.f32 v14, v58  }
0x104: {  	v14 =	vld [tilespmem:s29+$0x5590]  }
0x105: {  	v8 =	vadd.f32 v25, v8;
	v25 =	vmul.f32 v30, v37;
	v37 =	vld [tilespmem:s29+$0x55A0]  }
0x106: {  	v9 =	vadd.f32 v12, v9;
	v12 =	vnsel vm8, $0x0, v48;
	v48 =	vld [tilespmem:s29+$0x1580]  }
0x107: {  	vm14 =	vlt.s32 v44, s21;
	vm8 =	vlt.s32 v16, s21;
	v16 =	vld [tilespmem:s29+$0x55D0]  }
0x108: {  	v12 =	vmul.f32 v12, v49;
	v49 =	vnsel vm14, $0x0, v46;
	v46 =	vld [tilespmem:$0x1FF30]  }
0x109: {  	v13 =	vmul.f32 v13, v41;
	v41 =	vmul.f32 v57, v59;
	v59 =	vld [tilespmem:$0x1FF70]  }
0x10a: {  	vm14 =	vlt.s32 v3, s21;
	v3 =	vld [tilespmem:s29+$0x5600]  }
0x10b: {  	[tilespmem:$0x1FED0] =	vst v26;
	v26 =	vld.idx.msk [tilespmem:v23+s5+$0x0], $0xffff  }
0x10c: {  	v30 =	vld.idx.msk [tilespmem:v2+s5+$0x0], $0xffff  }
0x10d: {  	vm5 =	vlt.s32 v23, s21;
	v23 =	vld [tilespmem:s29+$0x55C0]  }
0x10e: {  	v9 =	vadd.f32 v12, v9;
	v12 =	vmul.f32 v60, v32;
	v32 =	vld [tilespmem:s29+$0x1570]  }
0x10f: {  	v11 =	vadd.f32 v25, v11;
	v58 =	vld [tilespmem:$0x1FED0]  }
0x110: {  	v60 =	vld [tilespmem:$0x1FEF0]  }
0x111: {  	v11 =	vadd.f32 v41, v11;
	v41 =	vld [tilespmem:$0x1FF90]  }
0x112: {  	v12 =	vadd.f32 v12, v42;
	v42 =	vld [tilespmem:$0x1FE90]  }
0x113: {  	[tilespmem:$0x1FFB0] =	vst v36;
	v44 =	vld.idx.msk [tilespmem:v5+s5+$0x0], $0xffff  }
0x114: {  	vm7 =	vlt.s32 v19, s21;
	v19 =	vnsel vm6, $0x0, v46;
	v46 =	vld [tilespmem:$0x1FFB0]  }
0x115: {  	[tilespmem:$0x1FF20] =	vst v26;
	v26 =	vld [tilespmem:s29+$0x1480]  }
0x116: {  	v39 =	vmul.f32 v49, v58;
	v49 =	vld [tilespmem:$0x1FF40]  }
0x117: {  	vm4 =	vlt.s32 v43, s21;
	v58 =	vld [tilespmem:$0x1FF60]  }
0x118: {  	v43 =	vnsel vm4, $0x0, v60;
	v60 =	vnsel vm8, $0x0, v59;
	vm8 =	vlt.s32 v0, s21;
	v0 =	vld [tilespmem:s29+$0x1600]  }
0x119: {  	v9 =	vadd.f32 v13, v9;
	v13 =	vmul.f32 v43, v35;
	v43 =	vld [tilespmem:$0x1FF10]  }
0x11a: {  	v35 =	vld [tilespmem:$0x1FF80]  }
0x11b: {  	v25 =	vnsel vm13, $0x0, v42;
	v42 =	vld [tilespmem:s29+$0x55B0]  }
0x11c: {  	v12 =	vadd.f32 v39, v12;
	v39 =	vld.idx.msk [tilespmem:v37+s5+$0x0], $0xffff  }
0x11d: {  	vm12 =	vlt.s32 v34, s21;
	v34 =	vld.idx.msk [tilespmem:v23+s5+$0x0], $0xffff  }
0x11e: {  	v25 =	vmul.f32 v25, v45;
	[tilespmem:$0x1FF50] =	vst v26;
	v26 =	vld [tilespmem:s29+$0x54B0]  }
0x11f: {  	v45 =	vld [tilespmem:$0x1FF20]  }
0x120: {  	v8 =	vadd.f32 v25, v8;
	v25 =	vld.idx.msk [tilespmem:v14+s5+$0x0], $0xffff  }
0x121: {  	v55 =	vld [tilespmem:$0x1FF50]  }
0x122: {  	v19 =	vmul.f32 v19, v49;
	v49 =	vld [tilespmem:$0x1FFC0]  }
0x123: {  	v9 =	vadd.f32 v13, v9;
	v13 =	vnsel vm5, $0x0, v43;
	v43 =	vld [tilespmem:s29+$0x15B0]  }
0x124: {  	vm5 =	vlt.s32 v33, s21;
	v33 =	vld [tilespmem:s29+$0x5610]  }
0x125: {  	v12 =	vadd.f32 v19, v12;
	v19 =	vmul.f32 v60, v35;
	v60 =	vld [tilespmem:$0x1FFF0]  }
0x126: {  	v36 =	vld.idx.msk [tilespmem:v26+s5+$0x0], $0xffff  }
0x127: {  	vm9 =	vlt.s32 v22, s21;
	v13 =	vmul.f32 v13, v45;
	v45 =	vld [tilespmem:$0x1FFA0]  }
0x128: {  	vm6 =	vlt.s32 v40, s21;
	vm4 =	vlt.s32 v18, s21;
	v31 =	vnsel vm5, $0x0, v31;
	v22 =	vld.idx.msk [tilespmem:v42+s5+$0x0], $0xffff  }
0x129: {  	v28 =	vmul.f32 v31, v28;
	v57 =	vnsel vm7, $0x0, v55;
	v55 =	vnsel vm11, $0x0, v49;
	v49 =	vld [tilespmem:s29+$0x15D0]  }
0x12a: {  	vm10 =	vlt.s32 v26, s21;
	v8 =	vadd.f32 v13, v8;
	v13 =	vmul.f32 v57, v58;
	v58 =	vld [tilespmem:$0x1FFE0]  }
0x12b: {  	v9 =	vadd.f32 v19, v9;
	vm7 =	vlt.s32 v54, s21;
	vm11 =	vlt.s32 v5, s21;
	[tilespmem:$0x1FFD0] =	vst v36;
	v36 =	vld [tilespmem:s29+$0x54E0]  }
0x12c: {  	v4 =	vnsel vm7, $0x0, v4;
	vm7 =	vlt.s32 v3, s21;
	v26 =	vld [tilespmem:s29+$0x55E0];
	v11 =	vadd.f32 v13, v11  }
0x12d: {  	v13 =	vnsel vm9, $0x0, v41;
	v19 =	vnsel vm10, $0x0, v45;
	vm10 =	vlt.s32 v2, s21;
	v2 =	vld [tilespmem:s29+$0x1610]  }
0x12e: {  	v1 =	vmul.f32 v4, v1;
	v0 =	vnsel vm7, $0x0, v0;
	v13 =	vmul.f32 v13, v46;
	v57 =	vld [tilespmem:$0x1FFD0]  }
0x12f: {  	v41 =	vmul.f32 v55, v60;
	v55 =	vnsel vm14, $0x0, v63;
	v63 =	vnsel vm8, $0x0, v15;
	v40 =	vld.idx.msk [tilespmem:v33+s5+$0x0], $0xffff  }
0x130: {  	vm9 =	vlt.s32 v29, s21;
	v8 =	vadd.f32 v13, v8;
	v13 =	vmul.f32 v55, v51;
	v51 =	vld [tilespmem:s29+$0x1630]  }
0x131: {  	vm14 =	vlt.s32 v42, s21;
	vm8 =	vlt.s32 v33, s21;
	v59 =	vnsel vm12, $0x0, v58;
	v55 =	vld [tilespmem:s29+$0x5670]  }
0x132: {  	v29 =	vnsel vm9, $0x0, v20;
	v7 =	vmul.f32 v63, v7;
	v45 =	vmul.f32 v59, v62;
	v62 =	vld [tilespmem:s29+$0x5620]  }
0x133: {  	v32 =	vnsel vm10, $0x0, v32;
	v19 =	vmul.f32 v19, v57;
	v57 =	vnsel vm4, $0x0, v50;
	v56 =	vld.idx.msk [tilespmem:v36+s5+$0x0], $0xffff  }
0x134: {  	v11 =	vadd.f32 v41, v11;
	v59 =	vld [tilespmem:s29+$0x15F0];
	v9 =	vadd.f32 v45, v9;
	v58 =	vmul.f32 v57, v47  }
0x135: {  	v4 =	vmul.f32 v29, v21;
	vm12 =	vlt.s32 v14, s21;
	vm5 =	vlt.s32 v26, s21;
	v18 =	vld.idx.msk [tilespmem:v26+s5+$0x0], $0xffff  }
0x136: {  	v10 =	vnsel vm5, $0x0, v10;
	vm13 =	vlt.s32 v36, s21;
	v36 =	vld [tilespmem:s29+$0x55F0];
	v9 =	vadd.f32 v58, v9  }
0x137: {  	vm9 =	vlt.s32 v62, s21;
	v35 =	vnsel vm13, $0x0, v61;
	v12 =	vadd.f32 v19, v12;
	v19 =	vld.idx.msk [tilespmem:v16+s5+$0x0], $0xffff  }
0x138: {  	v7 =	vadd.f32 v7, v9;
	v9 =	vld [tilespmem:s29+$0x5640];
	v46 =	vmul.f32 v35, v56;
	v56 =	vnsel vm15, $0x0, v52  }
0x139: {  	v61 =	vnsel vm6, $0x0, v17;
	vm13 =	vlt.s32 v37, s21;
	v35 =	vld [tilespmem:s29+$0x5630];
	v41 =	vmul.f32 v56, v53  }
0x13a: {  	v50 =	vnsel vm14, $0x0, v43;
	v6 =	vmul.f32 v61, v6;
	v52 =	vld [tilespmem:s29+$0x5660];
	v8 =	vadd.f32 v46, v8  }
0x13b: {  	v12 =	vadd.f32 v13, v12;
	vm6 =	vlt.s32 v36, s21;
	v56 =	vld [tilespmem:s29+$0x1640];
	v11 =	vadd.f32 v41, v11  }
0x13c: {  	vm4 =	vlt.s32 v16, s21;
	v57 =	vnsel vm6, $0x0, v59;
	v59 =	vld [tilespmem:s29+$0x1650];
	v8 =	vadd.f32 v28, v8  }
0x13d: {  	v6 =	vadd.f32 v6, v12;
	v46 =	vld.idx.msk [tilespmem:v62+s5+$0x0], $0xffff;
	v1 =	vadd.f32 v1, v11;
	v11 =	vmul.f32 v32, v30  }
0x13e: {  	vm14 =	vlt.s32 v55, s21;
	v4 =	vadd.f32 v4, v8;
	v8 =	vnsel vm11, $0x0, v48;
	v48 =	vld [tilespmem:s29+$0x5650]  }
0x13f: {  	v60 =	vld.idx.msk [tilespmem:v36+s5+$0x0], $0xffff;
	v6 =	vadd.f32 v11, v6;
	v8 =	vmul.f32 v8, v44;
	v11 =	vnsel vm12, $0x0, v38  }
0x140: {  	v47 =	vnsel vm13, $0x0, v24;
	v10 =	vmul.f32 v10, v18;
	v41 =	vld [tilespmem:s29+$0x1620];
	v11 =	vmul.f32 v11, v25  }
0x141: {  	vm15 =	vlt.s32 v23, s21;
	v28 =	vld.idx.msk [tilespmem:v3+s5+$0x0], $0xffff;
	v1 =	vadd.f32 v8, v1;
	v8 =	vmul.f32 v47, v39  }
0x142: {  	vm10 =	vlt.s32 v35, s21;
	v3 =	vld.idx.msk [tilespmem:v9+s5+$0x0], $0xffff;
	v7 =	vadd.f32 v11, v7;
	v11 =	vmul.f32 v50, v22  }
0x143: {  	vm11 =	vlt.s32 v9, s21;
	v9 =	vld.idx.msk [tilespmem:v55+s5+$0x0], $0xffff;
	v4 =	vadd.f32 v8, v4;
	v8 =	vnsel vm15, $0x0, v27  }
0x144: {  	v54 =	vld.idx.msk [tilespmem:v35+s5+$0x0], $0xffff;
	v6 =	vadd.f32 v11, v6;
	v11 =	vnsel vm4, $0x0, v49;
	v8 =	vmul.f32 v8, v34  }
0x145: {  	vm13 =	vlt.s32 v52, s21;
	v11 =	vmul.f32 v11, v19;
	v4 =	vadd.f32 v10, v4;
	v10 =	vld [tilespmem:s29+$0x1660]  }
0x146: {  	v61 =	vnsel vm11, $0x0, v56;
	v0 =	vmul.f32 v0, v28;
	v1 =	vadd.f32 v8, v1;
	v8 =	vld.idx.msk [tilespmem:v48+s5+$0x0], $0xffff  }
0x147: {  	v58 =	vmul.f32 v57, v60;
	v5 =	vnsel vm9, $0x0, v41;
	v7 =	vadd.f32 v11, v7;
	v11 =	vld [tilespmem:s29+$0x1670]  }
0x148: {  	v60 =	vnsel vm10, $0x0, v51;
	v0 =	vadd.f32 v0, v1;
	v1 =	vnsel vm8, $0x0, v2;
	v2 =	vld.idx.msk [tilespmem:v52+s5+$0x0], $0xffff  }
0x149: {  	v5 =	vmul.f32 v5, v46;
	vm12 =	vlt.s32 v48, s21;
	v3 =	vmul.f32 v61, v3  }
0x14a: {  	v62 =	vnsel vm12, $0x0, v59;
	v12 =	vmul.f32 v60, v54;
	v1 =	vmul.f32 v1, v40  }
0x14b: {  	v6 =	vadd.f32 v58, v6;
	v4 =	vadd.f32 v5, v4;
	v10 =	vnsel vm13, $0x0, v10  }
0x14c: {  	v1 =	vadd.f32 v1, v7;
	v5 =	vmul.f32 v62, v8;
	v63 =	vnsel vm14, $0x0, v11  }
0x14d: {  	v6 =	vadd.f32 v12, v6;
	v2 =	vmul.f32 v10, v2;
	v7 =	vmul.f32 v63, v9  }
0x14e: {  	v0 =	vadd.f32 v3, v0;
	v1 =	vadd.f32 v5, v1  }
0x14f: {  	v2 =	vadd.f32 v2, v4;
	v3 =	vadd.f32 v7, v6;
	_ =	sdelay $0x1  }
0x150: {  	v0 =	vadd.f32 v1, v0;
	v1 =	vadd.f32 v3, v2;
	_ =	sdelay $0x1  }
0x151: {  	v0 =	vadd.f32 v1, v0;
	_ =	sdelay $0x1  }
0x152: {  	v1 =	vmul.f32 $-4.900000100e+00, v0;
	_ =	sdelay $0x1  }
0x153: {  	v1 =	vmul.f32 $1.442695020e+00, v1;
	_ =	sdelay $0x1  }
0x154: {  	(erf) = vpow2.f32 v1;
	_ =	sdelay $0x8  }
0x155: {  	v1 =	vpop (erf)  }
0x156: {  	v1 =	vadd.f32 $1.000000000e+00, v1;
	_ =	sdelay $0x1  }
0x157: {  	(erf) = vrcp.f32 v1;
	_ =	sdelay $0x3  }
0x158: {  	s0 =	sand.u32 $0xF, s22;
	v53 =	vlaneseq.u32  }
0x159: {  	s3 =	sshra.s32 s22, $0x1F;
	p0 =	slt.s32 s22, $0x1;
	p1 =	sne.s32 s0, $0x0;
	v1 =	vadd.s32 s21, v53  }
0x15a: {  	s31 =	sshrl.u32 s3, $0x1C;
	p0 =	por !p0, !p1  }
0x15b: {  	s3 =	simm.s32 $0x1;
	s0 =	sadd.s32 s31, s22;
	p0 =	por !p0, !p0  }
0x15c: {  	s0 =	sshrl.u32 s0, $0x4;
	s3 =	simm.s32 @!p0 $0x0  }
0x15d: {  	s0 =	ssub.s32 s0, s3;
	v2 =	vpop (erf)  }
0x15e: {  	s0 =	sshll.u32 s0, $0x4;
	[tilespmem:v1+s5+$0x0] =	vst.idx.msk $0xffff, v2  }
0x15f: {  	v2 =	vld [tilespmem:s0+$0x11280];
	_ =	sdelay $0x1  }
0x160: {  	s0 =	ssub.s32 s22, s0  }
0x161: {  	v3 =	vmov s0  }
0x162: {  	vm15 =	veq.s32 v3, v53  }
0x163: {  	v2 =	vnsel vm15, $0x0, v2  }
0x164: {  	(xrf0) =	vadd.scan.msk.s32 $0xffff, v2;
	_ =	sdelay $0x5  }
0x165: {  	v2, _, _ =	vpop (xrf0)  }
0x166: {  	(v2sf) =	vpush v2, $0xF;
	_ =	sdelay $0xe  }
0x167: {  	s29 =	spop (v2sf)  }
0x168: {  	p0 =	slt.s32 s29, $0x1  }
.Ltmp8:
0x169: {  	_ = 	snop;
	(pc) =	sbr.rel @p0 .LBB2_16-.Ltmp8, $2  }
0x16a: {  	_ =	sdelay $0x2  }
0x16b: {  	v11 =	vimm.s32 $0x0  }
0x16c: {  	s0 =	sshll.u32 s29, $0x6  }
0x16d: {  	s0 =	ssub.s32 $0x0, s0  }
0x16e: {  	s0 =	sshra.s32 s0, $0x2  }
0x16f: {  	v2 =	vmov s21;
	s30 =	sadd.s32 s0, s26;
	s0 =	sadd.s32 s0, s28  }
.LBB2_9:
0x170: {  	p1 =	sne.s32 s29, $0x1  }
.Ltmp9:
0x171: {  	_ = 	snop;
	(pc) =	sbr.rel @!p1 .LBB2_10-.Ltmp9, $3  }
0x172: {  	_ =	sdelay $0x1  }
0x173: {  	v4 =	vld [tilespmem:s30+$0x0]  }
0x174: {  	v3 =	vld.idx.msk [tilespmem:v1+s5+$0x0], $0xffff;
	s9 =	sadd.s32 $0xFFFFFFFF, s29;
	p0 =	por $0x0, $0x0  }
0x175: {  	_ =	sdelay $0x1  }
0x176: {  	p1 =	sne.s32 s9, $0x1  }
.Ltmp10:
0x177: {  	_ = 	snop;
	(pc) =	sbr.rel @!p1 .LBB2_12-.Ltmp10, $4  }
0x178: {  	_ = 	snop  }
0x179: {  	s3 =	sadd.s32 $0x10, s30  }
0x17a: {  	v7 =	vld [tilespmem:s3+$0x0]  }
0x17b: {  	s9 =	sadd.s32 $0xFFFFFFFF, s9;
	p0 =	por $0x1, $0x1;
	s31 =	smov.u32 s0;
	v5 =	vmov v0;
	v6 =	vld.idx.msk [tilespmem:v4+s5+$0x0], $0xffff  }
.LBB2_13:
0x17c: {  	p1 =	sne.s32 s9, $0x1;
	v8 =	vld [tilespmem:s31+$0x0];
	_ =	sdelay $0x2  }
0x17d: {  	vm0 =	vlt.s32 v4, v1  }
.Ltmp11:
0x17e: {  	v6 =	vnsel vm0, $0x3F800000, v6;
	(pc) =	sbr.rel @p1 .LBB2_13-.Ltmp11, $4  }
0x17f: {  	v8 =	vmul.f32 v6, v8  }
0x180: {  	vm0 =	vlt.s32 v4, v2;
	v4 =	vmov v7  }
0x181: {  	s3 =	sadd.s32 $0x10, s3;
	v6 =	vld.idx.msk [tilespmem:v7+s5+$0x0], $0xffff;
	v8 =	vsel vm0, $0x0, v8  }
0x182: {  	s9 =	sadd.s32 $0xFFFFFFFF, s9;
	s31 =	sadd.s32 $0x10, s31;
	v7 =	vld [tilespmem:s3+$0x0];
	v5 =	vadd.f32 v8, v5  }
0x183: {  	_ =	sdelay $0x3  }
0x184: {  	v8 =	vmov v4;
	v4 =	vmov v7  }
.LBB2_15:
0x185: {  	_ =	sdelay $0x1  }
0x186: {  	v7 =	vld @p0 [tilespmem:s31+$0x0]  }
0x187: {  	s3 =	sadd.s32 @p0 $0x10, s31;
	s9 =	smov.u32 s0  }
0x188: {  	v9 =	vld.idx.msk [tilespmem:v4+s5+$0x0], $0xffff;
	s9 =	smov.u32 @p0 s3  }
0x189: {  	vm0 =	vlt.s32 @p0 v8, v1;
	v10 =	vld [tilespmem:s9+$0x0]  }
0x18a: {  	v6 =	vnsel @p0 vm0, $0x3F800000, v6  }
0x18b: {  	v6 =	vmul.f32 @p0 v6, v7  }
0x18c: {  	vm1 =	vlt.s32 v4, v1;
	vm0 =	vlt.s32 @p0 v8, v2  }
0x18d: {  	v60 =	vnsel vm1, $0x3F800000, v9;
	v6 =	vsel @p0 vm0, $0x0, v6  }
0x18e: {  	v61 =	vmul.f32 v60, v10;
	v5 =	vadd.f32 @p0 v6, v5  }
0x18f: {  	vm13 =	vlt.s32 v4, v2  }
0x190: {  	v63 =	vsel vm13, $0x0, v61;
	v62 =	vpsel p0, v5, v0  }
0x191: {  	v4 =	vadd.f32 v63, v62;
	_ =	sdelay $0x1  }
0x192: {  	v4 =	vmul.f32 $-4.900000100e+00, v4;
	_ =	sdelay $0x1  }
0x193: {  	v4 =	vmul.f32 $1.442695020e+00, v4;
	_ =	sdelay $0x1  }
0x194: {  	(erf) = vpow2.f32 v4;
	_ =	sdelay $0x8  }
0x195: {  	v4 =	vpop (erf)  }
0x196: {  	v4 =	vadd.f32 $1.000000000e+00, v4;
	_ =	sdelay $0x1  }
0x197: {  	(erf) = vrcp.f32 v4;
	_ =	sdelay $0x8  }
0x198: {  	v4 =	vpop (erf)  }
0x199: {  	vm14 =	vlt.f32 v4, v3;
	vm15 =	vgt.f32 v4, v3  }
0x19a: {  	vm0 =	vmor vm15, vm14  }
0x19b: {  	v3 =	vsel vm0, $0x1, v11  }
0x19c: {  	(xrf0) =	vadd.scan.msk.s32 $0xffff, v3;
	_ =	sdelay $0x5  }
0x19d: {  	v3, _, _ =	vpop (xrf0)  }
0x19e: {  	(v2sf) =	vpush v3, $0xF;
	_ =	sdelay $0xe  }
0x19f: {  	s31 =	spop (v2sf)  }
0x1a0: {  	p0 =	sgt.s32 s31, $0x0  }
.Ltmp12:
0x1a1: {  	_ = 	snop;
	(pc) =	sbr.rel @p0 .LBB2_9-.Ltmp12, $4  }
.Ltmp13:
0x1a2: {  	_ = 	snop;
	(pc) =	sbr.rel @!p0 .LBB2_16-.Ltmp13, $4  }
0x1a3: {  	_ = 	snop  }
0x1a4: {  	_ = 	snop  }
0x1a5: {  	[tilespmem:v1+s5+$0x0] =	vst.idx.msk $0xffff, v4  }
0x1a6: {  	_ = 	snop  }
.LBB2_10:
.Ltmp14:
0x1a7: {  	(pc) =	sbr.rel .LBB2_15-.Ltmp14, $2  }
0x1a8: {  	_ =	sdelay $0x2  }
0x1a9: {  	s31 =	smov.u32 s0;
	v5 =	vmov v0  }
.LBB2_12:
.Ltmp15:
0x1aa: {  	(pc) =	sbr.rel .LBB2_15-.Ltmp15, $2  }
0x1ab: {  	_ =	sdelay $0x2  }
0x1ac: {  	v8 =	vmov v4;
	s31 =	smov.u32 s0;
	v5 =	vmov v0;
	v4 =	vmov v7  }
.LBB2_17:
0x1ad: {  	_ =	swait.ge [sflag:s17], $0x4000  }
0x1ae: {  	p0 =	seq.s32 s23, $0x7;
	[sflag:s17] =	ssyncset.done $0x0  }
0x1af: {  	s23 =	sadd.s32 $0x1, s23;
	s25 =	simm.s32 $0xD680;
	[sflag:s17] =	ssyncadd.s32 $0xFFFFC000  }
0x1b0: {  	s26 =	simm.s32 $0x9680;
	s0 =	sadd.s32 @!p0 $0x1000, s24;
	_ =	swait.ge [sflag:s18], $0x4000  }
.Ltmp16:
0x1b1: {  	s9 =	simm.s32 @!p0 $0x0;
	[sflag:s18] =	ssyncset.done $0x0;
	(pc) =	sbr.rel .LBB2_18-.Ltmp16, $4  }
0x1b2: {  	s24 =	simm.s32 @!p0 $0x1280;
	s3 =	sadd.s32 @!p0 s6, s0;
	[sflag:s18] =	ssyncadd.s32 $0xFFFFC000  }
0x1b3: {  	[tilespmem:s24], [sflag:$0x1] =	stream.linear.gather @!p0 [hbm4b:s3+s9], $0x4000, $0x38;
	[tilespmem:$0x11400] =	vst v63  }
0x1b4: {  	s0 =	sadd.s32 @!p0 s2, s0;
	s3 =	simm.s32 @!p0 $0x5280;
	s24 =	simm.s32 $0x0  }
0x1b5: {  	[tilespmem:s3], [sflag:$0x2] =	stream.linear.gather @!p0 [hbm4b:s0+s9], $0x4000, $0x38;
	[tilespmem:$0x11400] =	vst v63  }
.LBB2_27:
0x1b6: {  	s24 =	sadd.s32 $0x1, s24  }
0x1b7: {  	p0 =	seq.s32 s24, $0x10  }
.Ltmp17:
0x1b8: {  	_ = 	snop;
	(pc) =	sbr.rel @p0 .LBB2_5-.Ltmp17, $3  }
0x1b9: {  	_ =	sdelay $0x1  }
0x1ba: {  	s21 =	sadd.s32 $0x10, s21  }
0x1bb: {  	s22 =	sadd.s32 $0x1, s22;
	s25 =	sadd.s32 $0x400, s25;
	s26 =	sadd.s32 $0x400, s26  }
.LBB2_18:
0x1bc: {  	s28 =	sshll.u32 s24, $0xA  }
0x1bd: {  	v3 =	vld [tilespmem:s28+$0xD280]  }
0x1be: {  	v10 =	vld [tilespmem:s28+$0xD290]  }
0x1bf: {  	v18 =	vld [tilespmem:s28+$0xD2A0]  }
0x1c0: {  	v33 =	vld [tilespmem:s28+$0x9280]  }
0x1c1: {  	v47 =	vld [tilespmem:s28+$0xD2B0]  }
0x1c2: {  	v7 =	vld [tilespmem:s28+$0x9290]  }
0x1c3: {  	v50 =	vld [tilespmem:s28+$0xD2C0]  }
0x1c4: {  	v8 =	vld [tilespmem:s28+$0x92A0]  }
0x1c5: {  	v48 =	vld [tilespmem:s28+$0xD2D0]  }
0x1c6: {  	v12 =	vld [tilespmem:s28+$0x92B0]  }
0x1c7: {  	v38 =	vld [tilespmem:s28+$0xD2E0]  }
0x1c8: {  	v2 =	vld [tilespmem:s28+$0x92C0]  }
0x1c9: {  	v44 =	vld [tilespmem:s28+$0xD2F0]  }
0x1ca: {  	v17 =	vld [tilespmem:s28+$0x92D0]  }
0x1cb: {  	v35 =	vld [tilespmem:s28+$0xD300]  }
0x1cc: {  	v13 =	vld [tilespmem:s28+$0x92E0]  }
0x1cd: {  	v40 =	vld [tilespmem:s28+$0xD310]  }
0x1ce: {  	v41 =	vld [tilespmem:s28+$0x92F0]  }
0x1cf: {  	v53 =	vld [tilespmem:s28+$0xD320]  }
0x1d0: {  	v37 =	vld [tilespmem:s28+$0x9300]  }
0x1d1: {  	v58 =	vld [tilespmem:s28+$0xD330]  }
0x1d2: {  	v54 =	vld [tilespmem:s28+$0x9310]  }
0x1d3: {  	v28 =	vld [tilespmem:s28+$0xD340]  }
0x1d4: {  	v51 =	vld [tilespmem:s28+$0x9320]  }
0x1d5: {  	v31 =	vld [tilespmem:s28+$0xD350]  }
0x1d6: {  	v52 =	vld [tilespmem:s28+$0x9330]  }
0x1d7: {  	v15 =	vld [tilespmem:s28+$0xD360]  }
0x1d8: {  	v0 =	vld [tilespmem:s28+$0x9340]  }
0x1d9: {  	v1 =	vld [tilespmem:s28+$0x9350]  }
0x1da: {  	v5 =	vld [tilespmem:s28+$0xD380]  }
0x1db: {  	v30 =	vld [tilespmem:s28+$0xD390]  }
0x1dc: {  	v14 =	vld [tilespmem:s28+$0xD3A0]  }
0x1dd: {  	v21 =	vld [tilespmem:s28+$0xD3B0]  }
0x1de: {  	v27 =	vld [tilespmem:s28+$0xD3C0]  }
0x1df: {  	v59 =	vld [tilespmem:s28+$0xD3D0]  }
0x1e0: {  	v60 =	vld [tilespmem:s28+$0xD3E0]  }
0x1e1: {  	v57 =	vld [tilespmem:s28+$0xD3F0]  }
0x1e2: {  	v55 =	vld [tilespmem:s28+$0xD400]  }
0x1e3: {  	v45 =	vld [tilespmem:s28+$0xD410]  }
0x1e4: {  	v46 =	vld [tilespmem:s28+$0xD420]  }
0x1e5: {  	v16 =	vld [tilespmem:s28+$0x9410]  }
0x1e6: {  	v43 =	vld [tilespmem:s28+$0x9420]  }
0x1e7: {  	v23 =	vld [tilespmem:s28+$0x9430]  }
0x1e8: {  	v36 =	vld [tilespmem:s28+$0x9440]  }
0x1e9: {  	v24 =	vld [tilespmem:s28+$0xD470]  }
0x1ea: {  	v19 =	vld [tilespmem:s28+$0xD480]  }
0x1eb: {  	v25 =	vld [tilespmem:s28+$0x9470]  }
0x1ec: {  	v26 =	vld [tilespmem:s28+$0x9480]  }
0x1ed: {  	v29 =	vld [tilespmem:s28+$0x9490]  }
0x1ee: {  	[tilespmem:$0x1FB20] =	vst v43;
	v43 =	vld [tilespmem:s28+$0xD450]  }
0x1ef: {  	[tilespmem:$0x1FB40] =	vst v23;
	v23 =	vld [tilespmem:s28+$0xD460]  }
0x1f0: {  	[tilespmem:$0x1FB00] =	vst v16;
	v16 =	vld [tilespmem:s28+$0xD490]  }
0x1f1: {  	v4 =	vld.idx.msk [tilespmem:v3+s5+$0x0], $0xffff  }
0x1f2: {  	v9 =	vld.idx.msk [tilespmem:v10+s5+$0x0], $0xffff  }
0x1f3: {  	v11 =	vld.idx.msk [tilespmem:v18+s5+$0x0], $0xffff  }
0x1f4: {  	v20 =	vld.idx.msk [tilespmem:v47+s5+$0x0], $0xffff  }
0x1f5: {  	v6 =	vld.idx.msk [tilespmem:v50+s5+$0x0], $0xffff  }
0x1f6: {  	v32 =	vld.idx.msk [tilespmem:v48+s5+$0x0], $0xffff  }
0x1f7: {  	v22 =	vld.idx.msk [tilespmem:v38+s5+$0x0], $0xffff  }
0x1f8: {  	v49 =	vld.idx.msk [tilespmem:v44+s5+$0x0], $0xffff  }
0x1f9: {  	v42 =	vld.idx.msk [tilespmem:v35+s5+$0x0], $0xffff  }
0x1fa: {  	v62 =	vld.idx.msk [tilespmem:v40+s5+$0x0], $0xffff  }
0x1fb: {  	v56 =	vld.idx.msk [tilespmem:v53+s5+$0x0], $0xffff  }
0x1fc: {  	v61 =	vld.idx.msk [tilespmem:v58+s5+$0x0], $0xffff  }
0x1fd: {  	[tilespmem:$0x1F960] =	vst v0;
	v0 =	vld.idx.msk [tilespmem:v28+s5+$0x0], $0xffff  }
0x1fe: {  	[tilespmem:$0x1F980] =	vst v1;
	v1 =	vld.idx.msk [tilespmem:v31+s5+$0x0], $0xffff  }
0x1ff: {  	v39 =	vld.idx.msk [tilespmem:v45+s5+$0x0], $0xffff  }
0x200: {  	v63 =	vld.idx.msk [tilespmem:v46+s5+$0x0], $0xffff  }
0x201: {  	[tilespmem:$0x1FBC0] =	vst v25;
	v25 =	vld.idx.msk [tilespmem:v24+s5+$0x0], $0xffff  }
0x202: {  	[tilespmem:$0x1FBE0] =	vst v26;
	v26 =	vld.idx.msk [tilespmem:v19+s5+$0x0], $0xffff  }
0x203: {  	vm14 =	vlt.s32 v18, s21;
	v18 =	vld [tilespmem:s28+$0xD510]  }
0x204: {  	vm9 =	vlt.s32 v40, s21;
	v40 =	vld [tilespmem:s28+$0xD530]  }
0x205: {  	[tilespmem:$0x1F990] =	vst v1;
	v1 =	vld [tilespmem:s28+$0x9360]  }
0x206: {  	vm12 =	vlt.s32 v31, s21;
	v31 =	vld [tilespmem:s28+$0x9520]  }
0x207: {  	[tilespmem:$0x1F970] =	vst v0;
	v0 =	vld [tilespmem:s28+$0xD370]  }
0x208: {  	[tilespmem:$0x1FC00] =	vst v29;
	v29 =	vld.idx.msk [tilespmem:v16+s5+$0x0], $0xffff  }
0x209: {  	[tilespmem:$0x1FB10] =	vst v39;
	v39 =	vld [tilespmem:s28+$0xD440]  }
0x20a: {  	[tilespmem:$0x1F9A0] =	vst v1;
	v1 =	vld.idx.msk [tilespmem:v15+s5+$0x0], $0xffff  }
0x20b: {  	[tilespmem:$0x1FB50] =	vst v36;
	v36 =	vld.idx.msk [tilespmem:v43+s5+$0x0], $0xffff  }
0x20c: {  	[tilespmem:$0x1FBD0] =	vst v25;
	v25 =	vld [tilespmem:s28+$0xD4A0]  }
0x20d: {  	[tilespmem:$0x1FC10] =	vst v29;
	v29 =	vld [tilespmem:s28+$0xD4C0]  }
0x20e: {  	vm0 =	vlt.s32 v3, s21;
	[tilespmem:$0x1FBF0] =	vst v26;
	v26 =	vld [tilespmem:s28+$0xD4B0]  }
0x20f: {  	vm1 =	vlt.s32 v10, s21;
	v10 =	vnsel vm0, $0x0, v33;
	[tilespmem:$0x1F9B0] =	vst v1;
	v1 =	vld [tilespmem:s28+$0x9370]  }
0x210: {  	vm15 =	vlt.s32 v50, s21;
	v7 =	vnsel vm1, $0x0, v7;
	v4 =	vmul.f32 v10, v4;
	v10 =	vld [tilespmem:s28+$0xD500]  }
0x211: {  	vm4 =	vlt.s32 v47, s21;
	v8 =	vnsel vm14, $0x0, v8;
	v7 =	vmul.f32 v7, v9;
	v9 =	vld [tilespmem:s28+$0x94E0]  }
0x212: {  	v2 =	vnsel vm15, $0x0, v2;
	v33 =	vnsel vm4, $0x0, v12;
	v8 =	vmul.f32 v8, v11;
	v11 =	vld [tilespmem:s28+$0x94F0]  }
0x213: {  	v2 =	vmul.f32 v2, v6;
	v6 =	vmul.f32 v33, v20;
	v33 =	vld [tilespmem:s28+$0xD520]  }
0x214: {  	[tilespmem:$0x1F9C0] =	vst v1;
	v1 =	vld.idx.msk [tilespmem:v0+s5+$0x0], $0xffff  }
0x215: {  	vm5 =	vlt.s32 v48, s21;
	v4 =	vadd.f32 $0.0e+00, v4;
	v3 =	vld.idx.msk [tilespmem:v29+s5+$0x0], $0xffff  }
0x216: {  	vm8 =	vlt.s32 v35, s21;
	v47 =	vnsel vm5, $0x0, v17;
	v35 =	vld [tilespmem:$0x1F990]  }
0x217: {  	v2 =	vadd.f32 v2, v4;
	v4 =	vmul.f32 v47, v32;
	v32 =	vld [tilespmem:$0x1F960]  }
0x218: {  	[tilespmem:$0x1FB90] =	vst v36;
	v36 =	vld.idx.msk [tilespmem:v25+s5+$0x0], $0xffff  }
0x219: {  	[tilespmem:$0x1F9D0] =	vst v1;
	v1 =	vld [tilespmem:s28+$0x9380]  }
0x21a: {  	[tilespmem:$0x1FC70] =	vst v3;
	v3 =	vld [tilespmem:s28+$0xD4F0]  }
0x21b: {  	vm7 =	vlt.s32 v44, s21;
	vm13 =	vlt.s32 v15, s21;
	v7 =	vadd.f32 $0.0e+00, v7;
	v15 =	vld [tilespmem:s28+$0x9530]  }
0x21c: {  	v48 =	vnsel vm7, $0x0, v41;
	[tilespmem:$0x1FB30] =	vst v63;
	v63 =	vld.idx.msk [tilespmem:v39+s5+$0x0], $0xffff  }
0x21d: {  	v4 =	vadd.f32 v4, v7;
	v7 =	vmul.f32 v48, v49;
	v49 =	vld.idx.msk [tilespmem:v18+s5+$0x0], $0xffff  }
0x21e: {  	[tilespmem:$0x1F9E0] =	vst v1;
	v1 =	vld.idx.msk [tilespmem:v5+s5+$0x0], $0xffff  }
0x21f: {  	[tilespmem:$0x1FC40] =	vst v36;
	v36 =	vld [tilespmem:s28+$0x94B0]  }
0x220: {  	vm10 =	vlt.s32 v53, s21;
	v53 =	vld.idx.msk [tilespmem:v10+s5+$0x0], $0xffff  }
0x221: {  	[tilespmem:$0x1FB70] =	vst v63;
	v63 =	vld [tilespmem:s28+$0x9460]  }
0x222: {  	[tilespmem:$0x1FCA0] =	vst v11;
	v11 =	vld.idx.msk [tilespmem:v3+s5+$0x0], $0xffff  }
0x223: {  	[tilespmem:$0x1F9F0] =	vst v1;
	v1 =	vld [tilespmem:s28+$0x9390]  }
0x224: {  	[tilespmem:$0x1FC30] =	vst v36;
	v36 =	vld [tilespmem:s28+$0xD4E0]  }
0x225: {  	vm11 =	vlt.s32 v28, s21;
	v28 =	vld.idx.msk [tilespmem:v33+s5+$0x0], $0xffff  }
0x226: {  	[tilespmem:$0x1FBA0] =	vst v63;
	v63 =	vld.idx.msk [tilespmem:v26+s5+$0x0], $0xffff  }
0x227: {  	vm14 =	vlt.s32 v0, s21;
	v0 =	vld [tilespmem:$0x1F9A0];
	[tilespmem:$0x1FCB0] =	vst v11;
	v11 =	vnsel vm8, $0x0, v37  }
0x228: {  	v11 =	vmul.f32 v11, v42;
	[tilespmem:$0x1FA00] =	vst v1;
	v1 =	vld.idx.msk [tilespmem:v30+s5+$0x0], $0xffff  }
0x229: {  	vm6 =	vlt.s32 v38, s21;
	v38 =	vld [tilespmem:$0x1F9C0]  }
0x22a: {  	v2 =	vadd.f32 v11, v2;
	v11 =	vld [tilespmem:$0x1F970]  }
0x22b: {  	[tilespmem:$0x1FC60] =	vst v63;
	v63 =	vld [tilespmem:s28+$0x94C0]  }
0x22c: {  	v6 =	vadd.f32 $0.0e+00, v6;
	[tilespmem:$0x1FC80] =	vst v9;
	v9 =	vld.idx.msk [tilespmem:v36+s5+$0x0], $0xffff  }
0x22d: {  	[tilespmem:$0x1FA10] =	vst v1;
	v1 =	vld [tilespmem:s28+$0x93A0]  }
0x22e: {  	v6 =	vadd.f32 v7, v6;
	v7 =	vnsel vm11, $0x0, v32;
	v41 =	vld [tilespmem:$0x1F9D0]  }
0x22f: {  	vm15 =	vlt.s32 v5, s21;
	v5 =	vld.idx.msk [tilespmem:v40+s5+$0x0], $0xffff;
	v7 =	vmul.f32 v7, v11  }
0x230: {  	[tilespmem:$0x1FC50] =	vst v63;
	v63 =	vld [tilespmem:s28+$0x94D0]  }
0x231: {  	[tilespmem:$0x1FC90] =	vst v9;
	v7 =	vadd.f32 v7, v2;
	v2 =	vld [tilespmem:$0x1F9B0]  }
0x232: {  	v9 =	vnsel vm6, $0x0, v13;
	[tilespmem:$0x1FA20] =	vst v1;
	v1 =	vld.idx.msk [tilespmem:v14+s5+$0x0], $0xffff  }
0x233: {  	v8 =	vadd.f32 $0.0e+00, v8;
	v37 =	vnsel vm13, $0x0, v0;
	v0 =	vld [tilespmem:s28+$0xD550];
	v9 =	vmul.f32 v9, v22  }
0x234: {  	vm2 =	vlt.s32 v58, s21;
	v58 =	vnsel vm10, $0x0, v51;
	v44 =	vld [tilespmem:$0x1F9F0]  }
0x235: {  	v12 =	vmul.f32 v58, v56;
	vm13 =	vlt.s32 v46, s21;
	v46 =	vld [tilespmem:$0x1FBA0];
	v8 =	vadd.f32 v9, v8  }
0x236: {  	v9 =	vld [tilespmem:s28+$0x9500]  }
0x237: {  	v20 =	vnsel vm2, $0x0, v52;
	v8 =	vadd.f32 v12, v8;
	v2 =	vmul.f32 v37, v2;
	[tilespmem:$0x1FA40] =	vst v1;
	v1 =	vld [tilespmem:s28+$0x93B0]  }
0x238: {  	v22 =	vmul.f32 v20, v61;
	v20 =	vld [tilespmem:s28+$0x9560]  }
0x239: {  	v42 =	vadd.f32 v2, v8;
	v2 =	vld [tilespmem:$0x1F9E0]  }
0x23a: {  	v11 =	vld [tilespmem:$0x1F980]  }
0x23b: {  	[tilespmem:$0x1FCC0] =	vst v9;
	v9 =	vnsel vm9, $0x0, v54;
	v54 =	vld [tilespmem:s28+$0xD540]  }
0x23c: {  	[tilespmem:$0x1FA30] =	vst v1;
	v1 =	vld.idx.msk [tilespmem:v21+s5+$0x0], $0xffff  }
0x23d: {  	vm4 =	vlt.s32 v30, s21;
	v30 =	vld [tilespmem:s28+$0xD560]  }
0x23e: {  	v62 =	vmul.f32 v9, v62;
	v9 =	vld [tilespmem:s28+$0x9510];
	v2 =	vnsel vm15, $0x0, v2  }
0x23f: {  	v11 =	vnsel vm12, $0x0, v11;
	v47 =	vmul.f32 v2, v44;
	v2 =	vld [tilespmem:$0x1FA00]  }
0x240: {  	v4 =	vadd.f32 v62, v4;
	v11 =	vmul.f32 v11, v35;
	v8 =	vld [tilespmem:$0x1FA10]  }
0x241: {  	v6 =	vadd.f32 v22, v6;
	v12 =	vnsel vm14, $0x0, v38;
	[tilespmem:$0x1FA50] =	vst v1;
	v1 =	vld [tilespmem:s28+$0x93C0]  }
0x242: {  	vm12 =	vlt.s32 v45, s21;
	v45 =	vld [tilespmem:s28+$0x9590];
	v13 =	vadd.f32 v11, v4;
	v4 =	vmul.f32 v12, v41  }
0x243: {  	v11 =	vld.idx.msk [tilespmem:v54+s5+$0x0], $0xffff  }
0x244: {  	v6 =	vadd.f32 v4, v6;
	v4 =	vld [tilespmem:s28+$0x9540];
	v2 =	vnsel vm4, $0x0, v2  }
0x245: {  	v48 =	vmul.f32 v2, v8;
	v2 =	vld [tilespmem:$0x1FA20]  }
0x246: {  	[tilespmem:$0x1FA60] =	vst v1;
	v1 =	vld.idx.msk [tilespmem:v27+s5+$0x0], $0xffff  }
0x247: {  	v52 =	vld [tilespmem:$0x1FA40]  }
0x248: {  	v17 =	vadd.f32 v47, v7;
	v7 =	vld.idx.msk [tilespmem:v0+s5+$0x0], $0xffff  }
0x249: {  	vm5 =	vlt.s32 v14, s21;
	vm4 =	vlt.s32 v43, s21;
	v43 =	vld [tilespmem:s28+$0xD5B0]  }
0x24a: {  	v8 =	vnsel vm5, $0x0, v2;
	v2 =	vld [tilespmem:$0x1FA30]  }
0x24b: {  	[tilespmem:$0x1FA70] =	vst v1;
	v1 =	vld [tilespmem:s28+$0x93D0]  }
0x24c: {  	vm7 =	vlt.s32 v27, s21;
	v27 =	vld.idx.msk [tilespmem:v30+s5+$0x0], $0xffff  }
0x24d: {  	vm6 =	vlt.s32 v21, s21;
	v21 =	vmul.f32 v8, v52;
	v8 =	vld [tilespmem:$0x1FA50]  }
0x24e: {  	v52 =	vld [tilespmem:$0x1FB00]  }
0x24f: {  	v51 =	vnsel vm6, $0x0, v2;
	v2 =	vld [tilespmem:s28+$0xD570]  }
0x250: {  	[tilespmem:$0x1FA80] =	vst v1;
	v1 =	vld.idx.msk [tilespmem:v59+s5+$0x0], $0xffff  }
0x251: {  	vm6 =	vlt.s32 v24, s21;
	v24 =	vld [tilespmem:s28+$0x95A0]  }
0x252: {  	v14 =	vmul.f32 v51, v8;
	v8 =	vld [tilespmem:$0x1FA60]  }
0x253: {  	v58 =	vld [tilespmem:$0x1FA70]  }
0x254: {  	v62 =	vadd.f32 v14, v6;
	v6 =	vld [tilespmem:s28+$0xD580]  }
0x255: {  	[tilespmem:$0x1FA90] =	vst v1;
	v1 =	vld [tilespmem:s28+$0x93E0]  }
0x256: {  	vm8 =	vlt.s32 v59, s21;
	v59 =	vld [tilespmem:$0x1FB50]  }
0x257: {  	v56 =	vnsel vm7, $0x0, v8;
	v8 =	vld [tilespmem:s28+$0x9550]  }
0x258: {  	v35 =	vld [tilespmem:$0x1FA80]  }
0x259: {  	v61 =	vmul.f32 v56, v58;
	v56 =	vld [tilespmem:$0x1FB20]  }
0x25a: {  	[tilespmem:$0x1FAA0] =	vst v1;
	v1 =	vld.idx.msk [tilespmem:v60+s5+$0x0], $0xffff  }
0x25b: {  	v58 =	vld [tilespmem:$0x1FB40]  }
0x25c: {  	v37 =	vld [tilespmem:$0x1FA90]  }
0x25d: {  	v17 =	vadd.f32 v61, v17;
	v61 =	vld [tilespmem:$0x1FB70]  }
0x25e: {  	v38 =	vld [tilespmem:$0x1FAA0]  }
0x25f: {  	[tilespmem:$0x1FAB0] =	vst v1;
	v1 =	vld [tilespmem:s28+$0x93F0]  }
0x260: {  	v14 =	vnsel vm8, $0x0, v35;
	vm8 =	vlt.s32 v16, s21;
	v16 =	vld [tilespmem:s28+$0xD5D0]  }
0x261: {  	v22 =	vmul.f32 v14, v37;
	v37 =	vld [tilespmem:s28+$0x9570]  }
0x262: {  	vm9 =	vlt.s32 v60, s21;
	v41 =	vld [tilespmem:$0x1FAB0]  }
0x263: {  	v14 =	vnsel vm9, $0x0, v38;
	v38 =	vld [tilespmem:s28+$0xD5A0]  }
0x264: {  	[tilespmem:$0x1FAC0] =	vst v1;
	v1 =	vld.idx.msk [tilespmem:v57+s5+$0x0], $0xffff  }
0x265: {  	vm9 =	vlt.s32 v25, s21;
	v25 =	vld.idx.msk [tilespmem:v43+s5+$0x0], $0xffff  }
0x266: {  	vm10 =	vlt.s32 v57, s21;
	v57 =	vld [tilespmem:$0x1FB30]  }
0x267: {  	v12 =	vadd.f32 v21, v42;
	v42 =	vld [tilespmem:$0x1FAC0]  }
0x268: {  	v32 =	vmul.f32 v14, v41;
	v14 =	vld [tilespmem:s28+$0xD590]  }
0x269: {  	[tilespmem:$0x1FAD0] =	vst v1;
	v1 =	vld [tilespmem:s28+$0x9400]  }
0x26a: {  	v41 =	vld [tilespmem:s28+$0x9580]  }
0x26b: {  	v47 =	vld [tilespmem:$0x1FAD0]  }
0x26c: {  	vm15 =	vlt.s32 v39, s21;
	v44 =	vnsel vm10, $0x0, v42;
	vm10 =	vlt.s32 v26, s21;
	v26 =	vld [tilespmem:s28+$0xD5E0]  }
0x26d: {  	v42 =	vnsel vm15, $0x0, v59;
	v59 =	vld [tilespmem:$0x1FC30]  }
0x26e: {  	[tilespmem:$0x1FAE0] =	vst v1;
	v1 =	vld.idx.msk [tilespmem:v55+s5+$0x0], $0xffff  }
0x26f: {  	v13 =	vadd.f32 v48, v13;
	vm15 =	vlt.s32 v10, s21;
	v10 =	vld [tilespmem:s28+$0x95E0]  }
0x270: {  	v42 =	vmul.f32 v42, v61;
	v61 =	vld [tilespmem:$0x1FC50]  }
0x271: {  	vm11 =	vlt.s32 v55, s21;
	v13 =	vadd.f32 v22, v13;
	v55 =	vld [tilespmem:$0x1FB10];
	v22 =	vmul.f32 v44, v47  }
0x272: {  	v48 =	vld [tilespmem:$0x1FAE0]  }
0x273: {  	v21 =	vadd.f32 v22, v62;
	v22 =	vnsel vm12, $0x0, v52;
	v52 =	vld [tilespmem:$0x1FBE0];
	[tilespmem:$0x1FAF0] =	vst v1  }
0x274: {  	v51 =	vld [tilespmem:$0x1FAF0]  }
0x275: {  	v1 =	vld [tilespmem:s28+$0xD430]  }
0x276: {  	v22 =	vmul.f32 v22, v55;
	v55 =	vld [tilespmem:$0x1FBF0]  }
0x277: {  	v35 =	vnsel vm11, $0x0, v48;
	v48 =	vld [tilespmem:$0x1FBC0]  }
0x278: {  	vm11 =	vlt.s32 v29, s21;
	v29 =	vld [tilespmem:s28+$0x95C0]  }
0x279: {  	v12 =	vadd.f32 v32, v12;
	v32 =	vmul.f32 v35, v51;
	v35 =	vld.idx.msk [tilespmem:v2+s5+$0x0], $0xffff  }
0x27a: {  	vm14 =	vlt.s32 v1, s21;
	v51 =	vld [tilespmem:$0x1FBD0]  }
0x27b: {  	v39 =	vnsel vm14, $0x0, v58;
	vm14 =	vlt.s32 v3, s21;
	v3 =	vld [tilespmem:s28+$0xD600]  }
0x27c: {  	vm7 =	vlt.s32 v19, s21;
	v19 =	vnsel vm6, $0x0, v48;
	vm6 =	vlt.s32 v40, s21;
	v40 =	vld [tilespmem:s28+$0xD630]  }
0x27d: {  	v34 =	vld.idx.msk [tilespmem:v1+s5+$0x0], $0xffff  }
0x27e: {  	v1 =	vld.idx.msk [tilespmem:v6+s5+$0x0], $0xffff  }
0x27f: {  	v17 =	vadd.f32 v32, v17;
	v32 =	vnsel vm13, $0x0, v56;
	v56 =	vld [tilespmem:$0x1FC00]  }
0x280: {  	vm13 =	vlt.s32 v36, s21;
	v36 =	vld [tilespmem:s28+$0xD5F0]  }
0x281: {  	v32 =	vmul.f32 v32, v57;
	v57 =	vld [tilespmem:$0x1FC10]  }
0x282: {  	v17 =	vadd.f32 v42, v17;
	v42 =	vnsel vm7, $0x0, v52;
	v52 =	vld [tilespmem:$0x1FC80]  }
0x283: {  	[tilespmem:$0x1FB60] =	vst v34;
	v34 =	vld [tilespmem:s28+$0x9450]  }
0x284: {  	vm7 =	vlt.s32 v54, s21;
	v54 =	vld [tilespmem:s28+$0xD660]  }
0x285: {  	v60 =	vld [tilespmem:$0x1FB60]  }
0x286: {  	v12 =	vadd.f32 v32, v12;
	v32 =	vld [tilespmem:$0x1FB90]  }
0x287: {  	v19 =	vmul.f32 v19, v51;
	v51 =	vld [tilespmem:$0x1FC70]  }
0x288: {  	[tilespmem:$0x1FB80] =	vst v34;
	v34 =	vld.idx.msk [tilespmem:v23+s5+$0x0], $0xffff  }
0x289: {  	vm5 =	vlt.s32 v23, s21;
	v23 =	vld [tilespmem:s28+$0xD5C0]  }
0x28a: {  	v39 =	vmul.f32 v39, v60;
	v62 =	vld [tilespmem:$0x1FB80]  }
0x28b: {  	v60 =	vld [tilespmem:$0x1FC40]  }
0x28c: {  	v21 =	vadd.f32 v39, v21;
	v39 =	vld.idx.msk [tilespmem:v38+s5+$0x0], $0xffff  }
0x28d: {  	[tilespmem:$0x1FBB0] =	vst v34;
	v34 =	vld [tilespmem:s28+$0x94A0]  }
0x28e: {  	v47 =	vld [tilespmem:$0x1FBB0]  }
0x28f: {  	v44 =	vnsel vm4, $0x0, v62;
	v62 =	vld [tilespmem:$0x1FC60]  }
0x290: {  	v13 =	vadd.f32 v22, v13;
	v22 =	vmul.f32 v44, v32;
	v32 =	vld.idx.msk [tilespmem:v14+s5+$0x0], $0xffff  }
0x291: {  	vm4 =	vlt.s32 v18, s21;
	v44 =	vld [tilespmem:s28+$0x95B0]  }
0x292: {  	v13 =	vadd.f32 v22, v13;
	v22 =	vnsel vm5, $0x0, v46;
	vm5 =	vlt.s32 v33, s21;
	v33 =	vld [tilespmem:s28+$0xD610]  }
0x293: {  	v4 =	vnsel vm7, $0x0, v4;
	vm7 =	vlt.s32 v3, s21;
	v9 =	vnsel vm4, $0x0, v9;
	[tilespmem:$0x1FC20] =	vst v34;
	v34 =	vld [tilespmem:s28+$0xD4D0]  }
0x294: {  	v22 =	vmul.f32 v22, v47;
	v58 =	vld [tilespmem:$0x1FC20];
	v47 =	vnsel vm13, $0x0, v52;
	vm13 =	vlt.s32 v38, s21  }
0x295: {  	v4 =	vmul.f32 v4, v11;
	v9 =	vmul.f32 v9, v49;
	v49 =	vnsel vm13, $0x0, v24;
	v24 =	vld [tilespmem:s28+$0x9640]  }
0x296: {  	v19 =	vadd.f32 v19, v21;
	v12 =	vadd.f32 v22, v12;
	v22 =	vmul.f32 v42, v55;
	v55 =	vld [tilespmem:$0x1FC90]  }
0x297: {  	vm4 =	vlt.s32 v16, s21;
	vm13 =	vlt.s32 v54, s21;
	v42 =	vnsel vm8, $0x0, v56;
	v56 =	vld [tilespmem:$0x1FCA0]  }
0x298: {  	vm8 =	vlt.s32 v0, s21;
	v0 =	vld [tilespmem:s28+$0x9600];
	v21 =	vmul.f32 v42, v57;
	v42 =	vnsel vm11, $0x0, v61  }
0x299: {  	v57 =	vld [tilespmem:$0x1FCB0];
	v8 =	vnsel vm8, $0x0, v8;
	vm11 =	vlt.s32 v6, s21;
	vm8 =	vlt.s32 v33, s21  }
0x29a: {  	v61 =	vld [tilespmem:s28+$0x95F0];
	v17 =	vadd.f32 v22, v17;
	vm12 =	vlt.s32 v34, s21;
	v42 =	vmul.f32 v42, v51  }
0x29b: {  	v7 =	vmul.f32 v8, v7;
	v51 =	vmul.f32 v49, v39;
	v22 =	vnsel vm9, $0x0, v58;
	v58 =	vld [tilespmem:$0x1FCC0]  }
0x29c: {  	v13 =	vadd.f32 v21, v13;
	v21 =	vnsel vm10, $0x0, v59;
	v48 =	vnsel vm12, $0x0, v63;
	v59 =	vld.idx.msk [tilespmem:v26+s5+$0x0], $0xffff  }
0x29d: {  	v63 =	vld [tilespmem:s28+$0xD620];
	vm9 =	vlt.s32 v30, s21;
	v22 =	vmul.f32 v22, v60;
	v21 =	vmul.f32 v21, v62  }
0x29e: {  	vm10 =	vlt.s32 v2, s21;
	vm12 =	vlt.s32 v14, s21;
	v17 =	vadd.f32 v42, v17;
	v50 =	vld.idx.msk [tilespmem:v34+s5+$0x0], $0xffff  }
0x29f: {  	v30 =	vld.idx.msk [tilespmem:v3+s5+$0x0], $0xffff;
	v12 =	vadd.f32 v22, v12;
	v19 =	vadd.f32 v21, v19;
	v21 =	vmul.f32 v47, v55  }
0x2a0: {  	v2 =	vld [tilespmem:s28+$0x9610];
	v60 =	vnsel vm5, $0x0, v31;
	v62 =	vnsel vm6, $0x0, v15;
	v11 =	vnsel vm9, $0x0, v20  }
0x2a1: {  	vm5 =	vlt.s32 v26, s21;
	v34 =	vld.idx.msk [tilespmem:v23+s5+$0x0], $0xffff;
	v12 =	vadd.f32 v21, v12;
	v21 =	vnsel vm14, $0x0, v56  }
0x2a2: {  	vm6 =	vlt.s32 v36, s21;
	v5 =	vmul.f32 v62, v5;
	v22 =	vld.idx.msk [tilespmem:v16+s5+$0x0], $0xffff;
	v21 =	vmul.f32 v21, v57  }
0x2a3: {  	v8 =	vmul.f32 v11, v27;
	v11 =	vnsel vm10, $0x0, v37;
	v55 =	vld.idx.msk [tilespmem:v40+s5+$0x0], $0xffff;
	v46 =	vmul.f32 v48, v50  }
0x2a4: {  	v10 =	vnsel vm5, $0x0, v10;
	v42 =	vnsel vm15, $0x0, v58;
	v56 =	vld [tilespmem:s28+$0xD670];
	v19 =	vadd.f32 v21, v19  }
0x2a5: {  	v10 =	vmul.f32 v10, v59;
	v59 =	vld [tilespmem:s28+$0x9650];
	v42 =	vmul.f32 v42, v53;
	v13 =	vadd.f32 v46, v13  }
0x2a6: {  	v11 =	vmul.f32 v11, v35;
	v53 =	vld [tilespmem:s28+$0x9630];
	v21 =	vmul.f32 v60, v28;
	v5 =	vadd.f32 v5, v19  }
0x2a7: {  	v0 =	vnsel vm7, $0x0, v0;
	v50 =	vld [tilespmem:s28+$0xD650];
	v17 =	vadd.f32 v42, v17;
	v9 =	vadd.f32 v9, v13  }
0x2a8: {  	vm14 =	vlt.s32 v43, s21;
	v12 =	vadd.f32 v21, v12;
	v5 =	vadd.f32 v11, v5;
	v11 =	vld [tilespmem:s28+$0xD640]  }
0x2a9: {  	v48 =	vld [tilespmem:s28+$0x95D0];
	v4 =	vadd.f32 v4, v17;
	v7 =	vadd.f32 v7, v9;
	v9 =	vnsel vm11, $0x0, v41  }
0x2aa: {  	v28 =	vld.idx.msk [tilespmem:v36+s5+$0x0], $0xffff;
	v8 =	vadd.f32 v8, v12;
	v1 =	vmul.f32 v9, v1;
	v9 =	vnsel vm12, $0x0, v45  }
0x2ab: {  	vm15 =	vlt.s32 v23, s21;
	v52 =	vnsel vm14, $0x0, v44;
	v42 =	vld.idx.msk [tilespmem:v33+s5+$0x0], $0xffff;
	v9 =	vmul.f32 v9, v32  }
0x2ac: {  	v47 =	vld.idx.msk [tilespmem:v63+s5+$0x0], $0xffff;
	v1 =	vadd.f32 v1, v4;
	v4 =	vadd.f32 v51, v8;
	v8 =	vnsel vm15, $0x0, v29  }
0x2ad: {  	v46 =	vld [tilespmem:s28+$0x9620];
	v7 =	vadd.f32 v9, v7;
	v9 =	vmul.f32 v52, v25;
	v8 =	vmul.f32 v8, v34  }
0x2ae: {  	vm10 =	vlt.s32 v40, s21;
	v0 =	vmul.f32 v0, v30;
	v4 =	vadd.f32 v10, v4;
	v10 =	vld [tilespmem:s28+$0x9670]  }
0x2af: {  	v5 =	vadd.f32 v9, v5;
	v9 =	vnsel vm4, $0x0, v48;
	v1 =	vadd.f32 v8, v1;
	v8 =	vld.idx.msk [tilespmem:v50+s5+$0x0], $0xffff  }
0x2b0: {  	vm9 =	vlt.s32 v63, s21;
	v57 =	vnsel vm6, $0x0, v61;
	v9 =	vmul.f32 v9, v22;
	v3 =	vld.idx.msk [tilespmem:v11+s5+$0x0], $0xffff  }
0x2b1: {  	vm14 =	vlt.s32 v56, s21;
	v60 =	vnsel vm10, $0x0, v53;
	vm11 =	vlt.s32 v11, s21;
	v11 =	vld.idx.msk [tilespmem:v56+s5+$0x0], $0xffff  }
0x2b2: {  	v12 =	vmul.f32 v60, v55;
	v6 =	vnsel vm9, $0x0, v46;
	v7 =	vadd.f32 v9, v7;
	v9 =	vld [tilespmem:s28+$0x9660]  }
0x2b3: {  	v6 =	vmul.f32 v6, v47;
	v0 =	vadd.f32 v0, v1;
	v1 =	vnsel vm8, $0x0, v2;
	v2 =	vld.idx.msk [tilespmem:v54+s5+$0x0], $0xffff  }
0x2b4: {  	v58 =	vmul.f32 v57, v28;
	vm12 =	vlt.s32 v50, s21;
	v1 =	vmul.f32 v1, v42  }
0x2b5: {  	v62 =	vnsel vm12, $0x0, v59;
	v61 =	vnsel vm11, $0x0, v24;
	v4 =	vadd.f32 v6, v4  }
0x2b6: {  	v5 =	vadd.f32 v58, v5;
	v63 =	vnsel vm14, $0x0, v10;
	v1 =	vadd.f32 v1, v7  }
0x2b7: {  	v6 =	vmul.f32 v62, v8;
	v3 =	vmul.f32 v61, v3;
	v9 =	vnsel vm13, $0x0, v9  }
0x2b8: {  	v5 =	vadd.f32 v12, v5;
	v7 =	vmul.f32 v63, v11;
	v2 =	vmul.f32 v9, v2  }
0x2b9: {  	v1 =	vadd.f32 v6, v1;
	v0 =	vadd.f32 v3, v0  }
0x2ba: {  	v3 =	vadd.f32 v7, v5;
	v2 =	vadd.f32 v2, v4;
	_ =	sdelay $0x1  }
0x2bb: {  	v0 =	vadd.f32 v1, v0;
	v1 =	vadd.f32 v3, v2;
	_ =	sdelay $0x1  }
0x2bc: {  	v0 =	vadd.f32 v1, v0;
	_ =	sdelay $0x1  }
0x2bd: {  	v1 =	vmul.f32 $-4.900000100e+00, v0;
	_ =	sdelay $0x1  }
0x2be: {  	v1 =	vmul.f32 $1.442695020e+00, v1;
	_ =	sdelay $0x1  }
0x2bf: {  	(erf) = vpow2.f32 v1;
	_ =	sdelay $0x8  }
0x2c0: {  	v1 =	vpop (erf)  }
0x2c1: {  	v1 =	vadd.f32 $1.000000000e+00, v1;
	_ =	sdelay $0x1  }
0x2c2: {  	(erf) = vrcp.f32 v1;
	_ =	sdelay $0x3  }
0x2c3: {  	s0 =	sand.u32 $0xF, s22;
	v27 =	vlaneseq.u32  }
0x2c4: {  	s3 =	sshra.s32 s22, $0x1F;
	p0 =	slt.s32 s22, $0x1;
	p1 =	sne.s32 s0, $0x0;
	v1 =	vadd.s32 s21, v27  }
0x2c5: {  	s31 =	sshrl.u32 s3, $0x1C;
	p0 =	por !p0, !p1  }
0x2c6: {  	s3 =	simm.s32 $0x1;
	s0 =	sadd.s32 s31, s22;
	p0 =	por !p0, !p0  }
0x2c7: {  	s0 =	sshrl.u32 s0, $0x4;
	s3 =	simm.s32 @!p0 $0x0  }
0x2c8: {  	s0 =	ssub.s32 s0, s3;
	v2 =	vpop (erf)  }
0x2c9: {  	s0 =	sshll.u32 s0, $0x4;
	[tilespmem:v1+s5+$0x0] =	vst.idx.msk $0xffff, v2  }
0x2ca: {  	v2 =	vld [tilespmem:s0+$0x11280];
	_ =	sdelay $0x1  }
0x2cb: {  	s0 =	ssub.s32 s22, s0  }
0x2cc: {  	v3 =	vmov s0  }
0x2cd: {  	vm15 =	veq.s32 v3, v27  }
0x2ce: {  	v2 =	vnsel vm15, $0x0, v2  }
0x2cf: {  	(xrf0) =	vadd.scan.msk.s32 $0xffff, v2;
	_ =	sdelay $0x5  }
0x2d0: {  	v2, _, _ =	vpop (xrf0)  }
0x2d1: {  	(v2sf) =	vpush v2, $0xF;
	_ =	sdelay $0xe  }
0x2d2: {  	s28 =	spop (v2sf)  }
0x2d3: {  	p0 =	slt.s32 s28, $0x1  }
.Ltmp18:
0x2d4: {  	_ = 	snop;
	(pc) =	sbr.rel @p0 .LBB2_27-.Ltmp18, $2  }
0x2d5: {  	_ =	sdelay $0x2  }
0x2d6: {  	v11 =	vimm.s32 $0x0  }
0x2d7: {  	s0 =	sshll.u32 s28, $0x6  }
0x2d8: {  	s0 =	ssub.s32 $0x0, s0  }
0x2d9: {  	s0 =	sshra.s32 s0, $0x2  }
0x2da: {  	v2 =	vmov s21;
	s29 =	sadd.s32 s0, s25;
	s30 =	sadd.s32 s0, s26  }
.LBB2_20:
0x2db: {  	p1 =	sne.s32 s28, $0x1  }
.Ltmp19:
0x2dc: {  	_ = 	snop;
	(pc) =	sbr.rel @!p1 .LBB2_21-.Ltmp19, $3  }
0x2dd: {  	_ =	sdelay $0x1  }
0x2de: {  	v4 =	vld [tilespmem:s29+$0x0]  }
0x2df: {  	v3 =	vld.idx.msk [tilespmem:v1+s5+$0x0], $0xffff;
	s0 =	sadd.s32 $0xFFFFFFFF, s28;
	p0 =	por $0x0, $0x0  }
0x2e0: {  	_ =	sdelay $0x1  }
0x2e1: {  	p1 =	sne.s32 s0, $0x1  }
.Ltmp20:
0x2e2: {  	_ = 	snop;
	(pc) =	sbr.rel @!p1 .LBB2_23-.Ltmp20, $4  }
0x2e3: {  	_ = 	snop  }
0x2e4: {  	s3 =	sadd.s32 $0x10, s29  }
0x2e5: {  	v7 =	vld [tilespmem:s3+$0x0]  }
0x2e6: {  	s9 =	sadd.s32 $0xFFFFFFFF, s0;
	p0 =	por $0x1, $0x1;
	s0 =	smov.u32 s30;
	v5 =	vmov v0;
	v6 =	vld.idx.msk [tilespmem:v4+s5+$0x0], $0xffff  }
.LBB2_24:
0x2e7: {  	p1 =	sne.s32 s9, $0x1;
	v8 =	vld [tilespmem:s0+$0x0];
	_ =	sdelay $0x2  }
0x2e8: {  	vm0 =	vlt.s32 v4, v1  }
.Ltmp21:
0x2e9: {  	v6 =	vnsel vm0, $0x3F800000, v6;
	(pc) =	sbr.rel @p1 .LBB2_24-.Ltmp21, $4  }
0x2ea: {  	v8 =	vmul.f32 v6, v8  }
0x2eb: {  	vm0 =	vlt.s32 v4, v2;
	v4 =	vmov v7  }
0x2ec: {  	s3 =	sadd.s32 $0x10, s3;
	v6 =	vld.idx.msk [tilespmem:v7+s5+$0x0], $0xffff;
	v8 =	vsel vm0, $0x0, v8  }
0x2ed: {  	s9 =	sadd.s32 $0xFFFFFFFF, s9;
	s0 =	sadd.s32 $0x10, s0;
	v7 =	vld [tilespmem:s3+$0x0];
	v5 =	vadd.f32 v8, v5  }
0x2ee: {  	_ =	sdelay $0x3  }
0x2ef: {  	v8 =	vmov v4;
	v4 =	vmov v7  }
.LBB2_26:
0x2f0: {  	_ =	sdelay $0x1  }
0x2f1: {  	v7 =	vld @p0 [tilespmem:s0+$0x0]  }
0x2f2: {  	s0 =	sadd.s32 @p0 $0x10, s0;
	s3 =	smov.u32 s30  }
0x2f3: {  	v9 =	vld.idx.msk [tilespmem:v4+s5+$0x0], $0xffff;
	s3 =	smov.u32 @p0 s0  }
0x2f4: {  	vm0 =	vlt.s32 @p0 v8, v1;
	v10 =	vld [tilespmem:s3+$0x0]  }
0x2f5: {  	v6 =	vnsel @p0 vm0, $0x3F800000, v6  }
0x2f6: {  	v6 =	vmul.f32 @p0 v6, v7  }
0x2f7: {  	vm1 =	vlt.s32 v4, v1;
	vm0 =	vlt.s32 @p0 v8, v2  }
0x2f8: {  	v60 =	vnsel vm1, $0x3F800000, v9;
	v6 =	vsel @p0 vm0, $0x0, v6  }
0x2f9: {  	v61 =	vmul.f32 v60, v10;
	v5 =	vadd.f32 @p0 v6, v5  }
0x2fa: {  	vm13 =	vlt.s32 v4, v2  }
0x2fb: {  	v63 =	vsel vm13, $0x0, v61;
	v62 =	vpsel p0, v5, v0  }
0x2fc: {  	v4 =	vadd.f32 v63, v62;
	_ =	sdelay $0x1  }
0x2fd: {  	v4 =	vmul.f32 $-4.900000100e+00, v4;
	_ =	sdelay $0x1  }
0x2fe: {  	v4 =	vmul.f32 $1.442695020e+00, v4;
	_ =	sdelay $0x1  }
0x2ff: {  	(erf) = vpow2.f32 v4;
	_ =	sdelay $0x8  }
0x300: {  	v4 =	vpop (erf)  }
0x301: {  	v4 =	vadd.f32 $1.000000000e+00, v4;
	_ =	sdelay $0x1  }
0x302: {  	(erf) = vrcp.f32 v4;
	_ =	sdelay $0x8  }
0x303: {  	v4 =	vpop (erf)  }
0x304: {  	vm14 =	vlt.f32 v4, v3;
	vm15 =	vgt.f32 v4, v3  }
0x305: {  	vm0 =	vmor vm15, vm14  }
0x306: {  	v3 =	vsel vm0, $0x1, v11  }
0x307: {  	(xrf0) =	vadd.scan.msk.s32 $0xffff, v3;
	_ =	sdelay $0x5  }
0x308: {  	v3, _, _ =	vpop (xrf0)  }
0x309: {  	(v2sf) =	vpush v3, $0xF;
	_ =	sdelay $0xe  }
0x30a: {  	s31 =	spop (v2sf)  }
0x30b: {  	p0 =	sgt.s32 s31, $0x0  }
.Ltmp22:
0x30c: {  	_ = 	snop;
	(pc) =	sbr.rel @p0 .LBB2_20-.Ltmp22, $4  }
.Ltmp23:
0x30d: {  	_ = 	snop;
	(pc) =	sbr.rel @!p0 .LBB2_27-.Ltmp23, $4  }
0x30e: {  	_ = 	snop  }
0x30f: {  	_ = 	snop  }
0x310: {  	[tilespmem:v1+s5+$0x0] =	vst.idx.msk $0xffff, v4  }
0x311: {  	_ = 	snop  }
.LBB2_21:
.Ltmp24:
0x312: {  	(pc) =	sbr.rel .LBB2_26-.Ltmp24, $2  }
0x313: {  	_ =	sdelay $0x2  }
0x314: {  	s0 =	smov.u32 s30;
	v5 =	vmov v0  }
.LBB2_23:
.Ltmp25:
0x315: {  	(pc) =	sbr.rel .LBB2_26-.Ltmp25, $2  }
0x316: {  	_ =	sdelay $0x2  }
0x317: {  	v8 =	vmov v4;
	s0 =	smov.u32 s30;
	v5 =	vmov v0;
	v4 =	vmov v7  }
.LBB2_29:
0x318: {  	_ =	sfence.sel $0x180000  }
0x319: {  	[bflag:$0x0] =	sbarrier.arrive $0xFFFF  }
0x31a: {  	_ =	strace $0x90000047  }
0x31b: {  	s0 =	stileid.u32;
	[bflag:$0x2] =	sbarrier.arrive $0xFFFF  }
0x31c: {  	p0 =	sne.s32 s0, $0x0;
	s0 =	rddreg [dreg:$0x3]  }
0x31d: {  	s0 =	sadd.s32 @!p0 $0x100000, s0  }
0x31e: {  	[sflag:s0] =	ssyncadd.tile.s32 @!p0 $0x1;
	_ =	shalt  }
.Lfunc_end2:
_tile_overlayer_lowered:
.L_overlay_start_2:
0x31f: {  	(tag) =	ssettag $0x2  }
0x320: {  	s0 =	rddreg [dreg:$0x0];
	s2 =	stileid.u32  }
0x321: {  	s1 =	rddreg [dreg:$0x1];
	p0 =	sne.s32 s2, $0x0  }
0x322: {  	s3 =	rddreg [dreg:$0x2];
	[bflag:$0x3] =	sbarrier.arrive $0xFFFF;
	s2 =	simm.s32 @!p0 $0x1C05  }
0x323: {  	[timem:s3], [sflag:s2] =	dma.local @!p0 [hbm:s0], s1  }
0x324: {  	s0 =	simm.s32 @!p0 $0x5  }
0x325: {  	_ =	swait.ge @!p0 [sflag:s0], s1  }
0x326: {  	s1 =	ssub.s32 @!p0 $0x0, s1;
	[sflag:s0] =	ssyncset.done @!p0 $0x0  }
0x327: {  	[sflag:s0] =	ssyncadd.s32 @!p0 s1  }
0x328: {  	[bflag:$0x3] =	sbarrier.arrive $0xFFFF  }
0x329: {  	_ =	shalt  }

</sc_bundles>
